<compile_context>
chip_gen: v7x
topology: tpu7x:2x2x1
jax: 0.10.2.dev20260603
libtpu: 0.0.44.dev20260713+nightly
codegen_flags: <defaults>
</compile_context>

<pallas_src>
import functools

import jax
import jax.numpy as jnp
from jax import lax
from jax.experimental import pallas as pl
from jax.experimental.pallas import tpu as pltpu
from jax.experimental.pallas import tpu_sc as plsc

NC, NS = 2, 16
NW = NC * NS
L = 128
GROUP = 8
D = 32


@functools.partial(jax.jit, static_argnames=("n_rows",))
def _emb_gather(x_rows, table, n_rows):
    rows_per_w = n_rows // NW
    steps = rows_per_w // GROUP
    assert steps % 2 == 0 and steps >= 4

    mesh = plsc.VectorSubcoreMesh(
        core_axis_name="c", subcore_axis_name="s",
        num_cores=NC, num_subcores=NS,
    )

    @functools.partial(
        pl.kernel,
        out_type=jax.ShapeDtypeStruct((n_rows, L, D), jnp.float32),
        mesh=mesh,
        scratch_types=[
            pltpu.VMEM((2, GROUP, L), jnp.int32),
            pltpu.VMEM((2, GROUP, L, D), jnp.float32),
            pltpu.SemaphoreType.DMA,
            pltpu.SemaphoreType.DMA,
            pltpu.SemaphoreType.DMA,
            pltpu.SemaphoreType.DMA,
        ],
        compiler_params=pltpu.CompilerParams(use_tc_tiling_on_sc=False),
    )
    def k(idx_hbm, table_hbm, out_hbm, idx_v, rows_v, sem_idx, sem_g,
          sem_o0, sem_o1):
        wid = lax.axis_index("s") * NC + lax.axis_index("c")
        base = wid * rows_per_w
        sem_o = (sem_o0, sem_o1)

        def load_idx(g, b):
            pltpu.async_copy(
                idx_hbm.at[pl.ds(base + g * GROUP, GROUP)], idx_v.at[b],
                sem_idx)

        def wait_idx(b):
            pltpu.make_async_copy(
                idx_hbm.at[pl.ds(base, GROUP)], idx_v.at[b], sem_idx).wait()

        def run_gathers(b):
            copies = [
                pltpu.async_copy(
                    table_hbm.at[idx_v.at[b].at[j]], rows_v.at[b].at[j],
                    sem_g)
                for j in range(GROUP)
            ]
            return copies

        def start_out(g, b):
            pltpu.async_copy(
                rows_v.at[b], out_hbm.at[pl.ds(base + g * GROUP, GROUP)],
                sem_o[b])

        def wait_out(b):
            pltpu.make_async_copy(
                rows_v.at[b], out_hbm.at[pl.ds(base, GROUP)], sem_o[b]).wait()

        pltpu.sync_copy(idx_hbm.at[pl.ds(base, GROUP)], idx_v.at[0])
        g0 = run_gathers(0)
        load_idx(1, 1)
        for c in g0:
            c.wait()
        start_out(0, 0)

        wait_idx(1)
        g1 = run_gathers(1)
        load_idx(2, 0)
        for c in g1:
            c.wait()
        start_out(1, 1)

        def body(o, carry):
            g = 2 * o
            wait_idx(0)
            wait_out(0)
            ge = run_gathers(0)
            load_idx(g + 1, 1)
            for c in ge:
                c.wait()
            start_out(g, 0)
            wait_idx(1)
            wait_out(1)
            go = run_gathers(1)
            load_idx(jnp.minimum(g + 2, steps - 1), 0)
            for c in go:
                c.wait()
            start_out(g + 1, 1)
            return carry

        lax.fori_loop(1, steps // 2, body, 0, unroll=False)

        wait_idx(0)
        wait_out(0)
        wait_out(1)

    return k(x_rows, table)


def kernel(x, table):
    b, s, h = x.shape
    n = b * s * h
    x_rows = x.reshape(n // L, L).astype(jnp.int32)
    out = _emb_gather(x_rows, table, n // L)
    return out.reshape(b, s, h * D)

# --- scband reference (transcript-rebuilt; emitter-appended) ---
"""Pipeline reference for scband-nonogram-emb-45440753991738 (READ-ONLY COPY).

The authoritative reference and input builder live on the scoring server;
editing this copy changes nothing except your own understanding.
"""

import jax, jax.numpy as jnp
import numpy as np

VOCAB = 1000000
EMB_DIM = 32  # n_embd // (2 * max_num_per_hint) = 1024 // 32
B, S, H = 1024, 50, 32

def setup_inputs(seed: int = 0) -> dict:
    key = jax.random.key(seed)
    k1, k2 = jax.random.split(key)
    x = jax.random.randint(k1, (B, S, H), 0, VOCAB, dtype=jnp.int64)
    table = jax.random.normal(k2, (VOCAB, EMB_DIM), dtype=jnp.float32) * 0.02
    return {"x": x, "table": table}

def reference(x, table):
    batch_size, block_size = x.shape[0], x.shape[1]
    emb = jnp.take(table, x, axis=0)  # [B, S, H, EMB_DIM]
    return emb.reshape(batch_size, block_size, -1)  # [B, S, H*EMB_DIM] = [B, S, 1024]

if __name__ == "__main__":
    import jax
    _d = setup_inputs()
    print(jax.jit(kernel)(*tuple(_d.values())))

</pallas_src>

<mosaic_0001>
#map = affine_map<(d0, d1) -> (0, 0)>
#map1 = affine_map<(d0, d1) -> (0, 0, 0)>
module attributes {stable_mosaic.version = 14 : i64} {
  func.func @k(%arg0: i32, %arg1: i32, %arg2: memref<12800x128xi32, #tpu.memory_space<hbm>>, %arg3: memref<1000000x32xf32, #tpu.memory_space<hbm>>, %arg4: memref<12800x128x32xf32, #tpu.memory_space<hbm>>, %arg5: memref<2x8x128xi32, #tpu.memory_space<vmem>>, %arg6: memref<2x8x128x32xf32, #tpu.memory_space<vmem>>, %arg7: memref<!tpu.dma_semaphore, #tpu.memory_space<semaphore_mem>>, %arg8: memref<!tpu.dma_semaphore, #tpu.memory_space<semaphore_mem>>, %arg9: memref<!tpu.dma_semaphore, #tpu.memory_space<semaphore_mem>>, %arg10: memref<!tpu.dma_semaphore, #tpu.memory_space<semaphore_mem>>) attributes {dimension_semantics = [#tpu.dimension_semantics<core_parallel>, #tpu.dimension_semantics<subcore_parallel>], iteration_bounds = array<i64: 2, 16>, scalar_prefetch = 0 : i64, scratch_operands = 6 : i64, tpu.core_type = #tpu.core_type<sc_vector_subcore>, window_params = [{transform_indices = #map}, {transform_indices = #map}, {transform_indices = #map1}]} {
    %mul3A = arith.constant 2 : i32
    %mul3A_0 = arith.muli %arg1, %mul3A : i32
    %add3A = arith.addi %mul3A_0, %arg0 : i32
    %mul3A_1 = arith.constant 400 : i32
    %mul3A_2 = arith.muli %add3A, %mul3A_1 : i32
    %run_scoped3A = arith.constant 0 : i32
    "tpu.region"() ({
      %run_scoped3A_870 = tpu.sem_alloc : memref<!tpu.dma_semaphore, #tpu.memory_space<semaphore_mem>>
      %dma_start3A_871 = arith.constant 0 : i32
      %dma_start3A_872 = arith.constant 0 : i32
      %dma_start3A_873 = tpu.memref_slice %arg5[%run_scoped3A, %dma_start3A_871, %dma_start3A_872] : memref<2x8x128xi32, #tpu.memory_space<vmem>> -> memref<1x8x128xi32, #tpu.memory_space<vmem>>
      %dma_start3A_874 = tpu.memref_squeeze %dma_start3A_873 : memref<1x8x128xi32, #tpu.memory_space<vmem>> -> memref<8x128xi32, #tpu.memory_space<vmem>>
      %dma_start3A_875 = arith.constant 0 : i32
      %dma_start3A_876 = tpu.memref_slice %arg2[%mul3A_2, %dma_start3A_875] : memref<12800x128xi32, #tpu.memory_space<hbm>> -> memref<8x128xi32, #tpu.memory_space<hbm>>
      %dma_start3A_877 = arith.constant 0 : i32
      %dma_start3A_878 = arith.constant 0 : i32
      %dma_start3A_879 = tpu.memref_slice %arg5[%run_scoped3A, %dma_start3A_877, %dma_start3A_878] : memref<2x8x128xi32, #tpu.memory_space<vmem>> -> memref<1x8x128xi32, #tpu.memory_space<vmem>>
      %dma_start3A_880 = tpu.memref_squeeze %dma_start3A_879 : memref<1x8x128xi32, #tpu.memory_space<vmem>> -> memref<8x128xi32, #tpu.memory_space<vmem>>
      %dma_start3A_881 = arith.constant 0 : i32
      %dma_start3A_882 = tpu.memref_slice %arg2[%mul3A_2, %dma_start3A_881] : memref<12800x128xi32, #tpu.memory_space<hbm>> -> memref<8x128xi32, #tpu.memory_space<hbm>>
      tpu.enqueue_dma source(%dma_start3A_882 : memref<8x128xi32, #tpu.memory_space<hbm>>) target(%dma_start3A_880 : memref<8x128xi32, #tpu.memory_space<vmem>>) target_semaphore(%run_scoped3A_870 : memref<!tpu.dma_semaphore, #tpu.memory_space<semaphore_mem>>)
      %dma_wait3A_883 = arith.constant 0 : i32
      %dma_wait3A_884 = arith.constant 0 : i32
      %dma_wait3A_885 = tpu.memref_slice %arg5[%run_scoped3A, %dma_wait3A_883, %dma_wait3A_884] : memref<2x8x128xi32, #tpu.memory_space<vmem>> -> memref<1x8x128xi32, #tpu.memory_space<vmem>>
      %dma_wait3A_886 = tpu.memref_squeeze %dma_wait3A_885 : memref<1x8x128xi32, #tpu.memory_space<vmem>> -> memref<8x128xi32, #tpu.memory_space<vmem>>
      %dma_wait3A_887 = arith.constant 0 : i32
      %dma_wait3A_888 = tpu.memref_slice %arg2[%mul3A_2, %dma_wait3A_887] : memref<12800x128xi32, #tpu.memory_space<hbm>> -> memref<8x128xi32, #tpu.memory_space<hbm>>
      %dma_wait3A_889 = arith.constant 0 : i32
      %dma_wait3A_890 = arith.constant 0 : i32
      %dma_wait3A_891 = tpu.memref_slice %arg5[%run_scoped3A, %dma_wait3A_889, %dma_wait3A_890] : memref<2x8x128xi32, #tpu.memory_space<vmem>> -> memref<1x8x128xi32, #tpu.memory_space<vmem>>
      %dma_wait3A_892 = tpu.memref_squeeze %dma_wait3A_891 : memref<1x8x128xi32, #tpu.memory_space<vmem>> -> memref<8x128xi32, #tpu.memory_space<vmem>>
      %dma_wait3A_893 = arith.constant 0 : i32
      %dma_wait3A_894 = tpu.memref_slice %arg2[%mul3A_2, %dma_wait3A_893] : memref<12800x128xi32, #tpu.memory_space<hbm>> -> memref<8x128xi32, #tpu.memory_space<hbm>>
      tpu.wait_dma2 semaphore(%run_scoped3A_870 : memref<!tpu.dma_semaphore, #tpu.memory_space<semaphore_mem>>) src(%dma_wait3A_894 : memref<8x128xi32, #tpu.memory_space<hbm>>) dst(%dma_wait3A_892 : memref<8x128xi32, #tpu.memory_space<vmem>>)
      tpu.yield
    }) : () -> ()
    %dma_start3A = arith.constant 0 : i32
    %dma_start3A_3 = arith.constant 0 : i32
    %dma_start3A_4 = arith.constant 0 : i32
    %dma_start3A_5 = arith.constant 0 : i32
    %dma_start3A_6 = arith.constant 0 : i32
    %dma_start3A_7 = arith.constant 0 : i32
    %dma_start3A_8 = arith.constant 0 : i32
    %dma_start3A_9 = tpu.memref_slice %arg6[%dma_start3A_4, %dma_start3A_6, %dma_start3A_7, %dma_start3A_8] : memref<2x8x128x32xf32, #tpu.memory_space<vmem>> -> memref<1x8x128x32xf32, #tpu.memory_space<vmem>>
    %dma_start3A_10 = tpu.memref_squeeze %dma_start3A_9 : memref<1x8x128x32xf32, #tpu.memory_space<vmem>> -> memref<8x128x32xf32, #tpu.memory_space<vmem>>
    %dma_start3A_11 = arith.constant 0 : i32
    %dma_start3A_12 = arith.constant 0 : i32
    %dma_start3A_13 = tpu.memref_slice %dma_start3A_10[%dma_start3A_5, %dma_start3A_11, %dma_start3A_12] : memref<8x128x32xf32, #tpu.memory_space<vmem>> -> memref<1x128x32xf32, #tpu.memory_space<vmem>>
    %dma_start3A_14 = tpu.memref_squeeze %dma_start3A_13 : memref<1x128x32xf32, #tpu.memory_space<vmem>> -> memref<128x32xf32, #tpu.memory_space<vmem>>
    %dma_start3A_15 = arith.constant 0 : i32
    %dma_start3A_16 = arith.constant 0 : i32
    %dma_start3A_17 = tpu.memref_slice %arg5[%dma_start3A, %dma_start3A_15, %dma_start3A_16] : memref<2x8x128xi32, #tpu.memory_space<vmem>> -> memref<1x8x128xi32, #tpu.memory_space<vmem>>
    %dma_start3A_18 = tpu.memref_squeeze %dma_start3A_17 : memref<1x8x128xi32, #tpu.memory_space<vmem>> -> memref<8x128xi32, #tpu.memory_space<vmem>>
    %dma_start3A_19 = arith.constant 0 : i32
    %dma_start3A_20 = tpu.memref_slice %dma_start3A_18[%dma_start3A_3, %dma_start3A_19] : memref<8x128xi32, #tpu.memory_space<vmem>> -> memref<1x128xi32, #tpu.memory_space<vmem>>
    %dma_start3A_21 = tpu.memref_squeeze %dma_start3A_20 : memref<1x128xi32, #tpu.memory_space<vmem>> -> memref<128xi32, #tpu.memory_space<vmem>>
    %dma_start3A_22 = arith.constant 0 : i32
    %dma_start3A_23 = arith.constant 0 : i32
    %dma_start3A_24 = tpu.memref_slice %arg3[%dma_start3A_22, %dma_start3A_23] : memref<1000000x32xf32, #tpu.memory_space<hbm>> -> memref<1000000x32xf32, #tpu.memory_space<hbm>>
    tpu.enqueue_indirect_dma source(%dma_start3A_24 : memref<1000000x32xf32, #tpu.memory_space<hbm>>) target(%dma_start3A_14 : memref<128x32xf32, #tpu.memory_space<vmem>>) offsets(%dma_start3A_21 : memref<128xi32, #tpu.memory_space<vmem>>) semaphore(%arg8 : memref<!tpu.dma_semaphore, #tpu.memory_space<semaphore_mem>>)
    %dma_start3A_25 = arith.constant 0 : i32
    %dma_start3A_26 = arith.constant 1 : i32
    %dma_start3A_27 = arith.constant 0 : i32
    %dma_start3A_28 = arith.constant 1 : i32
    %dma_start3A_29 = arith.constant 0 : i32
    %dma_start3A_30 = arith.constant 0 : i32
    %dma_start3A_31 = arith.constant 0 : i32
    %dma_start3A_32 = tpu.memref_slice %arg6[%dma_start3A_27, %dma_start3A_29, %dma_start3A_30, %dma_start3A_31] : memref<2x8x128x32xf32, #tpu.memory_space<vmem>> -> memref<1x8x128x32xf32, #tpu.memory_space<vmem>>
    %dma_start3A_33 = tpu.memref_squeeze %dma_start3A_32 : memref<1x8x128x32xf32, #tpu.memory_space<vmem>> -> memref<8x128x32xf32, #tpu.memory_space<vmem>>
    %dma_start3A_34 = arith.constant 0 : i32
    %dma_start3A_35 = arith.constant 0 : i32
    %dma_start3A_36 = tpu.memref_slice %dma_start3A_33[%dma_start3A_28, %dma_start3A_34, %dma_start3A_35] : memref<8x128x32xf32, #tpu.memory_space<vmem>> -> memref<1x128x32xf32, #tpu.memory_space<vmem>>
    %dma_start3A_37 = tpu.memref_squeeze %dma_start3A_36 : memref<1x128x32xf32, #tpu.memory_space<vmem>> -> memref<128x32xf32, #tpu.memory_space<vmem>>
    %dma_start3A_38 = arith.constant 0 : i32
    %dma_start3A_39 = arith.constant 0 : i32
    %dma_start3A_40 = tpu.memref_slice %arg5[%dma_start3A_25, %dma_start3A_38, %dma_start3A_39] : memref<2x8x128xi32, #tpu.memory_space<vmem>> -> memref<1x8x128xi32, #tpu.memory_space<vmem>>
    %dma_start3A_41 = tpu.memref_squeeze %dma_start3A_40 : memref<1x8x128xi32, #tpu.memory_space<vmem>> -> memref<8x128xi32, #tpu.memory_space<vmem>>
    %dma_start3A_42 = arith.constant 0 : i32
    %dma_start3A_43 = tpu.memref_slice %dma_start3A_41[%dma_start3A_26, %dma_start3A_42] : memref<8x128xi32, #tpu.memory_space<vmem>> -> memref<1x128xi32, #tpu.memory_space<vmem>>
    %dma_start3A_44 = tpu.memref_squeeze %dma_start3A_43 : memref<1x128xi32, #tpu.memory_space<vmem>> -> memref<128xi32, #tpu.memory_space<vmem>>
    %dma_start3A_45 = arith.constant 0 : i32
    %dma_start3A_46 = arith.constant 0 : i32
    %dma_start3A_47 = tpu.memref_slice %arg3[%dma_start3A_45, %dma_start3A_46] : memref<1000000x32xf32, #tpu.memory_space<hbm>> -> memref<1000000x32xf32, #tpu.memory_space<hbm>>
    tpu.enqueue_indirect_dma source(%dma_start3A_47 : memref<1000000x32xf32, #tpu.memory_space<hbm>>) target(%dma_start3A_37 : memref<128x32xf32, #tpu.memory_space<vmem>>) offsets(%dma_start3A_44 : memref<128xi32, #tpu.memory_space<vmem>>) semaphore(%arg8 : memref<!tpu.dma_semaphore, #tpu.memory_space<semaphore_mem>>)
    %dma_start3A_48 = arith.constant 0 : i32
    %dma_start3A_49 = arith.constant 2 : i32
    %dma_start3A_50 = arith.constant 0 : i32
    %dma_start3A_51 = arith.constant 2 : i32
    %dma_start3A_52 = arith.constant 0 : i32
    %dma_start3A_53 = arith.constant 0 : i32
    %dma_start3A_54 = arith.constant 0 : i32
    %dma_start3A_55 = tpu.memref_slice %arg6[%dma_start3A_50, %dma_start3A_52, %dma_start3A_53, %dma_start3A_54] : memref<2x8x128x32xf32, #tpu.memory_space<vmem>> -> memref<1x8x128x32xf32, #tpu.memory_space<vmem>>
    %dma_start3A_56 = tpu.memref_squeeze %dma_start3A_55 : memref<1x8x128x32xf32, #tpu.memory_space<vmem>> -> memref<8x128x32xf32, #tpu.memory_space<vmem>>
    %dma_start3A_57 = arith.constant 0 : i32
    %dma_start3A_58 = arith.constant 0 : i32
    %dma_start3A_59 = tpu.memref_slice %dma_start3A_56[%dma_start3A_51, %dma_start3A_57, %dma_start3A_58] : memref<8x128x32xf32, #tpu.memory_space<vmem>> -> memref<1x128x32xf32, #tpu.memory_space<vmem>>
    %dma_start3A_60 = tpu.memref_squeeze %dma_start3A_59 : memref<1x128x32xf32, #tpu.memory_space<vmem>> -> memref<128x32xf32, #tpu.memory_space<vmem>>
    %dma_start3A_61 = arith.constant 0 : i32
    %dma_start3A_62 = arith.constant 0 : i32
    %dma_start3A_63 = tpu.memref_slice %arg5[%dma_start3A_48, %dma_start3A_61, %dma_start3A_62] : memref<2x8x128xi32, #tpu.memory_space<vmem>> -> memref<1x8x128xi32, #tpu.memory_space<vmem>>
    %dma_start3A_64 = tpu.memref_squeeze %dma_start3A_63 : memref<1x8x128xi32, #tpu.memory_space<vmem>> -> memref<8x128xi32, #tpu.memory_space<vmem>>
    %dma_start3A_65 = arith.constant 0 : i32
    %dma_start3A_66 = tpu.memref_slice %dma_start3A_64[%dma_start3A_49, %dma_start3A_65] : memref<8x128xi32, #tpu.memory_space<vmem>> -> memref<1x128xi32, #tpu.memory_space<vmem>>
    %dma_start3A_67 = tpu.memref_squeeze %dma_start3A_66 : memref<1x128xi32, #tpu.memory_space<vmem>> -> memref<128xi32, #tpu.memory_space<vmem>>
    %dma_start3A_68 = arith.constant 0 : i32
    %dma_start3A_69 = arith.constant 0 : i32
    %dma_start3A_70 = tpu.memref_slice %arg3[%dma_start3A_68, %dma_start3A_69] : memref<1000000x32xf32, #tpu.memory_space<hbm>> -> memref<1000000x32xf32, #tpu.memory_space<hbm>>
    tpu.enqueue_indirect_dma source(%dma_start3A_70 : memref<1000000x32xf32, #tpu.memory_space<hbm>>) target(%dma_start3A_60 : memref<128x32xf32, #tpu.memory_space<vmem>>) offsets(%dma_start3A_67 : memref<128xi32, #tpu.memory_space<vmem>>) semaphore(%arg8 : memref<!tpu.dma_semaphore, #tpu.memory_space<semaphore_mem>>)
    %dma_start3A_71 = arith.constant 0 : i32
    %dma_start3A_72 = arith.constant 3 : i32
    %dma_start3A_73 = arith.constant 0 : i32
    %dma_start3A_74 = arith.constant 3 : i32
    %dma_start3A_75 = arith.constant 0 : i32
    %dma_start3A_76 = arith.constant 0 : i32
    %dma_start3A_77 = arith.constant 0 : i32
    %dma_start3A_78 = tpu.memref_slice %arg6[%dma_start3A_73, %dma_start3A_75, %dma_start3A_76, %dma_start3A_77] : memref<2x8x128x32xf32, #tpu.memory_space<vmem>> -> memref<1x8x128x32xf32, #tpu.memory_space<vmem>>
    %dma_start3A_79 = tpu.memref_squeeze %dma_start3A_78 : memref<1x8x128x32xf32, #tpu.memory_space<vmem>> -> memref<8x128x32xf32, #tpu.memory_space<vmem>>
    %dma_start3A_80 = arith.constant 0 : i32
    %dma_start3A_81 = arith.constant 0 : i32
    %dma_start3A_82 = tpu.memref_slice %dma_start3A_79[%dma_start3A_74, %dma_start3A_80, %dma_start3A_81] : memref<8x128x32xf32, #tpu.memory_space<vmem>> -> memref<1x128x32xf32, #tpu.memory_space<vmem>>
    %dma_start3A_83 = tpu.memref_squeeze %dma_start3A_82 : memref<1x128x32xf32, #tpu.memory_space<vmem>> -> memref<128x32xf32, #tpu.memory_space<vmem>>
    %dma_start3A_84 = arith.constant 0 : i32
    %dma_start3A_85 = arith.constant 0 : i32
    %dma_start3A_86 = tpu.memref_slice %arg5[%dma_start3A_71, %dma_start3A_84, %dma_start3A_85] : memref<2x8x128xi32, #tpu.memory_space<vmem>> -> memref<1x8x128xi32, #tpu.memory_space<vmem>>
    %dma_start3A_87 = tpu.memref_squeeze %dma_start3A_86 : memref<1x8x128xi32, #tpu.memory_space<vmem>> -> memref<8x128xi32, #tpu.memory_space<vmem>>
    %dma_start3A_88 = arith.constant 0 : i32
    %dma_start3A_89 = tpu.memref_slice %dma_start3A_87[%dma_start3A_72, %dma_start3A_88] : memref<8x128xi32, #tpu.memory_space<vmem>> -> memref<1x128xi32, #tpu.memory_space<vmem>>
    %dma_start3A_90 = tpu.memref_squeeze %dma_start3A_89 : memref<1x128xi32, #tpu.memory_space<vmem>> -> memref<128xi32, #tpu.memory_space<vmem>>
    %dma_start3A_91 = arith.constant 0 : i32
    %dma_start3A_92 = arith.constant 0 : i32
    %dma_start3A_93 = tpu.memref_slice %arg3[%dma_start3A_91, %dma_start3A_92] : memref<1000000x32xf32, #tpu.memory_space<hbm>> -> memref<1000000x32xf32, #tpu.memory_space<hbm>>
    tpu.enqueue_indirect_dma source(%dma_start3A_93 : memref<1000000x32xf32, #tpu.memory_space<hbm>>) target(%dma_start3A_83 : memref<128x32xf32, #tpu.memory_space<vmem>>) offsets(%dma_start3A_90 : memref<128xi32, #tpu.memory_space<vmem>>) semaphore(%arg8 : memref<!tpu.dma_semaphore, #tpu.memory_space<semaphore_mem>>)
    %dma_start3A_94 = arith.constant 0 : i32
    %dma_start3A_95 = arith.constant 4 : i32
    %dma_start3A_96 = arith.constant 0 : i32
    %dma_start3A_97 = arith.constant 4 : i32
    %dma_start3A_98 = arith.constant 0 : i32
    %dma_start3A_99 = arith.constant 0 : i32
    %dma_start3A_100 = arith.constant 0 : i32
    %dma_start3A_101 = tpu.memref_slice %arg6[%dma_start3A_96, %dma_start3A_98, %dma_start3A_99, %dma_start3A_100] : memref<2x8x128x32xf32, #tpu.memory_space<vmem>> -> memref<1x8x128x32xf32, #tpu.memory_space<vmem>>
    %dma_start3A_102 = tpu.memref_squeeze %dma_start3A_101 : memref<1x8x128x32xf32, #tpu.memory_space<vmem>> -> memref<8x128x32xf32, #tpu.memory_space<vmem>>
    %dma_start3A_103 = arith.constant 0 : i32
    %dma_start3A_104 = arith.constant 0 : i32
    %dma_start3A_105 = tpu.memref_slice %dma_start3A_102[%dma_start3A_97, %dma_start3A_103, %dma_start3A_104] : memref<8x128x32xf32, #tpu.memory_space<vmem>> -> memref<1x128x32xf32, #tpu.memory_space<vmem>>
    %dma_start3A_106 = tpu.memref_squeeze %dma_start3A_105 : memref<1x128x32xf32, #tpu.memory_space<vmem>> -> memref<128x32xf32, #tpu.memory_space<vmem>>
    %dma_start3A_107 = arith.constant 0 : i32
    %dma_start3A_108 = arith.constant 0 : i32
    %dma_start3A_109 = tpu.memref_slice %arg5[%dma_start3A_94, %dma_start3A_107, %dma_start3A_108] : memref<2x8x128xi32, #tpu.memory_space<vmem>> -> memref<1x8x128xi32, #tpu.memory_space<vmem>>
    %dma_start3A_110 = tpu.memref_squeeze %dma_start3A_109 : memref<1x8x128xi32, #tpu.memory_space<vmem>> -> memref<8x128xi32, #tpu.memory_space<vmem>>
    %dma_start3A_111 = arith.constant 0 : i32
    %dma_start3A_112 = tpu.memref_slice %dma_start3A_110[%dma_start3A_95, %dma_start3A_111] : memref<8x128xi32, #tpu.memory_space<vmem>> -> memref<1x128xi32, #tpu.memory_space<vmem>>
    %dma_start3A_113 = tpu.memref_squeeze %dma_start3A_112 : memref<1x128xi32, #tpu.memory_space<vmem>> -> memref<128xi32, #tpu.memory_space<vmem>>
    %dma_start3A_114 = arith.constant 0 : i32
    %dma_start3A_115 = arith.constant 0 : i32
    %dma_start3A_116 = tpu.memref_slice %arg3[%dma_start3A_114, %dma_start3A_115] : memref<1000000x32xf32, #tpu.memory_space<hbm>> -> memref<1000000x32xf32, #tpu.memory_space<hbm>>
    tpu.enqueue_indirect_dma source(%dma_start3A_116 : memref<1000000x32xf32, #tpu.memory_space<hbm>>) target(%dma_start3A_106 : memref<128x32xf32, #tpu.memory_space<vmem>>) offsets(%dma_start3A_113 : memref<128xi32, #tpu.memory_space<vmem>>) semaphore(%arg8 : memref<!tpu.dma_semaphore, #tpu.memory_space<semaphore_mem>>)
    %dma_start3A_117 = arith.constant 0 : i32
    %dma_start3A_118 = arith.constant 5 : i32
    %dma_start3A_119 = arith.constant 0 : i32
    %dma_start3A_120 = arith.constant 5 : i32
    %dma_start3A_121 = arith.constant 0 : i32
    %dma_start3A_122 = arith.constant 0 : i32
    %dma_start3A_123 = arith.constant 0 : i32
    %dma_start3A_124 = tpu.memref_slice %arg6[%dma_start3A_119, %dma_start3A_121, %dma_start3A_122, %dma_start3A_123] : memref<2x8x128x32xf32, #tpu.memory_space<vmem>> -> memref<1x8x128x32xf32, #tpu.memory_space<vmem>>
    %dma_start3A_125 = tpu.memref_squeeze %dma_start3A_124 : memref<1x8x128x32xf32, #tpu.memory_space<vmem>> -> memref<8x128x32xf32, #tpu.memory_space<vmem>>
    %dma_start3A_126 = arith.constant 0 : i32
    %dma_start3A_127 = arith.constant 0 : i32
    %dma_start3A_128 = tpu.memref_slice %dma_start3A_125[%dma_start3A_120, %dma_start3A_126, %dma_start3A_127] : memref<8x128x32xf32, #tpu.memory_space<vmem>> -> memref<1x128x32xf32, #tpu.memory_space<vmem>>
    %dma_start3A_129 = tpu.memref_squeeze %dma_start3A_128 : memref<1x128x32xf32, #tpu.memory_space<vmem>> -> memref<128x32xf32, #tpu.memory_space<vmem>>
    %dma_start3A_130 = arith.constant 0 : i32
    %dma_start3A_131 = arith.constant 0 : i32
    %dma_start3A_132 = tpu.memref_slice %arg5[%dma_start3A_117, %dma_start3A_130, %dma_start3A_131] : memref<2x8x128xi32, #tpu.memory_space<vmem>> -> memref<1x8x128xi32, #tpu.memory_space<vmem>>
    %dma_start3A_133 = tpu.memref_squeeze %dma_start3A_132 : memref<1x8x128xi32, #tpu.memory_space<vmem>> -> memref<8x128xi32, #tpu.memory_space<vmem>>
    %dma_start3A_134 = arith.constant 0 : i32
    %dma_start3A_135 = tpu.memref_slice %dma_start3A_133[%dma_start3A_118, %dma_start3A_134] : memref<8x128xi32, #tpu.memory_space<vmem>> -> memref<1x128xi32, #tpu.memory_space<vmem>>
    %dma_start3A_136 = tpu.memref_squeeze %dma_start3A_135 : memref<1x128xi32, #tpu.memory_space<vmem>> -> memref<128xi32, #tpu.memory_space<vmem>>
    %dma_start3A_137 = arith.constant 0 : i32
    %dma_start3A_138 = arith.constant 0 : i32
    %dma_start3A_139 = tpu.memref_slice %arg3[%dma_start3A_137, %dma_start3A_138] : memref<1000000x32xf32, #tpu.memory_space<hbm>> -> memref<1000000x32xf32, #tpu.memory_space<hbm>>
    tpu.enqueue_indirect_dma source(%dma_start3A_139 : memref<1000000x32xf32, #tpu.memory_space<hbm>>) target(%dma_start3A_129 : memref<128x32xf32, #tpu.memory_space<vmem>>) offsets(%dma_start3A_136 : memref<128xi32, #tpu.memory_space<vmem>>) semaphore(%arg8 : memref<!tpu.dma_semaphore, #tpu.memory_space<semaphore_mem>>)
    %dma_start3A_140 = arith.constant 0 : i32
    %dma_start3A_141 = arith.constant 6 : i32
    %dma_start3A_142 = arith.constant 0 : i32
    %dma_start3A_143 = arith.constant 6 : i32
    %dma_start3A_144 = arith.constant 0 : i32
    %dma_start3A_145 = arith.constant 0 : i32
    %dma_start3A_146 = arith.constant 0 : i32
    %dma_start3A_147 = tpu.memref_slice %arg6[%dma_start3A_142, %dma_start3A_144, %dma_start3A_145, %dma_start3A_146] : memref<2x8x128x32xf32, #tpu.memory_space<vmem>> -> memref<1x8x128x32xf32, #tpu.memory_space<vmem>>
    %dma_start3A_148 = tpu.memref_squeeze %dma_start3A_147 : memref<1x8x128x32xf32, #tpu.memory_space<vmem>> -> memref<8x128x32xf32, #tpu.memory_space<vmem>>
    %dma_start3A_149 = arith.constant 0 : i32
    %dma_start3A_150 = arith.constant 0 : i32
    %dma_start3A_151 = tpu.memref_slice %dma_start3A_148[%dma_start3A_143, %dma_start3A_149, %dma_start3A_150] : memref<8x128x32xf32, #tpu.memory_space<vmem>> -> memref<1x128x32xf32, #tpu.memory_space<vmem>>
    %dma_start3A_152 = tpu.memref_squeeze %dma_start3A_151 : memref<1x128x32xf32, #tpu.memory_space<vmem>> -> memref<128x32xf32, #tpu.memory_space<vmem>>
    %dma_start3A_153 = arith.constant 0 : i32
    %dma_start3A_154 = arith.constant 0 : i32
    %dma_start3A_155 = tpu.memref_slice %arg5[%dma_start3A_140, %dma_start3A_153, %dma_start3A_154] : memref<2x8x128xi32, #tpu.memory_space<vmem>> -> memref<1x8x128xi32, #tpu.memory_space<vmem>>
    %dma_start3A_156 = tpu.memref_squeeze %dma_start3A_155 : memref<1x8x128xi32, #tpu.memory_space<vmem>> -> memref<8x128xi32, #tpu.memory_space<vmem>>
    %dma_start3A_157 = arith.constant 0 : i32
    %dma_start3A_158 = tpu.memref_slice %dma_start3A_156[%dma_start3A_141, %dma_start3A_157] : memref<8x128xi32, #tpu.memory_space<vmem>> -> memref<1x128xi32, #tpu.memory_space<vmem>>
    %dma_start3A_159 = tpu.memref_squeeze %dma_start3A_158 : memref<1x128xi32, #tpu.memory_space<vmem>> -> memref<128xi32, #tpu.memory_space<vmem>>
    %dma_start3A_160 = arith.constant 0 : i32
    %dma_start3A_161 = arith.constant 0 : i32
    %dma_start3A_162 = tpu.memref_slice %arg3[%dma_start3A_160, %dma_start3A_161] : memref<1000000x32xf32, #tpu.memory_space<hbm>> -> memref<1000000x32xf32, #tpu.memory_space<hbm>>
    tpu.enqueue_indirect_dma source(%dma_start3A_162 : memref<1000000x32xf32, #tpu.memory_space<hbm>>) target(%dma_start3A_152 : memref<128x32xf32, #tpu.memory_space<vmem>>) offsets(%dma_start3A_159 : memref<128xi32, #tpu.memory_space<vmem>>) semaphore(%arg8 : memref<!tpu.dma_semaphore, #tpu.memory_space<semaphore_mem>>)
    %dma_start3A_163 = arith.constant 0 : i32
    %dma_start3A_164 = arith.constant 7 : i32
    %dma_start3A_165 = arith.constant 0 : i32
    %dma_start3A_166 = arith.constant 7 : i32
    %dma_start3A_167 = arith.constant 0 : i32
    %dma_start3A_168 = arith.constant 0 : i32
    %dma_start3A_169 = arith.constant 0 : i32
    %dma_start3A_170 = tpu.memref_slice %arg6[%dma_start3A_165, %dma_start3A_167, %dma_start3A_168, %dma_start3A_169] : memref<2x8x128x32xf32, #tpu.memory_space<vmem>> -> memref<1x8x128x32xf32, #tpu.memory_space<vmem>>
    %dma_start3A_171 = tpu.memref_squeeze %dma_start3A_170 : memref<1x8x128x32xf32, #tpu.memory_space<vmem>> -> memref<8x128x32xf32, #tpu.memory_space<vmem>>
    %dma_start3A_172 = arith.constant 0 : i32
    %dma_start3A_173 = arith.constant 0 : i32
    %dma_start3A_174 = tpu.memref_slice %dma_start3A_171[%dma_start3A_166, %dma_start3A_172, %dma_start3A_173] : memref<8x128x32xf32, #tpu.memory_space<vmem>> -> memref<1x128x32xf32, #tpu.memory_space<vmem>>
    %dma_start3A_175 = tpu.memref_squeeze %dma_start3A_174 : memref<1x128x32xf32, #tpu.memory_space<vmem>> -> memref<128x32xf32, #tpu.memory_space<vmem>>
    %dma_start3A_176 = arith.constant 0 : i32
    %dma_start3A_177 = arith.constant 0 : i32
    %dma_start3A_178 = tpu.memref_slice %arg5[%dma_start3A_163, %dma_start3A_176, %dma_start3A_177] : memref<2x8x128xi32, #tpu.memory_space<vmem>> -> memref<1x8x128xi32, #tpu.memory_space<vmem>>
    %dma_start3A_179 = tpu.memref_squeeze %dma_start3A_178 : memref<1x8x128xi32, #tpu.memory_space<vmem>> -> memref<8x128xi32, #tpu.memory_space<vmem>>
    %dma_start3A_180 = arith.constant 0 : i32
    %dma_start3A_181 = tpu.memref_slice %dma_start3A_179[%dma_start3A_164, %dma_start3A_180] : memref<8x128xi32, #tpu.memory_space<vmem>> -> memref<1x128xi32, #tpu.memory_space<vmem>>
    %dma_start3A_182 = tpu.memref_squeeze %dma_start3A_181 : memref<1x128xi32, #tpu.memory_space<vmem>> -> memref<128xi32, #tpu.memory_space<vmem>>
    %dma_start3A_183 = arith.constant 0 : i32
    %dma_start3A_184 = arith.constant 0 : i32
    %dma_start3A_185 = tpu.memref_slice %arg3[%dma_start3A_183, %dma_start3A_184] : memref<1000000x32xf32, #tpu.memory_space<hbm>> -> memref<1000000x32xf32, #tpu.memory_space<hbm>>
    tpu.enqueue_indirect_dma source(%dma_start3A_185 : memref<1000000x32xf32, #tpu.memory_space<hbm>>) target(%dma_start3A_175 : memref<128x32xf32, #tpu.memory_space<vmem>>) offsets(%dma_start3A_182 : memref<128xi32, #tpu.memory_space<vmem>>) semaphore(%arg8 : memref<!tpu.dma_semaphore, #tpu.memory_space<semaphore_mem>>)
    %add3A_186 = arith.constant 8 : i32
    %add3A_187 = arith.addi %mul3A_2, %add3A_186 : i32
    %dma_start3A_188 = arith.constant 1 : i32
    %dma_start3A_189 = arith.constant 0 : i32
    %dma_start3A_190 = arith.constant 0 : i32
    %dma_start3A_191 = tpu.memref_slice %arg5[%dma_start3A_188, %dma_start3A_189, %dma_start3A_190] : memref<2x8x128xi32, #tpu.memory_space<vmem>> -> memref<1x8x128xi32, #tpu.memory_space<vmem>>
    %dma_start3A_192 = tpu.memref_squeeze %dma_start3A_191 : memref<1x8x128xi32, #tpu.memory_space<vmem>> -> memref<8x128xi32, #tpu.memory_space<vmem>>
    %dma_start3A_193 = arith.constant 0 : i32
    %dma_start3A_194 = tpu.memref_slice %arg2[%add3A_187, %dma_start3A_193] : memref<12800x128xi32, #tpu.memory_space<hbm>> -> memref<8x128xi32, #tpu.memory_space<hbm>>
    %dma_start3A_195 = arith.constant 0 : i32
    %dma_start3A_196 = arith.constant 0 : i32
    %dma_start3A_197 = tpu.memref_slice %arg5[%dma_start3A_188, %dma_start3A_195, %dma_start3A_196] : memref<2x8x128xi32, #tpu.memory_space<vmem>> -> memref<1x8x128xi32, #tpu.memory_space<vmem>>
    %dma_start3A_198 = tpu.memref_squeeze %dma_start3A_197 : memref<1x8x128xi32, #tpu.memory_space<vmem>> -> memref<8x128xi32, #tpu.memory_space<vmem>>
    %dma_start3A_199 = arith.constant 0 : i32
    %dma_start3A_200 = tpu.memref_slice %arg2[%add3A_187, %dma_start3A_199] : memref<12800x128xi32, #tpu.memory_space<hbm>> -> memref<8x128xi32, #tpu.memory_space<hbm>>
    tpu.enqueue_dma source(%dma_start3A_200 : memref<8x128xi32, #tpu.memory_space<hbm>>) target(%dma_start3A_198 : memref<8x128xi32, #tpu.memory_space<vmem>>) target_semaphore(%arg7 : memref<!tpu.dma_semaphore, #tpu.memory_space<semaphore_mem>>)
    %dma_wait3A = arith.constant 0 : i32
    %dma_wait3A_201 = arith.constant 0 : i32
    %dma_wait3A_202 = arith.constant 0 : i32
    %dma_wait3A_203 = arith.constant 0 : i32
    %dma_wait3A_204 = arith.constant 0 : i32
    %dma_wait3A_205 = arith.constant 0 : i32
    %dma_wait3A_206 = arith.constant 0 : i32
    %dma_wait3A_207 = tpu.memref_slice %arg6[%dma_wait3A_202, %dma_wait3A_204, %dma_wait3A_205, %dma_wait3A_206] : memref<2x8x128x32xf32, #tpu.memory_space<vmem>> -> memref<1x8x128x32xf32, #tpu.memory_space<vmem>>
    %dma_wait3A_208 = tpu.memref_squeeze %dma_wait3A_207 : memref<1x8x128x32xf32, #tpu.memory_space<vmem>> -> memref<8x128x32xf32, #tpu.memory_space<vmem>>
    %dma_wait3A_209 = arith.constant 0 : i32
    %dma_wait3A_210 = arith.constant 0 : i32
    %dma_wait3A_211 = tpu.memref_slice %dma_wait3A_208[%dma_wait3A_203, %dma_wait3A_209, %dma_wait3A_210] : memref<8x128x32xf32, #tpu.memory_space<vmem>> -> memref<1x128x32xf32, #tpu.memory_space<vmem>>
    %dma_wait3A_212 = tpu.memref_squeeze %dma_wait3A_211 : memref<1x128x32xf32, #tpu.memory_space<vmem>> -> memref<128x32xf32, #tpu.memory_space<vmem>>
    %dma_wait3A_213 = arith.constant 0 : i32
    %dma_wait3A_214 = arith.constant 0 : i32
    %dma_wait3A_215 = tpu.memref_slice %arg5[%dma_wait3A, %dma_wait3A_213, %dma_wait3A_214] : memref<2x8x128xi32, #tpu.memory_space<vmem>> -> memref<1x8x128xi32, #tpu.memory_space<vmem>>
    %dma_wait3A_216 = tpu.memref_squeeze %dma_wait3A_215 : memref<1x8x128xi32, #tpu.memory_space<vmem>> -> memref<8x128xi32, #tpu.memory_space<vmem>>
    %dma_wait3A_217 = arith.constant 0 : i32
    %dma_wait3A_218 = tpu.memref_slice %dma_wait3A_216[%dma_wait3A_201, %dma_wait3A_217] : memref<8x128xi32, #tpu.memory_space<vmem>> -> memref<1x128xi32, #tpu.memory_space<vmem>>
    %dma_wait3A_219 = tpu.memref_squeeze %dma_wait3A_218 : memref<1x128xi32, #tpu.memory_space<vmem>> -> memref<128xi32, #tpu.memory_space<vmem>>
    %dma_wait3A_220 = arith.constant 0 : i32
    %dma_wait3A_221 = arith.constant 0 : i32
    %dma_wait3A_222 = tpu.memref_slice %arg3[%dma_wait3A_220, %dma_wait3A_221] : memref<1000000x32xf32, #tpu.memory_space<hbm>> -> memref<1000000x32xf32, #tpu.memory_space<hbm>>
    tpu.wait_indirect_dma semaphore(%arg8 : memref<!tpu.dma_semaphore, #tpu.memory_space<semaphore_mem>>) src(%dma_wait3A_222 : memref<1000000x32xf32, #tpu.memory_space<hbm>>) dst(%dma_wait3A_212 : memref<128x32xf32, #tpu.memory_space<vmem>>)
    %dma_wait3A_223 = arith.constant 0 : i32
    %dma_wait3A_224 = arith.constant 1 : i32
    %dma_wait3A_225 = arith.constant 0 : i32
    %dma_wait3A_226 = arith.constant 1 : i32
    %dma_wait3A_227 = arith.constant 0 : i32
    %dma_wait3A_228 = arith.constant 0 : i32
    %dma_wait3A_229 = arith.constant 0 : i32
    %dma_wait3A_230 = tpu.memref_slice %arg6[%dma_wait3A_225, %dma_wait3A_227, %dma_wait3A_228, %dma_wait3A_229] : memref<2x8x128x32xf32, #tpu.memory_space<vmem>> -> memref<1x8x128x32xf32, #tpu.memory_space<vmem>>
    %dma_wait3A_231 = tpu.memref_squeeze %dma_wait3A_230 : memref<1x8x128x32xf32, #tpu.memory_space<vmem>> -> memref<8x128x32xf32, #tpu.memory_space<vmem>>
    %dma_wait3A_232 = arith.constant 0 : i32
    %dma_wait3A_233 = arith.constant 0 : i32
    %dma_wait3A_234 = tpu.memref_slice %dma_wait3A_231[%dma_wait3A_226, %dma_wait3A_232, %dma_wait3A_233] : memref<8x128x32xf32, #tpu.memory_space<vmem>> -> memref<1x128x32xf32, #tpu.memory_space<vmem>>
    %dma_wait3A_235 = tpu.memref_squeeze %dma_wait3A_234 : memref<1x128x32xf32, #tpu.memory_space<vmem>> -> memref<128x32xf32, #tpu.memory_space<vmem>>
    %dma_wait3A_236 = arith.constant 0 : i32
    %dma_wait3A_237 = arith.constant 0 : i32
    %dma_wait3A_238 = tpu.memref_slice %arg5[%dma_wait3A_223, %dma_wait3A_236, %dma_wait3A_237] : memref<2x8x128xi32, #tpu.memory_space<vmem>> -> memref<1x8x128xi32, #tpu.memory_space<vmem>>
    %dma_wait3A_239 = tpu.memref_squeeze %dma_wait3A_238 : memref<1x8x128xi32, #tpu.memory_space<vmem>> -> memref<8x128xi32, #tpu.memory_space<vmem>>
    %dma_wait3A_240 = arith.constant 0 : i32
    %dma_wait3A_241 = tpu.memref_slice %dma_wait3A_239[%dma_wait3A_224, %dma_wait3A_240] : memref<8x128xi32, #tpu.memory_space<vmem>> -> memref<1x128xi32, #tpu.memory_space<vmem>>
    %dma_wait3A_242 = tpu.memref_squeeze %dma_wait3A_241 : memref<1x128xi32, #tpu.memory_space<vmem>> -> memref<128xi32, #tpu.memory_space<vmem>>
    %dma_wait3A_243 = arith.constant 0 : i32
    %dma_wait3A_244 = arith.constant 0 : i32
    %dma_wait3A_245 = tpu.memref_slice %arg3[%dma_wait3A_243, %dma_wait3A_244] : memref<1000000x32xf32, #tpu.memory_space<hbm>> -> memref<1000000x32xf32, #tpu.memory_space<hbm>>
    tpu.wait_indirect_dma semaphore(%arg8 : memref<!tpu.dma_semaphore, #tpu.memory_space<semaphore_mem>>) src(%dma_wait3A_245 : memref<1000000x32xf32, #tpu.memory_space<hbm>>) dst(%dma_wait3A_235 : memref<128x32xf32, #tpu.memory_space<vmem>>)
    %dma_wait3A_246 = arith.constant 0 : i32
    %dma_wait3A_247 = arith.constant 2 : i32
    %dma_wait3A_248 = arith.constant 0 : i32
    %dma_wait3A_249 = arith.constant 2 : i32
    %dma_wait3A_250 = arith.constant 0 : i32
    %dma_wait3A_251 = arith.constant 0 : i32
    %dma_wait3A_252 = arith.constant 0 : i32
    %dma_wait3A_253 = tpu.memref_slice %arg6[%dma_wait3A_248, %dma_wait3A_250, %dma_wait3A_251, %dma_wait3A_252] : memref<2x8x128x32xf32, #tpu.memory_space<vmem>> -> memref<1x8x128x32xf32, #tpu.memory_space<vmem>>
    %dma_wait3A_254 = tpu.memref_squeeze %dma_wait3A_253 : memref<1x8x128x32xf32, #tpu.memory_space<vmem>> -> memref<8x128x32xf32, #tpu.memory_space<vmem>>
    %dma_wait3A_255 = arith.constant 0 : i32
    %dma_wait3A_256 = arith.constant 0 : i32
    %dma_wait3A_257 = tpu.memref_slice %dma_wait3A_254[%dma_wait3A_249, %dma_wait3A_255, %dma_wait3A_256] : memref<8x128x32xf32, #tpu.memory_space<vmem>> -> memref<1x128x32xf32, #tpu.memory_space<vmem>>
    %dma_wait3A_258 = tpu.memref_squeeze %dma_wait3A_257 : memref<1x128x32xf32, #tpu.memory_space<vmem>> -> memref<128x32xf32, #tpu.memory_space<vmem>>
    %dma_wait3A_259 = arith.constant 0 : i32
    %dma_wait3A_260 = arith.constant 0 : i32
    %dma_wait3A_261 = tpu.memref_slice %arg5[%dma_wait3A_246, %dma_wait3A_259, %dma_wait3A_260] : memref<2x8x128xi32, #tpu.memory_space<vmem>> -> memref<1x8x128xi32, #tpu.memory_space<vmem>>
    %dma_wait3A_262 = tpu.memref_squeeze %dma_wait3A_261 : memref<1x8x128xi32, #tpu.memory_space<vmem>> -> memref<8x128xi32, #tpu.memory_space<vmem>>
    %dma_wait3A_263 = arith.constant 0 : i32
    %dma_wait3A_264 = tpu.memref_slice %dma_wait3A_262[%dma_wait3A_247, %dma_wait3A_263] : memref<8x128xi32, #tpu.memory_space<vmem>> -> memref<1x128xi32, #tpu.memory_space<vmem>>
    %dma_wait3A_265 = tpu.memref_squeeze %dma_wait3A_264 : memref<1x128xi32, #tpu.memory_space<vmem>> -> memref<128xi32, #tpu.memory_space<vmem>>
    %dma_wait3A_266 = arith.constant 0 : i32
    %dma_wait3A_267 = arith.constant 0 : i32
    %dma_wait3A_268 = tpu.memref_slice %arg3[%dma_wait3A_266, %dma_wait3A_267] : memref<1000000x32xf32, #tpu.memory_space<hbm>> -> memref<1000000x32xf32, #tpu.memory_space<hbm>>
    tpu.wait_indirect_dma semaphore(%arg8 : memref<!tpu.dma_semaphore, #tpu.memory_space<semaphore_mem>>) src(%dma_wait3A_268 : memref<1000000x32xf32, #tpu.memory_space<hbm>>) dst(%dma_wait3A_258 : memref<128x32xf32, #tpu.memory_space<vmem>>)
    %dma_wait3A_269 = arith.constant 0 : i32
    %dma_wait3A_270 = arith.constant 3 : i32
    %dma_wait3A_271 = arith.constant 0 : i32
    %dma_wait3A_272 = arith.constant 3 : i32
    %dma_wait3A_273 = arith.constant 0 : i32
    %dma_wait3A_274 = arith.constant 0 : i32
    %dma_wait3A_275 = arith.constant 0 : i32
    %dma_wait3A_276 = tpu.memref_slice %arg6[%dma_wait3A_271, %dma_wait3A_273, %dma_wait3A_274, %dma_wait3A_275] : memref<2x8x128x32xf32, #tpu.memory_space<vmem>> -> memref<1x8x128x32xf32, #tpu.memory_space<vmem>>
    %dma_wait3A_277 = tpu.memref_squeeze %dma_wait3A_276 : memref<1x8x128x32xf32, #tpu.memory_space<vmem>> -> memref<8x128x32xf32, #tpu.memory_space<vmem>>
    %dma_wait3A_278 = arith.constant 0 : i32
    %dma_wait3A_279 = arith.constant 0 : i32
    %dma_wait3A_280 = tpu.memref_slice %dma_wait3A_277[%dma_wait3A_272, %dma_wait3A_278, %dma_wait3A_279] : memref<8x128x32xf32, #tpu.memory_space<vmem>> -> memref<1x128x32xf32, #tpu.memory_space<vmem>>
    %dma_wait3A_281 = tpu.memref_squeeze %dma_wait3A_280 : memref<1x128x32xf32, #tpu.memory_space<vmem>> -> memref<128x32xf32, #tpu.memory_space<vmem>>
    %dma_wait3A_282 = arith.constant 0 : i32
    %dma_wait3A_283 = arith.constant 0 : i32
    %dma_wait3A_284 = tpu.memref_slice %arg5[%dma_wait3A_269, %dma_wait3A_282, %dma_wait3A_283] : memref<2x8x128xi32, #tpu.memory_space<vmem>> -> memref<1x8x128xi32, #tpu.memory_space<vmem>>
    %dma_wait3A_285 = tpu.memref_squeeze %dma_wait3A_284 : memref<1x8x128xi32, #tpu.memory_space<vmem>> -> memref<8x128xi32, #tpu.memory_space<vmem>>
    %dma_wait3A_286 = arith.constant 0 : i32
    %dma_wait3A_287 = tpu.memref_slice %dma_wait3A_285[%dma_wait3A_270, %dma_wait3A_286] : memref<8x128xi32, #tpu.memory_space<vmem>> -> memref<1x128xi32, #tpu.memory_space<vmem>>
    %dma_wait3A_288 = tpu.memref_squeeze %dma_wait3A_287 : memref<1x128xi32, #tpu.memory_space<vmem>> -> memref<128xi32, #tpu.memory_space<vmem>>
    %dma_wait3A_289 = arith.constant 0 : i32
    %dma_wait3A_290 = arith.constant 0 : i32
    %dma_wait3A_291 = tpu.memref_slice %arg3[%dma_wait3A_289, %dma_wait3A_290] : memref<1000000x32xf32, #tpu.memory_space<hbm>> -> memref<1000000x32xf32, #tpu.memory_space<hbm>>
    tpu.wait_indirect_dma semaphore(%arg8 : memref<!tpu.dma_semaphore, #tpu.memory_space<semaphore_mem>>) src(%dma_wait3A_291 : memref<1000000x32xf32, #tpu.memory_space<hbm>>) dst(%dma_wait3A_281 : memref<128x32xf32, #tpu.memory_space<vmem>>)
    %dma_wait3A_292 = arith.constant 0 : i32
    %dma_wait3A_293 = arith.constant 4 : i32
    %dma_wait3A_294 = arith.constant 0 : i32
    %dma_wait3A_295 = arith.constant 4 : i32
    %dma_wait3A_296 = arith.constant 0 : i32
    %dma_wait3A_297 = arith.constant 0 : i32
    %dma_wait3A_298 = arith.constant 0 : i32
    %dma_wait3A_299 = tpu.memref_slice %arg6[%dma_wait3A_294, %dma_wait3A_296, %dma_wait3A_297, %dma_wait3A_298] : memref<2x8x128x32xf32, #tpu.memory_space<vmem>> -> memref<1x8x128x32xf32, #tpu.memory_space<vmem>>
    %dma_wait3A_300 = tpu.memref_squeeze %dma_wait3A_299 : memref<1x8x128x32xf32, #tpu.memory_space<vmem>> -> memref<8x128x32xf32, #tpu.memory_space<vmem>>
    %dma_wait3A_301 = arith.constant 0 : i32
    %dma_wait3A_302 = arith.constant 0 : i32
    %dma_wait3A_303 = tpu.memref_slice %dma_wait3A_300[%dma_wait3A_295, %dma_wait3A_301, %dma_wait3A_302] : memref<8x128x32xf32, #tpu.memory_space<vmem>> -> memref<1x128x32xf32, #tpu.memory_space<vmem>>
    %dma_wait3A_304 = tpu.memref_squeeze %dma_wait3A_303 : memref<1x128x32xf32, #tpu.memory_space<vmem>> -> memref<128x32xf32, #tpu.memory_space<vmem>>
    %dma_wait3A_305 = arith.constant 0 : i32
    %dma_wait3A_306 = arith.constant 0 : i32
    %dma_wait3A_307 = tpu.memref_slice %arg5[%dma_wait3A_292, %dma_wait3A_305, %dma_wait3A_306] : memref<2x8x128xi32, #tpu.memory_space<vmem>> -> memref<1x8x128xi32, #tpu.memory_space<vmem>>
    %dma_wait3A_308 = tpu.memref_squeeze %dma_wait3A_307 : memref<1x8x128xi32, #tpu.memory_space<vmem>> -> memref<8x128xi32, #tpu.memory_space<vmem>>
    %dma_wait3A_309 = arith.constant 0 : i32
    %dma_wait3A_310 = tpu.memref_slice %dma_wait3A_308[%dma_wait3A_293, %dma_wait3A_309] : memref<8x128xi32, #tpu.memory_space<vmem>> -> memref<1x128xi32, #tpu.memory_space<vmem>>
    %dma_wait3A_311 = tpu.memref_squeeze %dma_wait3A_310 : memref<1x128xi32, #tpu.memory_space<vmem>> -> memref<128xi32, #tpu.memory_space<vmem>>
    %dma_wait3A_312 = arith.constant 0 : i32
    %dma_wait3A_313 = arith.constant 0 : i32
    %dma_wait3A_314 = tpu.memref_slice %arg3[%dma_wait3A_312, %dma_wait3A_313] : memref<1000000x32xf32, #tpu.memory_space<hbm>> -> memref<1000000x32xf32, #tpu.memory_space<hbm>>
    tpu.wait_indirect_dma semaphore(%arg8 : memref<!tpu.dma_semaphore, #tpu.memory_space<semaphore_mem>>) src(%dma_wait3A_314 : memref<1000000x32xf32, #tpu.memory_space<hbm>>) dst(%dma_wait3A_304 : memref<128x32xf32, #tpu.memory_space<vmem>>)
    %dma_wait3A_315 = arith.constant 0 : i32
    %dma_wait3A_316 = arith.constant 5 : i32
    %dma_wait3A_317 = arith.constant 0 : i32
    %dma_wait3A_318 = arith.constant 5 : i32
    %dma_wait3A_319 = arith.constant 0 : i32
    %dma_wait3A_320 = arith.constant 0 : i32
    %dma_wait3A_321 = arith.constant 0 : i32
    %dma_wait3A_322 = tpu.memref_slice %arg6[%dma_wait3A_317, %dma_wait3A_319, %dma_wait3A_320, %dma_wait3A_321] : memref<2x8x128x32xf32, #tpu.memory_space<vmem>> -> memref<1x8x128x32xf32, #tpu.memory_space<vmem>>
    %dma_wait3A_323 = tpu.memref_squeeze %dma_wait3A_322 : memref<1x8x128x32xf32, #tpu.memory_space<vmem>> -> memref<8x128x32xf32, #tpu.memory_space<vmem>>
    %dma_wait3A_324 = arith.constant 0 : i32
    %dma_wait3A_325 = arith.constant 0 : i32
    %dma_wait3A_326 = tpu.memref_slice %dma_wait3A_323[%dma_wait3A_318, %dma_wait3A_324, %dma_wait3A_325] : memref<8x128x32xf32, #tpu.memory_space<vmem>> -> memref<1x128x32xf32, #tpu.memory_space<vmem>>
    %dma_wait3A_327 = tpu.memref_squeeze %dma_wait3A_326 : memref<1x128x32xf32, #tpu.memory_space<vmem>> -> memref<128x32xf32, #tpu.memory_space<vmem>>
    %dma_wait3A_328 = arith.constant 0 : i32
    %dma_wait3A_329 = arith.constant 0 : i32
    %dma_wait3A_330 = tpu.memref_slice %arg5[%dma_wait3A_315, %dma_wait3A_328, %dma_wait3A_329] : memref<2x8x128xi32, #tpu.memory_space<vmem>> -> memref<1x8x128xi32, #tpu.memory_space<vmem>>
    %dma_wait3A_331 = tpu.memref_squeeze %dma_wait3A_330 : memref<1x8x128xi32, #tpu.memory_space<vmem>> -> memref<8x128xi32, #tpu.memory_space<vmem>>
    %dma_wait3A_332 = arith.constant 0 : i32
    %dma_wait3A_333 = tpu.memref_slice %dma_wait3A_331[%dma_wait3A_316, %dma_wait3A_332] : memref<8x128xi32, #tpu.memory_space<vmem>> -> memref<1x128xi32, #tpu.memory_space<vmem>>
    %dma_wait3A_334 = tpu.memref_squeeze %dma_wait3A_333 : memref<1x128xi32, #tpu.memory_space<vmem>> -> memref<128xi32, #tpu.memory_space<vmem>>
    %dma_wait3A_335 = arith.constant 0 : i32
    %dma_wait3A_336 = arith.constant 0 : i32
    %dma_wait3A_337 = tpu.memref_slice %arg3[%dma_wait3A_335, %dma_wait3A_336] : memref<1000000x32xf32, #tpu.memory_space<hbm>> -> memref<1000000x32xf32, #tpu.memory_space<hbm>>
    tpu.wait_indirect_dma semaphore(%arg8 : memref<!tpu.dma_semaphore, #tpu.memory_space<semaphore_mem>>) src(%dma_wait3A_337 : memref<1000000x32xf32, #tpu.memory_space<hbm>>) dst(%dma_wait3A_327 : memref<128x32xf32, #tpu.memory_space<vmem>>)
    %dma_wait3A_338 = arith.constant 0 : i32
    %dma_wait3A_339 = arith.constant 6 : i32
    %dma_wait3A_340 = arith.constant 0 : i32
    %dma_wait3A_341 = arith.constant 6 : i32
    %dma_wait3A_342 = arith.constant 0 : i32
    %dma_wait3A_343 = arith.constant 0 : i32
    %dma_wait3A_344 = arith.constant 0 : i32
    %dma_wait3A_345 = tpu.memref_slice %arg6[%dma_wait3A_340, %dma_wait3A_342, %dma_wait3A_343, %dma_wait3A_344] : memref<2x8x128x32xf32, #tpu.memory_space<vmem>> -> memref<1x8x128x32xf32, #tpu.memory_space<vmem>>
    %dma_wait3A_346 = tpu.memref_squeeze %dma_wait3A_345 : memref<1x8x128x32xf32, #tpu.memory_space<vmem>> -> memref<8x128x32xf32, #tpu.memory_space<vmem>>
    %dma_wait3A_347 = arith.constant 0 : i32
    %dma_wait3A_348 = arith.constant 0 : i32
    %dma_wait3A_349 = tpu.memref_slice %dma_wait3A_346[%dma_wait3A_341, %dma_wait3A_347, %dma_wait3A_348] : memref<8x128x32xf32, #tpu.memory_space<vmem>> -> memref<1x128x32xf32, #tpu.memory_space<vmem>>
    %dma_wait3A_350 = tpu.memref_squeeze %dma_wait3A_349 : memref<1x128x32xf32, #tpu.memory_space<vmem>> -> memref<128x32xf32, #tpu.memory_space<vmem>>
    %dma_wait3A_351 = arith.constant 0 : i32
    %dma_wait3A_352 = arith.constant 0 : i32
    %dma_wait3A_353 = tpu.memref_slice %arg5[%dma_wait3A_338, %dma_wait3A_351, %dma_wait3A_352] : memref<2x8x128xi32, #tpu.memory_space<vmem>> -> memref<1x8x128xi32, #tpu.memory_space<vmem>>
    %dma_wait3A_354 = tpu.memref_squeeze %dma_wait3A_353 : memref<1x8x128xi32, #tpu.memory_space<vmem>> -> memref<8x128xi32, #tpu.memory_space<vmem>>
    %dma_wait3A_355 = arith.constant 0 : i32
    %dma_wait3A_356 = tpu.memref_slice %dma_wait3A_354[%dma_wait3A_339, %dma_wait3A_355] : memref<8x128xi32, #tpu.memory_space<vmem>> -> memref<1x128xi32, #tpu.memory_space<vmem>>
    %dma_wait3A_357 = tpu.memref_squeeze %dma_wait3A_356 : memref<1x128xi32, #tpu.memory_space<vmem>> -> memref<128xi32, #tpu.memory_space<vmem>>
    %dma_wait3A_358 = arith.constant 0 : i32
    %dma_wait3A_359 = arith.constant 0 : i32
    %dma_wait3A_360 = tpu.memref_slice %arg3[%dma_wait3A_358, %dma_wait3A_359] : memref<1000000x32xf32, #tpu.memory_space<hbm>> -> memref<1000000x32xf32, #tpu.memory_space<hbm>>
    tpu.wait_indirect_dma semaphore(%arg8 : memref<!tpu.dma_semaphore, #tpu.memory_space<semaphore_mem>>) src(%dma_wait3A_360 : memref<1000000x32xf32, #tpu.memory_space<hbm>>) dst(%dma_wait3A_350 : memref<128x32xf32, #tpu.memory_space<vmem>>)
    %dma_wait3A_361 = arith.constant 0 : i32
    %dma_wait3A_362 = arith.constant 7 : i32
    %dma_wait3A_363 = arith.constant 0 : i32
    %dma_wait3A_364 = arith.constant 7 : i32
    %dma_wait3A_365 = arith.constant 0 : i32
    %dma_wait3A_366 = arith.constant 0 : i32
    %dma_wait3A_367 = arith.constant 0 : i32
    %dma_wait3A_368 = tpu.memref_slice %arg6[%dma_wait3A_363, %dma_wait3A_365, %dma_wait3A_366, %dma_wait3A_367] : memref<2x8x128x32xf32, #tpu.memory_space<vmem>> -> memref<1x8x128x32xf32, #tpu.memory_space<vmem>>
    %dma_wait3A_369 = tpu.memref_squeeze %dma_wait3A_368 : memref<1x8x128x32xf32, #tpu.memory_space<vmem>> -> memref<8x128x32xf32, #tpu.memory_space<vmem>>
    %dma_wait3A_370 = arith.constant 0 : i32
    %dma_wait3A_371 = arith.constant 0 : i32
    %dma_wait3A_372 = tpu.memref_slice %dma_wait3A_369[%dma_wait3A_364, %dma_wait3A_370, %dma_wait3A_371] : memref<8x128x32xf32, #tpu.memory_space<vmem>> -> memref<1x128x32xf32, #tpu.memory_space<vmem>>
    %dma_wait3A_373 = tpu.memref_squeeze %dma_wait3A_372 : memref<1x128x32xf32, #tpu.memory_space<vmem>> -> memref<128x32xf32, #tpu.memory_space<vmem>>
    %dma_wait3A_374 = arith.constant 0 : i32
    %dma_wait3A_375 = arith.constant 0 : i32
    %dma_wait3A_376 = tpu.memref_slice %arg5[%dma_wait3A_361, %dma_wait3A_374, %dma_wait3A_375] : memref<2x8x128xi32, #tpu.memory_space<vmem>> -> memref<1x8x128xi32, #tpu.memory_space<vmem>>
    %dma_wait3A_377 = tpu.memref_squeeze %dma_wait3A_376 : memref<1x8x128xi32, #tpu.memory_space<vmem>> -> memref<8x128xi32, #tpu.memory_space<vmem>>
    %dma_wait3A_378 = arith.constant 0 : i32
    %dma_wait3A_379 = tpu.memref_slice %dma_wait3A_377[%dma_wait3A_362, %dma_wait3A_378] : memref<8x128xi32, #tpu.memory_space<vmem>> -> memref<1x128xi32, #tpu.memory_space<vmem>>
    %dma_wait3A_380 = tpu.memref_squeeze %dma_wait3A_379 : memref<1x128xi32, #tpu.memory_space<vmem>> -> memref<128xi32, #tpu.memory_space<vmem>>
    %dma_wait3A_381 = arith.constant 0 : i32
    %dma_wait3A_382 = arith.constant 0 : i32
    %dma_wait3A_383 = tpu.memref_slice %arg3[%dma_wait3A_381, %dma_wait3A_382] : memref<1000000x32xf32, #tpu.memory_space<hbm>> -> memref<1000000x32xf32, #tpu.memory_space<hbm>>
    tpu.wait_indirect_dma semaphore(%arg8 : memref<!tpu.dma_semaphore, #tpu.memory_space<semaphore_mem>>) src(%dma_wait3A_383 : memref<1000000x32xf32, #tpu.memory_space<hbm>>) dst(%dma_wait3A_373 : memref<128x32xf32, #tpu.memory_space<vmem>>)
    %add3A_384 = arith.constant 0 : i32
    %add3A_385 = arith.addi %mul3A_2, %add3A_384 : i32
    %dma_start3A_386 = arith.constant 0 : i32
    %dma_start3A_387 = arith.constant 0 : i32
    %dma_start3A_388 = arith.constant 0 : i32
    %dma_start3A_389 = arith.constant 0 : i32
    %dma_start3A_390 = tpu.memref_slice %arg6[%dma_start3A_386, %dma_start3A_387, %dma_start3A_388, %dma_start3A_389] : memref<2x8x128x32xf32, #tpu.memory_space<vmem>> -> memref<1x8x128x32xf32, #tpu.memory_space<vmem>>
    %dma_start3A_391 = tpu.memref_squeeze %dma_start3A_390 : memref<1x8x128x32xf32, #tpu.memory_space<vmem>> -> memref<8x128x32xf32, #tpu.memory_space<vmem>>
    %dma_start3A_392 = arith.constant 0 : i32
    %dma_start3A_393 = arith.constant 0 : i32
    %dma_start3A_394 = tpu.memref_slice %arg4[%add3A_385, %dma_start3A_392, %dma_start3A_393] : memref<12800x128x32xf32, #tpu.memory_space<hbm>> -> memref<8x128x32xf32, #tpu.memory_space<hbm>>
    %dma_start3A_395 = arith.constant 0 : i32
    %dma_start3A_396 = arith.constant 0 : i32
    %dma_start3A_397 = tpu.memref_slice %arg4[%add3A_385, %dma_start3A_395, %dma_start3A_396] : memref<12800x128x32xf32, #tpu.memory_space<hbm>> -> memref<8x128x32xf32, #tpu.memory_space<hbm>>
    %dma_start3A_398 = arith.constant 0 : i32
    %dma_start3A_399 = arith.constant 0 : i32
    %dma_start3A_400 = arith.constant 0 : i32
    %dma_start3A_401 = tpu.memref_slice %arg6[%dma_start3A_386, %dma_start3A_398, %dma_start3A_399, %dma_start3A_400] : memref<2x8x128x32xf32, #tpu.memory_space<vmem>> -> memref<1x8x128x32xf32, #tpu.memory_space<vmem>>
    %dma_start3A_402 = tpu.memref_squeeze %dma_start3A_401 : memref<1x8x128x32xf32, #tpu.memory_space<vmem>> -> memref<8x128x32xf32, #tpu.memory_space<vmem>>
    tpu.enqueue_dma source(%dma_start3A_402 : memref<8x128x32xf32, #tpu.memory_space<vmem>>) target(%dma_start3A_397 : memref<8x128x32xf32, #tpu.memory_space<hbm>>) target_semaphore(%arg9 : memref<!tpu.dma_semaphore, #tpu.memory_space<semaphore_mem>>)
    %dma_wait3A_403 = arith.constant 1 : i32
    %dma_wait3A_404 = arith.constant 0 : i32
    %dma_wait3A_405 = arith.constant 0 : i32
    %dma_wait3A_406 = tpu.memref_slice %arg5[%dma_wait3A_403, %dma_wait3A_404, %dma_wait3A_405] : memref<2x8x128xi32, #tpu.memory_space<vmem>> -> memref<1x8x128xi32, #tpu.memory_space<vmem>>
    %dma_wait3A_407 = tpu.memref_squeeze %dma_wait3A_406 : memref<1x8x128xi32, #tpu.memory_space<vmem>> -> memref<8x128xi32, #tpu.memory_space<vmem>>
    %dma_wait3A_408 = arith.constant 0 : i32
    %dma_wait3A_409 = tpu.memref_slice %arg2[%mul3A_2, %dma_wait3A_408] : memref<12800x128xi32, #tpu.memory_space<hbm>> -> memref<8x128xi32, #tpu.memory_space<hbm>>
    %dma_wait3A_410 = arith.constant 0 : i32
    %dma_wait3A_411 = arith.constant 0 : i32
    %dma_wait3A_412 = tpu.memref_slice %arg5[%dma_wait3A_403, %dma_wait3A_410, %dma_wait3A_411] : memref<2x8x128xi32, #tpu.memory_space<vmem>> -> memref<1x8x128xi32, #tpu.memory_space<vmem>>
    %dma_wait3A_413 = tpu.memref_squeeze %dma_wait3A_412 : memref<1x8x128xi32, #tpu.memory_space<vmem>> -> memref<8x128xi32, #tpu.memory_space<vmem>>
    %dma_wait3A_414 = arith.constant 0 : i32
    %dma_wait3A_415 = tpu.memref_slice %arg2[%mul3A_2, %dma_wait3A_414] : memref<12800x128xi32, #tpu.memory_space<hbm>> -> memref<8x128xi32, #tpu.memory_space<hbm>>
    tpu.wait_dma2 semaphore(%arg7 : memref<!tpu.dma_semaphore, #tpu.memory_space<semaphore_mem>>) src(%dma_wait3A_415 : memref<8x128xi32, #tpu.memory_space<hbm>>) dst(%dma_wait3A_413 : memref<8x128xi32, #tpu.memory_space<vmem>>)
    %dma_start3A_416 = arith.constant 1 : i32
    %dma_start3A_417 = arith.constant 0 : i32
    %dma_start3A_418 = arith.constant 1 : i32
    %dma_start3A_419 = arith.constant 0 : i32
    %dma_start3A_420 = arith.constant 0 : i32
    %dma_start3A_421 = arith.constant 0 : i32
    %dma_start3A_422 = arith.constant 0 : i32
    %dma_start3A_423 = tpu.memref_slice %arg6[%dma_start3A_418, %dma_start3A_420, %dma_start3A_421, %dma_start3A_422] : memref<2x8x128x32xf32, #tpu.memory_space<vmem>> -> memref<1x8x128x32xf32, #tpu.memory_space<vmem>>
    %dma_start3A_424 = tpu.memref_squeeze %dma_start3A_423 : memref<1x8x128x32xf32, #tpu.memory_space<vmem>> -> memref<8x128x32xf32, #tpu.memory_space<vmem>>
    %dma_start3A_425 = arith.constant 0 : i32
    %dma_start3A_426 = arith.constant 0 : i32
    %dma_start3A_427 = tpu.memref_slice %dma_start3A_424[%dma_start3A_419, %dma_start3A_425, %dma_start3A_426] : memref<8x128x32xf32, #tpu.memory_space<vmem>> -> memref<1x128x32xf32, #tpu.memory_space<vmem>>
    %dma_start3A_428 = tpu.memref_squeeze %dma_start3A_427 : memref<1x128x32xf32, #tpu.memory_space<vmem>> -> memref<128x32xf32, #tpu.memory_space<vmem>>
    %dma_start3A_429 = arith.constant 0 : i32
    %dma_start3A_430 = arith.constant 0 : i32
    %dma_start3A_431 = tpu.memref_slice %arg5[%dma_start3A_416, %dma_start3A_429, %dma_start3A_430] : memref<2x8x128xi32, #tpu.memory_space<vmem>> -> memref<1x8x128xi32, #tpu.memory_space<vmem>>
    %dma_start3A_432 = tpu.memref_squeeze %dma_start3A_431 : memref<1x8x128xi32, #tpu.memory_space<vmem>> -> memref<8x128xi32, #tpu.memory_space<vmem>>
    %dma_start3A_433 = arith.constant 0 : i32
    %dma_start3A_434 = tpu.memref_slice %dma_start3A_432[%dma_start3A_417, %dma_start3A_433] : memref<8x128xi32, #tpu.memory_space<vmem>> -> memref<1x128xi32, #tpu.memory_space<vmem>>
    %dma_start3A_435 = tpu.memref_squeeze %dma_start3A_434 : memref<1x128xi32, #tpu.memory_space<vmem>> -> memref<128xi32, #tpu.memory_space<vmem>>
    %dma_start3A_436 = arith.constant 0 : i32
    %dma_start3A_437 = arith.constant 0 : i32
    %dma_start3A_438 = tpu.memref_slice %arg3[%dma_start3A_436, %dma_start3A_437] : memref<1000000x32xf32, #tpu.memory_space<hbm>> -> memref<1000000x32xf32, #tpu.memory_space<hbm>>
    tpu.enqueue_indirect_dma source(%dma_start3A_438 : memref<1000000x32xf32, #tpu.memory_space<hbm>>) target(%dma_start3A_428 : memref<128x32xf32, #tpu.memory_space<vmem>>) offsets(%dma_start3A_435 : memref<128xi32, #tpu.memory_space<vmem>>) semaphore(%arg8 : memref<!tpu.dma_semaphore, #tpu.memory_space<semaphore_mem>>)
    %dma_start3A_439 = arith.constant 1 : i32
    %dma_start3A_440 = arith.constant 1 : i32
    %dma_start3A_441 = arith.constant 1 : i32
    %dma_start3A_442 = arith.constant 1 : i32
    %dma_start3A_443 = arith.constant 0 : i32
    %dma_start3A_444 = arith.constant 0 : i32
    %dma_start3A_445 = arith.constant 0 : i32
    %dma_start3A_446 = tpu.memref_slice %arg6[%dma_start3A_441, %dma_start3A_443, %dma_start3A_444, %dma_start3A_445] : memref<2x8x128x32xf32, #tpu.memory_space<vmem>> -> memref<1x8x128x32xf32, #tpu.memory_space<vmem>>
    %dma_start3A_447 = tpu.memref_squeeze %dma_start3A_446 : memref<1x8x128x32xf32, #tpu.memory_space<vmem>> -> memref<8x128x32xf32, #tpu.memory_space<vmem>>
    %dma_start3A_448 = arith.constant 0 : i32
    %dma_start3A_449 = arith.constant 0 : i32
    %dma_start3A_450 = tpu.memref_slice %dma_start3A_447[%dma_start3A_442, %dma_start3A_448, %dma_start3A_449] : memref<8x128x32xf32, #tpu.memory_space<vmem>> -> memref<1x128x32xf32, #tpu.memory_space<vmem>>
    %dma_start3A_451 = tpu.memref_squeeze %dma_start3A_450 : memref<1x128x32xf32, #tpu.memory_space<vmem>> -> memref<128x32xf32, #tpu.memory_space<vmem>>
    %dma_start3A_452 = arith.constant 0 : i32
    %dma_start3A_453 = arith.constant 0 : i32
    %dma_start3A_454 = tpu.memref_slice %arg5[%dma_start3A_439, %dma_start3A_452, %dma_start3A_453] : memref<2x8x128xi32, #tpu.memory_space<vmem>> -> memref<1x8x128xi32, #tpu.memory_space<vmem>>
    %dma_start3A_455 = tpu.memref_squeeze %dma_start3A_454 : memref<1x8x128xi32, #tpu.memory_space<vmem>> -> memref<8x128xi32, #tpu.memory_space<vmem>>
    %dma_start3A_456 = arith.constant 0 : i32
    %dma_start3A_457 = tpu.memref_slice %dma_start3A_455[%dma_start3A_440, %dma_start3A_456] : memref<8x128xi32, #tpu.memory_space<vmem>> -> memref<1x128xi32, #tpu.memory_space<vmem>>
    %dma_start3A_458 = tpu.memref_squeeze %dma_start3A_457 : memref<1x128xi32, #tpu.memory_space<vmem>> -> memref<128xi32, #tpu.memory_space<vmem>>
    %dma_start3A_459 = arith.constant 0 : i32
    %dma_start3A_460 = arith.constant 0 : i32
    %dma_start3A_461 = tpu.memref_slice %arg3[%dma_start3A_459, %dma_start3A_460] : memref<1000000x32xf32, #tpu.memory_space<hbm>> -> memref<1000000x32xf32, #tpu.memory_space<hbm>>
    tpu.enqueue_indirect_dma source(%dma_start3A_461 : memref<1000000x32xf32, #tpu.memory_space<hbm>>) target(%dma_start3A_451 : memref<128x32xf32, #tpu.memory_space<vmem>>) offsets(%dma_start3A_458 : memref<128xi32, #tpu.memory_space<vmem>>) semaphore(%arg8 : memref<!tpu.dma_semaphore, #tpu.memory_space<semaphore_mem>>)
    %dma_start3A_462 = arith.constant 1 : i32
    %dma_start3A_463 = arith.constant 2 : i32
    %dma_start3A_464 = arith.constant 1 : i32
    %dma_start3A_465 = arith.constant 2 : i32
    %dma_start3A_466 = arith.constant 0 : i32
    %dma_start3A_467 = arith.constant 0 : i32
    %dma_start3A_468 = arith.constant 0 : i32
    %dma_start3A_469 = tpu.memref_slice %arg6[%dma_start3A_464, %dma_start3A_466, %dma_start3A_467, %dma_start3A_468] : memref<2x8x128x32xf32, #tpu.memory_space<vmem>> -> memref<1x8x128x32xf32, #tpu.memory_space<vmem>>
    %dma_start3A_470 = tpu.memref_squeeze %dma_start3A_469 : memref<1x8x128x32xf32, #tpu.memory_space<vmem>> -> memref<8x128x32xf32, #tpu.memory_space<vmem>>
    %dma_start3A_471 = arith.constant 0 : i32
    %dma_start3A_472 = arith.constant 0 : i32
    %dma_start3A_473 = tpu.memref_slice %dma_start3A_470[%dma_start3A_465, %dma_start3A_471, %dma_start3A_472] : memref<8x128x32xf32, #tpu.memory_space<vmem>> -> memref<1x128x32xf32, #tpu.memory_space<vmem>>
    %dma_start3A_474 = tpu.memref_squeeze %dma_start3A_473 : memref<1x128x32xf32, #tpu.memory_space<vmem>> -> memref<128x32xf32, #tpu.memory_space<vmem>>
    %dma_start3A_475 = arith.constant 0 : i32
    %dma_start3A_476 = arith.constant 0 : i32
    %dma_start3A_477 = tpu.memref_slice %arg5[%dma_start3A_462, %dma_start3A_475, %dma_start3A_476] : memref<2x8x128xi32, #tpu.memory_space<vmem>> -> memref<1x8x128xi32, #tpu.memory_space<vmem>>
    %dma_start3A_478 = tpu.memref_squeeze %dma_start3A_477 : memref<1x8x128xi32, #tpu.memory_space<vmem>> -> memref<8x128xi32, #tpu.memory_space<vmem>>
    %dma_start3A_479 = arith.constant 0 : i32
    %dma_start3A_480 = tpu.memref_slice %dma_start3A_478[%dma_start3A_463, %dma_start3A_479] : memref<8x128xi32, #tpu.memory_space<vmem>> -> memref<1x128xi32, #tpu.memory_space<vmem>>
    %dma_start3A_481 = tpu.memref_squeeze %dma_start3A_480 : memref<1x128xi32, #tpu.memory_space<vmem>> -> memref<128xi32, #tpu.memory_space<vmem>>
    %dma_start3A_482 = arith.constant 0 : i32
    %dma_start3A_483 = arith.constant 0 : i32
    %dma_start3A_484 = tpu.memref_slice %arg3[%dma_start3A_482, %dma_start3A_483] : memref<1000000x32xf32, #tpu.memory_space<hbm>> -> memref<1000000x32xf32, #tpu.memory_space<hbm>>
    tpu.enqueue_indirect_dma source(%dma_start3A_484 : memref<1000000x32xf32, #tpu.memory_space<hbm>>) target(%dma_start3A_474 : memref<128x32xf32, #tpu.memory_space<vmem>>) offsets(%dma_start3A_481 : memref<128xi32, #tpu.memory_space<vmem>>) semaphore(%arg8 : memref<!tpu.dma_semaphore, #tpu.memory_space<semaphore_mem>>)
    %dma_start3A_485 = arith.constant 1 : i32
    %dma_start3A_486 = arith.constant 3 : i32
    %dma_start3A_487 = arith.constant 1 : i32
    %dma_start3A_488 = arith.constant 3 : i32
    %dma_start3A_489 = arith.constant 0 : i32
    %dma_start3A_490 = arith.constant 0 : i32
    %dma_start3A_491 = arith.constant 0 : i32
    %dma_start3A_492 = tpu.memref_slice %arg6[%dma_start3A_487, %dma_start3A_489, %dma_start3A_490, %dma_start3A_491] : memref<2x8x128x32xf32, #tpu.memory_space<vmem>> -> memref<1x8x128x32xf32, #tpu.memory_space<vmem>>
    %dma_start3A_493 = tpu.memref_squeeze %dma_start3A_492 : memref<1x8x128x32xf32, #tpu.memory_space<vmem>> -> memref<8x128x32xf32, #tpu.memory_space<vmem>>
    %dma_start3A_494 = arith.constant 0 : i32
    %dma_start3A_495 = arith.constant 0 : i32
    %dma_start3A_496 = tpu.memref_slice %dma_start3A_493[%dma_start3A_488, %dma_start3A_494, %dma_start3A_495] : memref<8x128x32xf32, #tpu.memory_space<vmem>> -> memref<1x128x32xf32, #tpu.memory_space<vmem>>
    %dma_start3A_497 = tpu.memref_squeeze %dma_start3A_496 : memref<1x128x32xf32, #tpu.memory_space<vmem>> -> memref<128x32xf32, #tpu.memory_space<vmem>>
    %dma_start3A_498 = arith.constant 0 : i32
    %dma_start3A_499 = arith.constant 0 : i32
    %dma_start3A_500 = tpu.memref_slice %arg5[%dma_start3A_485, %dma_start3A_498, %dma_start3A_499] : memref<2x8x128xi32, #tpu.memory_space<vmem>> -> memref<1x8x128xi32, #tpu.memory_space<vmem>>
    %dma_start3A_501 = tpu.memref_squeeze %dma_start3A_500 : memref<1x8x128xi32, #tpu.memory_space<vmem>> -> memref<8x128xi32, #tpu.memory_space<vmem>>
    %dma_start3A_502 = arith.constant 0 : i32
    %dma_start3A_503 = tpu.memref_slice %dma_start3A_501[%dma_start3A_486, %dma_start3A_502] : memref<8x128xi32, #tpu.memory_space<vmem>> -> memref<1x128xi32, #tpu.memory_space<vmem>>
    %dma_start3A_504 = tpu.memref_squeeze %dma_start3A_503 : memref<1x128xi32, #tpu.memory_space<vmem>> -> memref<128xi32, #tpu.memory_space<vmem>>
    %dma_start3A_505 = arith.constant 0 : i32
    %dma_start3A_506 = arith.constant 0 : i32
    %dma_start3A_507 = tpu.memref_slice %arg3[%dma_start3A_505, %dma_start3A_506] : memref<1000000x32xf32, #tpu.memory_space<hbm>> -> memref<1000000x32xf32, #tpu.memory_space<hbm>>
    tpu.enqueue_indirect_dma source(%dma_start3A_507 : memref<1000000x32xf32, #tpu.memory_space<hbm>>) target(%dma_start3A_497 : memref<128x32xf32, #tpu.memory_space<vmem>>) offsets(%dma_start3A_504 : memref<128xi32, #tpu.memory_space<vmem>>) semaphore(%arg8 : memref<!tpu.dma_semaphore, #tpu.memory_space<semaphore_mem>>)
    %dma_start3A_508 = arith.constant 1 : i32
    %dma_start3A_509 = arith.constant 4 : i32
    %dma_start3A_510 = arith.constant 1 : i32
    %dma_start3A_511 = arith.constant 4 : i32
    %dma_start3A_512 = arith.constant 0 : i32
    %dma_start3A_513 = arith.constant 0 : i32
    %dma_start3A_514 = arith.constant 0 : i32
    %dma_start3A_515 = tpu.memref_slice %arg6[%dma_start3A_510, %dma_start3A_512, %dma_start3A_513, %dma_start3A_514] : memref<2x8x128x32xf32, #tpu.memory_space<vmem>> -> memref<1x8x128x32xf32, #tpu.memory_space<vmem>>
    %dma_start3A_516 = tpu.memref_squeeze %dma_start3A_515 : memref<1x8x128x32xf32, #tpu.memory_space<vmem>> -> memref<8x128x32xf32, #tpu.memory_space<vmem>>
    %dma_start3A_517 = arith.constant 0 : i32
    %dma_start3A_518 = arith.constant 0 : i32
    %dma_start3A_519 = tpu.memref_slice %dma_start3A_516[%dma_start3A_511, %dma_start3A_517, %dma_start3A_518] : memref<8x128x32xf32, #tpu.memory_space<vmem>> -> memref<1x128x32xf32, #tpu.memory_space<vmem>>
    %dma_start3A_520 = tpu.memref_squeeze %dma_start3A_519 : memref<1x128x32xf32, #tpu.memory_space<vmem>> -> memref<128x32xf32, #tpu.memory_space<vmem>>
    %dma_start3A_521 = arith.constant 0 : i32
    %dma_start3A_522 = arith.constant 0 : i32
    %dma_start3A_523 = tpu.memref_slice %arg5[%dma_start3A_508, %dma_start3A_521, %dma_start3A_522] : memref<2x8x128xi32, #tpu.memory_space<vmem>> -> memref<1x8x128xi32, #tpu.memory_space<vmem>>
    %dma_start3A_524 = tpu.memref_squeeze %dma_start3A_523 : memref<1x8x128xi32, #tpu.memory_space<vmem>> -> memref<8x128xi32, #tpu.memory_space<vmem>>
    %dma_start3A_525 = arith.constant 0 : i32
    %dma_start3A_526 = tpu.memref_slice %dma_start3A_524[%dma_start3A_509, %dma_start3A_525] : memref<8x128xi32, #tpu.memory_space<vmem>> -> memref<1x128xi32, #tpu.memory_space<vmem>>
    %dma_start3A_527 = tpu.memref_squeeze %dma_start3A_526 : memref<1x128xi32, #tpu.memory_space<vmem>> -> memref<128xi32, #tpu.memory_space<vmem>>
    %dma_start3A_528 = arith.constant 0 : i32
    %dma_start3A_529 = arith.constant 0 : i32
    %dma_start3A_530 = tpu.memref_slice %arg3[%dma_start3A_528, %dma_start3A_529] : memref<1000000x32xf32, #tpu.memory_space<hbm>> -> memref<1000000x32xf32, #tpu.memory_space<hbm>>
    tpu.enqueue_indirect_dma source(%dma_start3A_530 : memref<1000000x32xf32, #tpu.memory_space<hbm>>) target(%dma_start3A_520 : memref<128x32xf32, #tpu.memory_space<vmem>>) offsets(%dma_start3A_527 : memref<128xi32, #tpu.memory_space<vmem>>) semaphore(%arg8 : memref<!tpu.dma_semaphore, #tpu.memory_space<semaphore_mem>>)
    %dma_start3A_531 = arith.constant 1 : i32
    %dma_start3A_532 = arith.constant 5 : i32
    %dma_start3A_533 = arith.constant 1 : i32
    %dma_start3A_534 = arith.constant 5 : i32
    %dma_start3A_535 = arith.constant 0 : i32
    %dma_start3A_536 = arith.constant 0 : i32
    %dma_start3A_537 = arith.constant 0 : i32
    %dma_start3A_538 = tpu.memref_slice %arg6[%dma_start3A_533, %dma_start3A_535, %dma_start3A_536, %dma_start3A_537] : memref<2x8x128x32xf32, #tpu.memory_space<vmem>> -> memref<1x8x128x32xf32, #tpu.memory_space<vmem>>
    %dma_start3A_539 = tpu.memref_squeeze %dma_start3A_538 : memref<1x8x128x32xf32, #tpu.memory_space<vmem>> -> memref<8x128x32xf32, #tpu.memory_space<vmem>>
    %dma_start3A_540 = arith.constant 0 : i32
    %dma_start3A_541 = arith.constant 0 : i32
    %dma_start3A_542 = tpu.memref_slice %dma_start3A_539[%dma_start3A_534, %dma_start3A_540, %dma_start3A_541] : memref<8x128x32xf32, #tpu.memory_space<vmem>> -> memref<1x128x32xf32, #tpu.memory_space<vmem>>
    %dma_start3A_543 = tpu.memref_squeeze %dma_start3A_542 : memref<1x128x32xf32, #tpu.memory_space<vmem>> -> memref<128x32xf32, #tpu.memory_space<vmem>>
    %dma_start3A_544 = arith.constant 0 : i32
    %dma_start3A_545 = arith.constant 0 : i32
    %dma_start3A_546 = tpu.memref_slice %arg5[%dma_start3A_531, %dma_start3A_544, %dma_start3A_545] : memref<2x8x128xi32, #tpu.memory_space<vmem>> -> memref<1x8x128xi32, #tpu.memory_space<vmem>>
    %dma_start3A_547 = tpu.memref_squeeze %dma_start3A_546 : memref<1x8x128xi32, #tpu.memory_space<vmem>> -> memref<8x128xi32, #tpu.memory_space<vmem>>
    %dma_start3A_548 = arith.constant 0 : i32
    %dma_start3A_549 = tpu.memref_slice %dma_start3A_547[%dma_start3A_532, %dma_start3A_548] : memref<8x128xi32, #tpu.memory_space<vmem>> -> memref<1x128xi32, #tpu.memory_space<vmem>>
    %dma_start3A_550 = tpu.memref_squeeze %dma_start3A_549 : memref<1x128xi32, #tpu.memory_space<vmem>> -> memref<128xi32, #tpu.memory_space<vmem>>
    %dma_start3A_551 = arith.constant 0 : i32
    %dma_start3A_552 = arith.constant 0 : i32
    %dma_start3A_553 = tpu.memref_slice %arg3[%dma_start3A_551, %dma_start3A_552] : memref<1000000x32xf32, #tpu.memory_space<hbm>> -> memref<1000000x32xf32, #tpu.memory_space<hbm>>
    tpu.enqueue_indirect_dma source(%dma_start3A_553 : memref<1000000x32xf32, #tpu.memory_space<hbm>>) target(%dma_start3A_543 : memref<128x32xf32, #tpu.memory_space<vmem>>) offsets(%dma_start3A_550 : memref<128xi32, #tpu.memory_space<vmem>>) semaphore(%arg8 : memref<!tpu.dma_semaphore, #tpu.memory_space<semaphore_mem>>)
    %dma_start3A_554 = arith.constant 1 : i32
    %dma_start3A_555 = arith.constant 6 : i32
    %dma_start3A_556 = arith.constant 1 : i32
    %dma_start3A_557 = arith.constant 6 : i32
    %dma_start3A_558 = arith.constant 0 : i32
    %dma_start3A_559 = arith.constant 0 : i32
    %dma_start3A_560 = arith.constant 0 : i32
    %dma_start3A_561 = tpu.memref_slice %arg6[%dma_start3A_556, %dma_start3A_558, %dma_start3A_559, %dma_start3A_560] : memref<2x8x128x32xf32, #tpu.memory_space<vmem>> -> memref<1x8x128x32xf32, #tpu.memory_space<vmem>>
    %dma_start3A_562 = tpu.memref_squeeze %dma_start3A_561 : memref<1x8x128x32xf32, #tpu.memory_space<vmem>> -> memref<8x128x32xf32, #tpu.memory_space<vmem>>
    %dma_start3A_563 = arith.constant 0 : i32
    %dma_start3A_564 = arith.constant 0 : i32
    %dma_start3A_565 = tpu.memref_slice %dma_start3A_562[%dma_start3A_557, %dma_start3A_563, %dma_start3A_564] : memref<8x128x32xf32, #tpu.memory_space<vmem>> -> memref<1x128x32xf32, #tpu.memory_space<vmem>>
    %dma_start3A_566 = tpu.memref_squeeze %dma_start3A_565 : memref<1x128x32xf32, #tpu.memory_space<vmem>> -> memref<128x32xf32, #tpu.memory_space<vmem>>
    %dma_start3A_567 = arith.constant 0 : i32
    %dma_start3A_568 = arith.constant 0 : i32
    %dma_start3A_569 = tpu.memref_slice %arg5[%dma_start3A_554, %dma_start3A_567, %dma_start3A_568] : memref<2x8x128xi32, #tpu.memory_space<vmem>> -> memref<1x8x128xi32, #tpu.memory_space<vmem>>
    %dma_start3A_570 = tpu.memref_squeeze %dma_start3A_569 : memref<1x8x128xi32, #tpu.memory_space<vmem>> -> memref<8x128xi32, #tpu.memory_space<vmem>>
    %dma_start3A_571 = arith.constant 0 : i32
    %dma_start3A_572 = tpu.memref_slice %dma_start3A_570[%dma_start3A_555, %dma_start3A_571] : memref<8x128xi32, #tpu.memory_space<vmem>> -> memref<1x128xi32, #tpu.memory_space<vmem>>
    %dma_start3A_573 = tpu.memref_squeeze %dma_start3A_572 : memref<1x128xi32, #tpu.memory_space<vmem>> -> memref<128xi32, #tpu.memory_space<vmem>>
    %dma_start3A_574 = arith.constant 0 : i32
    %dma_start3A_575 = arith.constant 0 : i32
    %dma_start3A_576 = tpu.memref_slice %arg3[%dma_start3A_574, %dma_start3A_575] : memref<1000000x32xf32, #tpu.memory_space<hbm>> -> memref<1000000x32xf32, #tpu.memory_space<hbm>>
    tpu.enqueue_indirect_dma source(%dma_start3A_576 : memref<1000000x32xf32, #tpu.memory_space<hbm>>) target(%dma_start3A_566 : memref<128x32xf32, #tpu.memory_space<vmem>>) offsets(%dma_start3A_573 : memref<128xi32, #tpu.memory_space<vmem>>) semaphore(%arg8 : memref<!tpu.dma_semaphore, #tpu.memory_space<semaphore_mem>>)
    %dma_start3A_577 = arith.constant 1 : i32
    %dma_start3A_578 = arith.constant 7 : i32
    %dma_start3A_579 = arith.constant 1 : i32
    %dma_start3A_580 = arith.constant 7 : i32
    %dma_start3A_581 = arith.constant 0 : i32
    %dma_start3A_582 = arith.constant 0 : i32
    %dma_start3A_583 = arith.constant 0 : i32
    %dma_start3A_584 = tpu.memref_slice %arg6[%dma_start3A_579, %dma_start3A_581, %dma_start3A_582, %dma_start3A_583] : memref<2x8x128x32xf32, #tpu.memory_space<vmem>> -> memref<1x8x128x32xf32, #tpu.memory_space<vmem>>
    %dma_start3A_585 = tpu.memref_squeeze %dma_start3A_584 : memref<1x8x128x32xf32, #tpu.memory_space<vmem>> -> memref<8x128x32xf32, #tpu.memory_space<vmem>>
    %dma_start3A_586 = arith.constant 0 : i32
    %dma_start3A_587 = arith.constant 0 : i32
    %dma_start3A_588 = tpu.memref_slice %dma_start3A_585[%dma_start3A_580, %dma_start3A_586, %dma_start3A_587] : memref<8x128x32xf32, #tpu.memory_space<vmem>> -> memref<1x128x32xf32, #tpu.memory_space<vmem>>
    %dma_start3A_589 = tpu.memref_squeeze %dma_start3A_588 : memref<1x128x32xf32, #tpu.memory_space<vmem>> -> memref<128x32xf32, #tpu.memory_space<vmem>>
    %dma_start3A_590 = arith.constant 0 : i32
    %dma_start3A_591 = arith.constant 0 : i32
    %dma_start3A_592 = tpu.memref_slice %arg5[%dma_start3A_577, %dma_start3A_590, %dma_start3A_591] : memref<2x8x128xi32, #tpu.memory_space<vmem>> -> memref<1x8x128xi32, #tpu.memory_space<vmem>>
    %dma_start3A_593 = tpu.memref_squeeze %dma_start3A_592 : memref<1x8x128xi32, #tpu.memory_space<vmem>> -> memref<8x128xi32, #tpu.memory_space<vmem>>
    %dma_start3A_594 = arith.constant 0 : i32
    %dma_start3A_595 = tpu.memref_slice %dma_start3A_593[%dma_start3A_578, %dma_start3A_594] : memref<8x128xi32, #tpu.memory_space<vmem>> -> memref<1x128xi32, #tpu.memory_space<vmem>>
    %dma_start3A_596 = tpu.memref_squeeze %dma_start3A_595 : memref<1x128xi32, #tpu.memory_space<vmem>> -> memref<128xi32, #tpu.memory_space<vmem>>
    %dma_start3A_597 = arith.constant 0 : i32
    %dma_start3A_598 = arith.constant 0 : i32
    %dma_start3A_599 = tpu.memref_slice %arg3[%dma_start3A_597, %dma_start3A_598] : memref<1000000x32xf32, #tpu.memory_space<hbm>> -> memref<1000000x32xf32, #tpu.memory_space<hbm>>
    tpu.enqueue_indirect_dma source(%dma_start3A_599 : memref<1000000x32xf32, #tpu.memory_space<hbm>>) target(%dma_start3A_589 : memref<128x32xf32, #tpu.memory_space<vmem>>) offsets(%dma_start3A_596 : memref<128xi32, #tpu.memory_space<vmem>>) semaphore(%arg8 : memref<!tpu.dma_semaphore, #tpu.memory_space<semaphore_mem>>)
    %add3A_600 = arith.constant 16 : i32
    %add3A_601 = arith.addi %mul3A_2, %add3A_600 : i32
    %dma_start3A_602 = arith.constant 0 : i32
    %dma_start3A_603 = arith.constant 0 : i32
    %dma_start3A_604 = arith.constant 0 : i32
    %dma_start3A_605 = tpu.memref_slice %arg5[%dma_start3A_602, %dma_start3A_603, %dma_start3A_604] : memref<2x8x128xi32, #tpu.memory_space<vmem>> -> memref<1x8x128xi32, #tpu.memory_space<vmem>>
    %dma_start3A_606 = tpu.memref_squeeze %dma_start3A_605 : memref<1x8x128xi32, #tpu.memory_space<vmem>> -> memref<8x128xi32, #tpu.memory_space<vmem>>
    %dma_start3A_607 = arith.constant 0 : i32
    %dma_start3A_608 = tpu.memref_slice %arg2[%add3A_601, %dma_start3A_607] : memref<12800x128xi32, #tpu.memory_space<hbm>> -> memref<8x128xi32, #tpu.memory_space<hbm>>
    %dma_start3A_609 = arith.constant 0 : i32
    %dma_start3A_610 = arith.constant 0 : i32
    %dma_start3A_611 = tpu.memref_slice %arg5[%dma_start3A_602, %dma_start3A_609, %dma_start3A_610] : memref<2x8x128xi32, #tpu.memory_space<vmem>> -> memref<1x8x128xi32, #tpu.memory_space<vmem>>
    %dma_start3A_612 = tpu.memref_squeeze %dma_start3A_611 : memref<1x8x128xi32, #tpu.memory_space<vmem>> -> memref<8x128xi32, #tpu.memory_space<vmem>>
    %dma_start3A_613 = arith.constant 0 : i32
    %dma_start3A_614 = tpu.memref_slice %arg2[%add3A_601, %dma_start3A_613] : memref<12800x128xi32, #tpu.memory_space<hbm>> -> memref<8x128xi32, #tpu.memory_space<hbm>>
    tpu.enqueue_dma source(%dma_start3A_614 : memref<8x128xi32, #tpu.memory_space<hbm>>) target(%dma_start3A_612 : memref<8x128xi32, #tpu.memory_space<vmem>>) target_semaphore(%arg7 : memref<!tpu.dma_semaphore, #tpu.memory_space<semaphore_mem>>)
    %dma_wait3A_615 = arith.constant 1 : i32
    %dma_wait3A_616 = arith.constant 0 : i32
    %dma_wait3A_617 = arith.constant 1 : i32
    %dma_wait3A_618 = arith.constant 0 : i32
    %dma_wait3A_619 = arith.constant 0 : i32
    %dma_wait3A_620 = arith.constant 0 : i32
    %dma_wait3A_621 = arith.constant 0 : i32
    %dma_wait3A_622 = tpu.memref_slice %arg6[%dma_wait3A_617, %dma_wait3A_619, %dma_wait3A_620, %dma_wait3A_621] : memref<2x8x128x32xf32, #tpu.memory_space<vmem>> -> memref<1x8x128x32xf32, #tpu.memory_space<vmem>>
    %dma_wait3A_623 = tpu.memref_squeeze %dma_wait3A_622 : memref<1x8x128x32xf32, #tpu.memory_space<vmem>> -> memref<8x128x32xf32, #tpu.memory_space<vmem>>
    %dma_wait3A_624 = arith.constant 0 : i32
    %dma_wait3A_625 = arith.constant 0 : i32
    %dma_wait3A_626 = tpu.memref_slice %dma_wait3A_623[%dma_wait3A_618, %dma_wait3A_624, %dma_wait3A_625] : memref<8x128x32xf32, #tpu.memory_space<vmem>> -> memref<1x128x32xf32, #tpu.memory_space<vmem>>
    %dma_wait3A_627 = tpu.memref_squeeze %dma_wait3A_626 : memref<1x128x32xf32, #tpu.memory_space<vmem>> -> memref<128x32xf32, #tpu.memory_space<vmem>>
    %dma_wait3A_628 = arith.constant 0 : i32
    %dma_wait3A_629 = arith.constant 0 : i32
    %dma_wait3A_630 = tpu.memref_slice %arg5[%dma_wait3A_615, %dma_wait3A_628, %dma_wait3A_629] : memref<2x8x128xi32, #tpu.memory_space<vmem>> -> memref<1x8x128xi32, #tpu.memory_space<vmem>>
    %dma_wait3A_631 = tpu.memref_squeeze %dma_wait3A_630 : memref<1x8x128xi32, #tpu.memory_space<vmem>> -> memref<8x128xi32, #tpu.memory_space<vmem>>
    %dma_wait3A_632 = arith.constant 0 : i32
    %dma_wait3A_633 = tpu.memref_slice %dma_wait3A_631[%dma_wait3A_616, %dma_wait3A_632] : memref<8x128xi32, #tpu.memory_space<vmem>> -> memref<1x128xi32, #tpu.memory_space<vmem>>
    %dma_wait3A_634 = tpu.memref_squeeze %dma_wait3A_633 : memref<1x128xi32, #tpu.memory_space<vmem>> -> memref<128xi32, #tpu.memory_space<vmem>>
    %dma_wait3A_635 = arith.constant 0 : i32
    %dma_wait3A_636 = arith.constant 0 : i32
    %dma_wait3A_637 = tpu.memref_slice %arg3[%dma_wait3A_635, %dma_wait3A_636] : memref<1000000x32xf32, #tpu.memory_space<hbm>> -> memref<1000000x32xf32, #tpu.memory_space<hbm>>
    tpu.wait_indirect_dma semaphore(%arg8 : memref<!tpu.dma_semaphore, #tpu.memory_space<semaphore_mem>>) src(%dma_wait3A_637 : memref<1000000x32xf32, #tpu.memory_space<hbm>>) dst(%dma_wait3A_627 : memref<128x32xf32, #tpu.memory_space<vmem>>)
    %dma_wait3A_638 = arith.constant 1 : i32
    %dma_wait3A_639 = arith.constant 1 : i32
    %dma_wait3A_640 = arith.constant 1 : i32
    %dma_wait3A_641 = arith.constant 1 : i32
    %dma_wait3A_642 = arith.constant 0 : i32
    %dma_wait3A_643 = arith.constant 0 : i32
    %dma_wait3A_644 = arith.constant 0 : i32
    %dma_wait3A_645 = tpu.memref_slice %arg6[%dma_wait3A_640, %dma_wait3A_642, %dma_wait3A_643, %dma_wait3A_644] : memref<2x8x128x32xf32, #tpu.memory_space<vmem>> -> memref<1x8x128x32xf32, #tpu.memory_space<vmem>>
    %dma_wait3A_646 = tpu.memref_squeeze %dma_wait3A_645 : memref<1x8x128x32xf32, #tpu.memory_space<vmem>> -> memref<8x128x32xf32, #tpu.memory_space<vmem>>
    %dma_wait3A_647 = arith.constant 0 : i32
    %dma_wait3A_648 = arith.constant 0 : i32
    %dma_wait3A_649 = tpu.memref_slice %dma_wait3A_646[%dma_wait3A_641, %dma_wait3A_647, %dma_wait3A_648] : memref<8x128x32xf32, #tpu.memory_space<vmem>> -> memref<1x128x32xf32, #tpu.memory_space<vmem>>
    %dma_wait3A_650 = tpu.memref_squeeze %dma_wait3A_649 : memref<1x128x32xf32, #tpu.memory_space<vmem>> -> memref<128x32xf32, #tpu.memory_space<vmem>>
    %dma_wait3A_651 = arith.constant 0 : i32
    %dma_wait3A_652 = arith.constant 0 : i32
    %dma_wait3A_653 = tpu.memref_slice %arg5[%dma_wait3A_638, %dma_wait3A_651, %dma_wait3A_652] : memref<2x8x128xi32, #tpu.memory_space<vmem>> -> memref<1x8x128xi32, #tpu.memory_space<vmem>>
    %dma_wait3A_654 = tpu.memref_squeeze %dma_wait3A_653 : memref<1x8x128xi32, #tpu.memory_space<vmem>> -> memref<8x128xi32, #tpu.memory_space<vmem>>
    %dma_wait3A_655 = arith.constant 0 : i32
    %dma_wait3A_656 = tpu.memref_slice %dma_wait3A_654[%dma_wait3A_639, %dma_wait3A_655] : memref<8x128xi32, #tpu.memory_space<vmem>> -> memref<1x128xi32, #tpu.memory_space<vmem>>
    %dma_wait3A_657 = tpu.memref_squeeze %dma_wait3A_656 : memref<1x128xi32, #tpu.memory_space<vmem>> -> memref<128xi32, #tpu.memory_space<vmem>>
    %dma_wait3A_658 = arith.constant 0 : i32
    %dma_wait3A_659 = arith.constant 0 : i32
    %dma_wait3A_660 = tpu.memref_slice %arg3[%dma_wait3A_658, %dma_wait3A_659] : memref<1000000x32xf32, #tpu.memory_space<hbm>> -> memref<1000000x32xf32, #tpu.memory_space<hbm>>
    tpu.wait_indirect_dma semaphore(%arg8 : memref<!tpu.dma_semaphore, #tpu.memory_space<semaphore_mem>>) src(%dma_wait3A_660 : memref<1000000x32xf32, #tpu.memory_space<hbm>>) dst(%dma_wait3A_650 : memref<128x32xf32, #tpu.memory_space<vmem>>)
    %dma_wait3A_661 = arith.constant 1 : i32
    %dma_wait3A_662 = arith.constant 2 : i32
    %dma_wait3A_663 = arith.constant 1 : i32
    %dma_wait3A_664 = arith.constant 2 : i32
    %dma_wait3A_665 = arith.constant 0 : i32
    %dma_wait3A_666 = arith.constant 0 : i32
    %dma_wait3A_667 = arith.constant 0 : i32
    %dma_wait3A_668 = tpu.memref_slice %arg6[%dma_wait3A_663, %dma_wait3A_665, %dma_wait3A_666, %dma_wait3A_667] : memref<2x8x128x32xf32, #tpu.memory_space<vmem>> -> memref<1x8x128x32xf32, #tpu.memory_space<vmem>>
    %dma_wait3A_669 = tpu.memref_squeeze %dma_wait3A_668 : memref<1x8x128x32xf32, #tpu.memory_space<vmem>> -> memref<8x128x32xf32, #tpu.memory_space<vmem>>
    %dma_wait3A_670 = arith.constant 0 : i32
    %dma_wait3A_671 = arith.constant 0 : i32
    %dma_wait3A_672 = tpu.memref_slice %dma_wait3A_669[%dma_wait3A_664, %dma_wait3A_670, %dma_wait3A_671] : memref<8x128x32xf32, #tpu.memory_space<vmem>> -> memref<1x128x32xf32, #tpu.memory_space<vmem>>
    %dma_wait3A_673 = tpu.memref_squeeze %dma_wait3A_672 : memref<1x128x32xf32, #tpu.memory_space<vmem>> -> memref<128x32xf32, #tpu.memory_space<vmem>>
    %dma_wait3A_674 = arith.constant 0 : i32
    %dma_wait3A_675 = arith.constant 0 : i32
    %dma_wait3A_676 = tpu.memref_slice %arg5[%dma_wait3A_661, %dma_wait3A_674, %dma_wait3A_675] : memref<2x8x128xi32, #tpu.memory_space<vmem>> -> memref<1x8x128xi32, #tpu.memory_space<vmem>>
    %dma_wait3A_677 = tpu.memref_squeeze %dma_wait3A_676 : memref<1x8x128xi32, #tpu.memory_space<vmem>> -> memref<8x128xi32, #tpu.memory_space<vmem>>
    %dma_wait3A_678 = arith.constant 0 : i32
    %dma_wait3A_679 = tpu.memref_slice %dma_wait3A_677[%dma_wait3A_662, %dma_wait3A_678] : memref<8x128xi32, #tpu.memory_space<vmem>> -> memref<1x128xi32, #tpu.memory_space<vmem>>
    %dma_wait3A_680 = tpu.memref_squeeze %dma_wait3A_679 : memref<1x128xi32, #tpu.memory_space<vmem>> -> memref<128xi32, #tpu.memory_space<vmem>>
    %dma_wait3A_681 = arith.constant 0 : i32
    %dma_wait3A_682 = arith.constant 0 : i32
    %dma_wait3A_683 = tpu.memref_slice %arg3[%dma_wait3A_681, %dma_wait3A_682] : memref<1000000x32xf32, #tpu.memory_space<hbm>> -> memref<1000000x32xf32, #tpu.memory_space<hbm>>
    tpu.wait_indirect_dma semaphore(%arg8 : memref<!tpu.dma_semaphore, #tpu.memory_space<semaphore_mem>>) src(%dma_wait3A_683 : memref<1000000x32xf32, #tpu.memory_space<hbm>>) dst(%dma_wait3A_673 : memref<128x32xf32, #tpu.memory_space<vmem>>)
    %dma_wait3A_684 = arith.constant 1 : i32
    %dma_wait3A_685 = arith.constant 3 : i32
    %dma_wait3A_686 = arith.constant 1 : i32
    %dma_wait3A_687 = arith.constant 3 : i32
    %dma_wait3A_688 = arith.constant 0 : i32
    %dma_wait3A_689 = arith.constant 0 : i32
    %dma_wait3A_690 = arith.constant 0 : i32
    %dma_wait3A_691 = tpu.memref_slice %arg6[%dma_wait3A_686, %dma_wait3A_688, %dma_wait3A_689, %dma_wait3A_690] : memref<2x8x128x32xf32, #tpu.memory_space<vmem>> -> memref<1x8x128x32xf32, #tpu.memory_space<vmem>>
    %dma_wait3A_692 = tpu.memref_squeeze %dma_wait3A_691 : memref<1x8x128x32xf32, #tpu.memory_space<vmem>> -> memref<8x128x32xf32, #tpu.memory_space<vmem>>
    %dma_wait3A_693 = arith.constant 0 : i32
    %dma_wait3A_694 = arith.constant 0 : i32
    %dma_wait3A_695 = tpu.memref_slice %dma_wait3A_692[%dma_wait3A_687, %dma_wait3A_693, %dma_wait3A_694] : memref<8x128x32xf32, #tpu.memory_space<vmem>> -> memref<1x128x32xf32, #tpu.memory_space<vmem>>
    %dma_wait3A_696 = tpu.memref_squeeze %dma_wait3A_695 : memref<1x128x32xf32, #tpu.memory_space<vmem>> -> memref<128x32xf32, #tpu.memory_space<vmem>>
    %dma_wait3A_697 = arith.constant 0 : i32
    %dma_wait3A_698 = arith.constant 0 : i32
    %dma_wait3A_699 = tpu.memref_slice %arg5[%dma_wait3A_684, %dma_wait3A_697, %dma_wait3A_698] : memref<2x8x128xi32, #tpu.memory_space<vmem>> -> memref<1x8x128xi32, #tpu.memory_space<vmem>>
    %dma_wait3A_700 = tpu.memref_squeeze %dma_wait3A_699 : memref<1x8x128xi32, #tpu.memory_space<vmem>> -> memref<8x128xi32, #tpu.memory_space<vmem>>
    %dma_wait3A_701 = arith.constant 0 : i32
    %dma_wait3A_702 = tpu.memref_slice %dma_wait3A_700[%dma_wait3A_685, %dma_wait3A_701] : memref<8x128xi32, #tpu.memory_space<vmem>> -> memref<1x128xi32, #tpu.memory_space<vmem>>
    %dma_wait3A_703 = tpu.memref_squeeze %dma_wait3A_702 : memref<1x128xi32, #tpu.memory_space<vmem>> -> memref<128xi32, #tpu.memory_space<vmem>>
    %dma_wait3A_704 = arith.constant 0 : i32
    %dma_wait3A_705 = arith.constant 0 : i32
    %dma_wait3A_706 = tpu.memref_slice %arg3[%dma_wait3A_704, %dma_wait3A_705] : memref<1000000x32xf32, #tpu.memory_space<hbm>> -> memref<1000000x32xf32, #tpu.memory_space<hbm>>
    tpu.wait_indirect_dma semaphore(%arg8 : memref<!tpu.dma_semaphore, #tpu.memory_space<semaphore_mem>>) src(%dma_wait3A_706 : memref<1000000x32xf32, #tpu.memory_space<hbm>>) dst(%dma_wait3A_696 : memref<128x32xf32, #tpu.memory_space<vmem>>)
    %dma_wait3A_707 = arith.constant 1 : i32
    %dma_wait3A_708 = arith.constant 4 : i32
    %dma_wait3A_709 = arith.constant 1 : i32
    %dma_wait3A_710 = arith.constant 4 : i32
    %dma_wait3A_711 = arith.constant 0 : i32
    %dma_wait3A_712 = arith.constant 0 : i32
    %dma_wait3A_713 = arith.constant 0 : i32
    %dma_wait3A_714 = tpu.memref_slice %arg6[%dma_wait3A_709, %dma_wait3A_711, %dma_wait3A_712, %dma_wait3A_713] : memref<2x8x128x32xf32, #tpu.memory_space<vmem>> -> memref<1x8x128x32xf32, #tpu.memory_space<vmem>>
    %dma_wait3A_715 = tpu.memref_squeeze %dma_wait3A_714 : memref<1x8x128x32xf32, #tpu.memory_space<vmem>> -> memref<8x128x32xf32, #tpu.memory_space<vmem>>
    %dma_wait3A_716 = arith.constant 0 : i32
    %dma_wait3A_717 = arith.constant 0 : i32
    %dma_wait3A_718 = tpu.memref_slice %dma_wait3A_715[%dma_wait3A_710, %dma_wait3A_716, %dma_wait3A_717] : memref<8x128x32xf32, #tpu.memory_space<vmem>> -> memref<1x128x32xf32, #tpu.memory_space<vmem>>
    %dma_wait3A_719 = tpu.memref_squeeze %dma_wait3A_718 : memref<1x128x32xf32, #tpu.memory_space<vmem>> -> memref<128x32xf32, #tpu.memory_space<vmem>>
    %dma_wait3A_720 = arith.constant 0 : i32
    %dma_wait3A_721 = arith.constant 0 : i32
    %dma_wait3A_722 = tpu.memref_slice %arg5[%dma_wait3A_707, %dma_wait3A_720, %dma_wait3A_721] : memref<2x8x128xi32, #tpu.memory_space<vmem>> -> memref<1x8x128xi32, #tpu.memory_space<vmem>>
    %dma_wait3A_723 = tpu.memref_squeeze %dma_wait3A_722 : memref<1x8x128xi32, #tpu.memory_space<vmem>> -> memref<8x128xi32, #tpu.memory_space<vmem>>
    %dma_wait3A_724 = arith.constant 0 : i32
    %dma_wait3A_725 = tpu.memref_slice %dma_wait3A_723[%dma_wait3A_708, %dma_wait3A_724] : memref<8x128xi32, #tpu.memory_space<vmem>> -> memref<1x128xi32, #tpu.memory_space<vmem>>
    %dma_wait3A_726 = tpu.memref_squeeze %dma_wait3A_725 : memref<1x128xi32, #tpu.memory_space<vmem>> -> memref<128xi32, #tpu.memory_space<vmem>>
    %dma_wait3A_727 = arith.constant 0 : i32
    %dma_wait3A_728 = arith.constant 0 : i32
    %dma_wait3A_729 = tpu.memref_slice %arg3[%dma_wait3A_727, %dma_wait3A_728] : memref<1000000x32xf32, #tpu.memory_space<hbm>> -> memref<1000000x32xf32, #tpu.memory_space<hbm>>
    tpu.wait_indirect_dma semaphore(%arg8 : memref<!tpu.dma_semaphore, #tpu.memory_space<semaphore_mem>>) src(%dma_wait3A_729 : memref<1000000x32xf32, #tpu.memory_space<hbm>>) dst(%dma_wait3A_719 : memref<128x32xf32, #tpu.memory_space<vmem>>)
    %dma_wait3A_730 = arith.constant 1 : i32
    %dma_wait3A_731 = arith.constant 5 : i32
    %dma_wait3A_732 = arith.constant 1 : i32
    %dma_wait3A_733 = arith.constant 5 : i32
    %dma_wait3A_734 = arith.constant 0 : i32
    %dma_wait3A_735 = arith.constant 0 : i32
    %dma_wait3A_736 = arith.constant 0 : i32
    %dma_wait3A_737 = tpu.memref_slice %arg6[%dma_wait3A_732, %dma_wait3A_734, %dma_wait3A_735, %dma_wait3A_736] : memref<2x8x128x32xf32, #tpu.memory_space<vmem>> -> memref<1x8x128x32xf32, #tpu.memory_space<vmem>>
    %dma_wait3A_738 = tpu.memref_squeeze %dma_wait3A_737 : memref<1x8x128x32xf32, #tpu.memory_space<vmem>> -> memref<8x128x32xf32, #tpu.memory_space<vmem>>
    %dma_wait3A_739 = arith.constant 0 : i32
    %dma_wait3A_740 = arith.constant 0 : i32
    %dma_wait3A_741 = tpu.memref_slice %dma_wait3A_738[%dma_wait3A_733, %dma_wait3A_739, %dma_wait3A_740] : memref<8x128x32xf32, #tpu.memory_space<vmem>> -> memref<1x128x32xf32, #tpu.memory_space<vmem>>
    %dma_wait3A_742 = tpu.memref_squeeze %dma_wait3A_741 : memref<1x128x32xf32, #tpu.memory_space<vmem>> -> memref<128x32xf32, #tpu.memory_space<vmem>>
    %dma_wait3A_743 = arith.constant 0 : i32
    %dma_wait3A_744 = arith.constant 0 : i32
    %dma_wait3A_745 = tpu.memref_slice %arg5[%dma_wait3A_730, %dma_wait3A_743, %dma_wait3A_744] : memref<2x8x128xi32, #tpu.memory_space<vmem>> -> memref<1x8x128xi32, #tpu.memory_space<vmem>>
    %dma_wait3A_746 = tpu.memref_squeeze %dma_wait3A_745 : memref<1x8x128xi32, #tpu.memory_space<vmem>> -> memref<8x128xi32, #tpu.memory_space<vmem>>
    %dma_wait3A_747 = arith.constant 0 : i32
    %dma_wait3A_748 = tpu.memref_slice %dma_wait3A_746[%dma_wait3A_731, %dma_wait3A_747] : memref<8x128xi32, #tpu.memory_space<vmem>> -> memref<1x128xi32, #tpu.memory_space<vmem>>
    %dma_wait3A_749 = tpu.memref_squeeze %dma_wait3A_748 : memref<1x128xi32, #tpu.memory_space<vmem>> -> memref<128xi32, #tpu.memory_space<vmem>>
    %dma_wait3A_750 = arith.constant 0 : i32
    %dma_wait3A_751 = arith.constant 0 : i32
    %dma_wait3A_752 = tpu.memref_slice %arg3[%dma_wait3A_750, %dma_wait3A_751] : memref<1000000x32xf32, #tpu.memory_space<hbm>> -> memref<1000000x32xf32, #tpu.memory_space<hbm>>
    tpu.wait_indirect_dma semaphore(%arg8 : memref<!tpu.dma_semaphore, #tpu.memory_space<semaphore_mem>>) src(%dma_wait3A_752 : memref<1000000x32xf32, #tpu.memory_space<hbm>>) dst(%dma_wait3A_742 : memref<128x32xf32, #tpu.memory_space<vmem>>)
    %dma_wait3A_753 = arith.constant 1 : i32
    %dma_wait3A_754 = arith.constant 6 : i32
    %dma_wait3A_755 = arith.constant 1 : i32
    %dma_wait3A_756 = arith.constant 6 : i32
    %dma_wait3A_757 = arith.constant 0 : i32
    %dma_wait3A_758 = arith.constant 0 : i32
    %dma_wait3A_759 = arith.constant 0 : i32
    %dma_wait3A_760 = tpu.memref_slice %arg6[%dma_wait3A_755, %dma_wait3A_757, %dma_wait3A_758, %dma_wait3A_759] : memref<2x8x128x32xf32, #tpu.memory_space<vmem>> -> memref<1x8x128x32xf32, #tpu.memory_space<vmem>>
    %dma_wait3A_761 = tpu.memref_squeeze %dma_wait3A_760 : memref<1x8x128x32xf32, #tpu.memory_space<vmem>> -> memref<8x128x32xf32, #tpu.memory_space<vmem>>
    %dma_wait3A_762 = arith.constant 0 : i32
    %dma_wait3A_763 = arith.constant 0 : i32
    %dma_wait3A_764 = tpu.memref_slice %dma_wait3A_761[%dma_wait3A_756, %dma_wait3A_762, %dma_wait3A_763] : memref<8x128x32xf32, #tpu.memory_space<vmem>> -> memref<1x128x32xf32, #tpu.memory_space<vmem>>
    %dma_wait3A_765 = tpu.memref_squeeze %dma_wait3A_764 : memref<1x128x32xf32, #tpu.memory_space<vmem>> -> memref<128x32xf32, #tpu.memory_space<vmem>>
    %dma_wait3A_766 = arith.constant 0 : i32
    %dma_wait3A_767 = arith.constant 0 : i32
    %dma_wait3A_768 = tpu.memref_slice %arg5[%dma_wait3A_753, %dma_wait3A_766, %dma_wait3A_767] : memref<2x8x128xi32, #tpu.memory_space<vmem>> -> memref<1x8x128xi32, #tpu.memory_space<vmem>>
    %dma_wait3A_769 = tpu.memref_squeeze %dma_wait3A_768 : memref<1x8x128xi32, #tpu.memory_space<vmem>> -> memref<8x128xi32, #tpu.memory_space<vmem>>
    %dma_wait3A_770 = arith.constant 0 : i32
    %dma_wait3A_771 = tpu.memref_slice %dma_wait3A_769[%dma_wait3A_754, %dma_wait3A_770] : memref<8x128xi32, #tpu.memory_space<vmem>> -> memref<1x128xi32, #tpu.memory_space<vmem>>
    %dma_wait3A_772 = tpu.memref_squeeze %dma_wait3A_771 : memref<1x128xi32, #tpu.memory_space<vmem>> -> memref<128xi32, #tpu.memory_space<vmem>>
    %dma_wait3A_773 = arith.constant 0 : i32
    %dma_wait3A_774 = arith.constant 0 : i32
    %dma_wait3A_775 = tpu.memref_slice %arg3[%dma_wait3A_773, %dma_wait3A_774] : memref<1000000x32xf32, #tpu.memory_space<hbm>> -> memref<1000000x32xf32, #tpu.memory_space<hbm>>
    tpu.wait_indirect_dma semaphore(%arg8 : memref<!tpu.dma_semaphore, #tpu.memory_space<semaphore_mem>>) src(%dma_wait3A_775 : memref<1000000x32xf32, #tpu.memory_space<hbm>>) dst(%dma_wait3A_765 : memref<128x32xf32, #tpu.memory_space<vmem>>)
    %dma_wait3A_776 = arith.constant 1 : i32
    %dma_wait3A_777 = arith.constant 7 : i32
    %dma_wait3A_778 = arith.constant 1 : i32
    %dma_wait3A_779 = arith.constant 7 : i32
    %dma_wait3A_780 = arith.constant 0 : i32
    %dma_wait3A_781 = arith.constant 0 : i32
    %dma_wait3A_782 = arith.constant 0 : i32
    %dma_wait3A_783 = tpu.memref_slice %arg6[%dma_wait3A_778, %dma_wait3A_780, %dma_wait3A_781, %dma_wait3A_782] : memref<2x8x128x32xf32, #tpu.memory_space<vmem>> -> memref<1x8x128x32xf32, #tpu.memory_space<vmem>>
    %dma_wait3A_784 = tpu.memref_squeeze %dma_wait3A_783 : memref<1x8x128x32xf32, #tpu.memory_space<vmem>> -> memref<8x128x32xf32, #tpu.memory_space<vmem>>
    %dma_wait3A_785 = arith.constant 0 : i32
    %dma_wait3A_786 = arith.constant 0 : i32
    %dma_wait3A_787 = tpu.memref_slice %dma_wait3A_784[%dma_wait3A_779, %dma_wait3A_785, %dma_wait3A_786] : memref<8x128x32xf32, #tpu.memory_space<vmem>> -> memref<1x128x32xf32, #tpu.memory_space<vmem>>
    %dma_wait3A_788 = tpu.memref_squeeze %dma_wait3A_787 : memref<1x128x32xf32, #tpu.memory_space<vmem>> -> memref<128x32xf32, #tpu.memory_space<vmem>>
    %dma_wait3A_789 = arith.constant 0 : i32
    %dma_wait3A_790 = arith.constant 0 : i32
    %dma_wait3A_791 = tpu.memref_slice %arg5[%dma_wait3A_776, %dma_wait3A_789, %dma_wait3A_790] : memref<2x8x128xi32, #tpu.memory_space<vmem>> -> memref<1x8x128xi32, #tpu.memory_space<vmem>>
    %dma_wait3A_792 = tpu.memref_squeeze %dma_wait3A_791 : memref<1x8x128xi32, #tpu.memory_space<vmem>> -> memref<8x128xi32, #tpu.memory_space<vmem>>
    %dma_wait3A_793 = arith.constant 0 : i32
    %dma_wait3A_794 = tpu.memref_slice %dma_wait3A_792[%dma_wait3A_777, %dma_wait3A_793] : memref<8x128xi32, #tpu.memory_space<vmem>> -> memref<1x128xi32, #tpu.memory_space<vmem>>
    %dma_wait3A_795 = tpu.memref_squeeze %dma_wait3A_794 : memref<1x128xi32, #tpu.memory_space<vmem>> -> memref<128xi32, #tpu.memory_space<vmem>>
    %dma_wait3A_796 = arith.constant 0 : i32
    %dma_wait3A_797 = arith.constant 0 : i32
    %dma_wait3A_798 = tpu.memref_slice %arg3[%dma_wait3A_796, %dma_wait3A_797] : memref<1000000x32xf32, #tpu.memory_space<hbm>> -> memref<1000000x32xf32, #tpu.memory_space<hbm>>
    tpu.wait_indirect_dma semaphore(%arg8 : memref<!tpu.dma_semaphore, #tpu.memory_space<semaphore_mem>>) src(%dma_wait3A_798 : memref<1000000x32xf32, #tpu.memory_space<hbm>>) dst(%dma_wait3A_788 : memref<128x32xf32, #tpu.memory_space<vmem>>)
    %add3A_799 = arith.constant 8 : i32
    %add3A_800 = arith.addi %mul3A_2, %add3A_799 : i32
    %dma_start3A_801 = arith.constant 1 : i32
    %dma_start3A_802 = arith.constant 0 : i32
    %dma_start3A_803 = arith.constant 0 : i32
    %dma_start3A_804 = arith.constant 0 : i32
    %dma_start3A_805 = tpu.memref_slice %arg6[%dma_start3A_801, %dma_start3A_802, %dma_start3A_803, %dma_start3A_804] : memref<2x8x128x32xf32, #tpu.memory_space<vmem>> -> memref<1x8x128x32xf32, #tpu.memory_space<vmem>>
    %dma_start3A_806 = tpu.memref_squeeze %dma_start3A_805 : memref<1x8x128x32xf32, #tpu.memory_space<vmem>> -> memref<8x128x32xf32, #tpu.memory_space<vmem>>
    %dma_start3A_807 = arith.constant 0 : i32
    %dma_start3A_808 = arith.constant 0 : i32
    %dma_start3A_809 = tpu.memref_slice %arg4[%add3A_800, %dma_start3A_807, %dma_start3A_808] : memref<12800x128x32xf32, #tpu.memory_space<hbm>> -> memref<8x128x32xf32, #tpu.memory_space<hbm>>
    %dma_start3A_810 = arith.constant 0 : i32
    %dma_start3A_811 = arith.constant 0 : i32
    %dma_start3A_812 = tpu.memref_slice %arg4[%add3A_800, %dma_start3A_810, %dma_start3A_811] : memref<12800x128x32xf32, #tpu.memory_space<hbm>> -> memref<8x128x32xf32, #tpu.memory_space<hbm>>
    %dma_start3A_813 = arith.constant 0 : i32
    %dma_start3A_814 = arith.constant 0 : i32
    %dma_start3A_815 = arith.constant 0 : i32
    %dma_start3A_816 = tpu.memref_slice %arg6[%dma_start3A_801, %dma_start3A_813, %dma_start3A_814, %dma_start3A_815] : memref<2x8x128x32xf32, #tpu.memory_space<vmem>> -> memref<1x8x128x32xf32, #tpu.memory_space<vmem>>
    %dma_start3A_817 = tpu.memref_squeeze %dma_start3A_816 : memref<1x8x128x32xf32, #tpu.memory_space<vmem>> -> memref<8x128x32xf32, #tpu.memory_space<vmem>>
    tpu.enqueue_dma source(%dma_start3A_817 : memref<8x128x32xf32, #tpu.memory_space<vmem>>) target(%dma_start3A_812 : memref<8x128x32xf32, #tpu.memory_space<hbm>>) target_semaphore(%arg10 : memref<!tpu.dma_semaphore, #tpu.memory_space<semaphore_mem>>)
    %scan3A = arith.constant 0 : i32
    %scan3A_818 = arith.constant 1 : i32
    %scan3A_819 = arith.constant 24 : i32
    %scan3A_820 = arith.addi %scan3A_818, %scan3A_819 : i32
    %scan3A_821 = arith.constant 1 : i32
    scf.for %scan3A_870 = %scan3A_818 to %scan3A_820 step %scan3A_821  : i32 {
      %mul3A_871 = arith.constant 2 : i32
      %mul3A_872 = arith.muli %mul3A_871, %scan3A_870 : i32
      %dma_wait3A_873 = arith.constant 0 : i32
      %dma_wait3A_874 = arith.constant 0 : i32
      %dma_wait3A_875 = arith.constant 0 : i32
      %dma_wait3A_876 = tpu.memref_slice %arg5[%dma_wait3A_873, %dma_wait3A_874, %dma_wait3A_875] : memref<2x8x128xi32, #tpu.memory_space<vmem>> -> memref<1x8x128xi32, #tpu.memory_space<vmem>>
      %dma_wait3A_877 = tpu.memref_squeeze %dma_wait3A_876 : memref<1x8x128xi32, #tpu.memory_space<vmem>> -> memref<8x128xi32, #tpu.memory_space<vmem>>
      %dma_wait3A_878 = arith.constant 0 : i32
      %dma_wait3A_879 = tpu.memref_slice %arg2[%mul3A_2, %dma_wait3A_878] : memref<12800x128xi32, #tpu.memory_space<hbm>> -> memref<8x128xi32, #tpu.memory_space<hbm>>
      %dma_wait3A_880 = arith.constant 0 : i32
      %dma_wait3A_881 = arith.constant 0 : i32
      %dma_wait3A_882 = tpu.memref_slice %arg5[%dma_wait3A_873, %dma_wait3A_880, %dma_wait3A_881] : memref<2x8x128xi32, #tpu.memory_space<vmem>> -> memref<1x8x128xi32, #tpu.memory_space<vmem>>
      %dma_wait3A_883 = tpu.memref_squeeze %dma_wait3A_882 : memref<1x8x128xi32, #tpu.memory_space<vmem>> -> memref<8x128xi32, #tpu.memory_space<vmem>>
      %dma_wait3A_884 = arith.constant 0 : i32
      %dma_wait3A_885 = tpu.memref_slice %arg2[%mul3A_2, %dma_wait3A_884] : memref<12800x128xi32, #tpu.memory_space<hbm>> -> memref<8x128xi32, #tpu.memory_space<hbm>>
      tpu.wait_dma2 semaphore(%arg7 : memref<!tpu.dma_semaphore, #tpu.memory_space<semaphore_mem>>) src(%dma_wait3A_885 : memref<8x128xi32, #tpu.memory_space<hbm>>) dst(%dma_wait3A_883 : memref<8x128xi32, #tpu.memory_space<vmem>>)
      %dma_wait3A_886 = arith.constant 0 : i32
      %dma_wait3A_887 = arith.constant 0 : i32
      %dma_wait3A_888 = arith.constant 0 : i32
      %dma_wait3A_889 = arith.constant 0 : i32
      %dma_wait3A_890 = tpu.memref_slice %arg6[%dma_wait3A_886, %dma_wait3A_887, %dma_wait3A_888, %dma_wait3A_889] : memref<2x8x128x32xf32, #tpu.memory_space<vmem>> -> memref<1x8x128x32xf32, #tpu.memory_space<vmem>>
      %dma_wait3A_891 = tpu.memref_squeeze %dma_wait3A_890 : memref<1x8x128x32xf32, #tpu.memory_space<vmem>> -> memref<8x128x32xf32, #tpu.memory_space<vmem>>
      %dma_wait3A_892 = arith.constant 0 : i32
      %dma_wait3A_893 = arith.constant 0 : i32
      %dma_wait3A_894 = tpu.memref_slice %arg4[%mul3A_2, %dma_wait3A_892, %dma_wait3A_893] : memref<12800x128x32xf32, #tpu.memory_space<hbm>> -> memref<8x128x32xf32, #tpu.memory_space<hbm>>
      %dma_wait3A_895 = arith.constant 0 : i32
      %dma_wait3A_896 = arith.constant 0 : i32
      %dma_wait3A_897 = tpu.memref_slice %arg4[%mul3A_2, %dma_wait3A_895, %dma_wait3A_896] : memref<12800x128x32xf32, #tpu.memory_space<hbm>> -> memref<8x128x32xf32, #tpu.memory_space<hbm>>
      %dma_wait3A_898 = arith.constant 0 : i32
      %dma_wait3A_899 = arith.constant 0 : i32
      %dma_wait3A_900 = arith.constant 0 : i32
      %dma_wait3A_901 = tpu.memref_slice %arg6[%dma_wait3A_886, %dma_wait3A_898, %dma_wait3A_899, %dma_wait3A_900] : memref<2x8x128x32xf32, #tpu.memory_space<vmem>> -> memref<1x8x128x32xf32, #tpu.memory_space<vmem>>
      %dma_wait3A_902 = tpu.memref_squeeze %dma_wait3A_901 : memref<1x8x128x32xf32, #tpu.memory_space<vmem>> -> memref<8x128x32xf32, #tpu.memory_space<vmem>>
      tpu.wait_dma2 semaphore(%arg9 : memref<!tpu.dma_semaphore, #tpu.memory_space<semaphore_mem>>) src(%dma_wait3A_902 : memref<8x128x32xf32, #tpu.memory_space<vmem>>) dst(%dma_wait3A_897 : memref<8x128x32xf32, #tpu.memory_space<hbm>>)
      %dma_start3A_903 = arith.constant 0 : i32
      %dma_start3A_904 = arith.constant 0 : i32
      %dma_start3A_905 = arith.constant 0 : i32
      %dma_start3A_906 = arith.constant 0 : i32
      %dma_start3A_907 = arith.constant 0 : i32
      %dma_start3A_908 = arith.constant 0 : i32
      %dma_start3A_909 = arith.constant 0 : i32
      %dma_start3A_910 = tpu.memref_slice %arg6[%dma_start3A_905, %dma_start3A_907, %dma_start3A_908, %dma_start3A_909] : memref<2x8x128x32xf32, #tpu.memory_space<vmem>> -> memref<1x8x128x32xf32, #tpu.memory_space<vmem>>
      %dma_start3A_911 = tpu.memref_squeeze %dma_start3A_910 : memref<1x8x128x32xf32, #tpu.memory_space<vmem>> -> memref<8x128x32xf32, #tpu.memory_space<vmem>>
      %dma_start3A_912 = arith.constant 0 : i32
      %dma_start3A_913 = arith.constant 0 : i32
      %dma_start3A_914 = tpu.memref_slice %dma_start3A_911[%dma_start3A_906, %dma_start3A_912, %dma_start3A_913] : memref<8x128x32xf32, #tpu.memory_space<vmem>> -> memref<1x128x32xf32, #tpu.memory_space<vmem>>
      %dma_start3A_915 = tpu.memref_squeeze %dma_start3A_914 : memref<1x128x32xf32, #tpu.memory_space<vmem>> -> memref<128x32xf32, #tpu.memory_space<vmem>>
      %dma_start3A_916 = arith.constant 0 : i32
      %dma_start3A_917 = arith.constant 0 : i32
      %dma_start3A_918 = tpu.memref_slice %arg5[%dma_start3A_903, %dma_start3A_916, %dma_start3A_917] : memref<2x8x128xi32, #tpu.memory_space<vmem>> -> memref<1x8x128xi32, #tpu.memory_space<vmem>>
      %dma_start3A_919 = tpu.memref_squeeze %dma_start3A_918 : memref<1x8x128xi32, #tpu.memory_space<vmem>> -> memref<8x128xi32, #tpu.memory_space<vmem>>
      %dma_start3A_920 = arith.constant 0 : i32
      %dma_start3A_921 = tpu.memref_slice %dma_start3A_919[%dma_start3A_904, %dma_start3A_920] : memref<8x128xi32, #tpu.memory_space<vmem>> -> memref<1x128xi32, #tpu.memory_space<vmem>>
      %dma_start3A_922 = tpu.memref_squeeze %dma_start3A_921 : memref<1x128xi32, #tpu.memory_space<vmem>> -> memref<128xi32, #tpu.memory_space<vmem>>
      %dma_start3A_923 = arith.constant 0 : i32
      %dma_start3A_924 = arith.constant 0 : i32
      %dma_start3A_925 = tpu.memref_slice %arg3[%dma_start3A_923, %dma_start3A_924] : memref<1000000x32xf32, #tpu.memory_space<hbm>> -> memref<1000000x32xf32, #tpu.memory_space<hbm>>
      tpu.enqueue_indirect_dma source(%dma_start3A_925 : memref<1000000x32xf32, #tpu.memory_space<hbm>>) target(%dma_start3A_915 : memref<128x32xf32, #tpu.memory_space<vmem>>) offsets(%dma_start3A_922 : memref<128xi32, #tpu.memory_space<vmem>>) semaphore(%arg8 : memref<!tpu.dma_semaphore, #tpu.memory_space<semaphore_mem>>)
      %dma_start3A_926 = arith.constant 0 : i32
      %dma_start3A_927 = arith.constant 1 : i32
      %dma_start3A_928 = arith.constant 0 : i32
      %dma_start3A_929 = arith.constant 1 : i32
      %dma_start3A_930 = arith.constant 0 : i32
      %dma_start3A_931 = arith.constant 0 : i32
      %dma_start3A_932 = arith.constant 0 : i32
      %dma_start3A_933 = tpu.memref_slice %arg6[%dma_start3A_928, %dma_start3A_930, %dma_start3A_931, %dma_start3A_932] : memref<2x8x128x32xf32, #tpu.memory_space<vmem>> -> memref<1x8x128x32xf32, #tpu.memory_space<vmem>>
      %dma_start3A_934 = tpu.memref_squeeze %dma_start3A_933 : memref<1x8x128x32xf32, #tpu.memory_space<vmem>> -> memref<8x128x32xf32, #tpu.memory_space<vmem>>
      %dma_start3A_935 = arith.constant 0 : i32
      %dma_start3A_936 = arith.constant 0 : i32
      %dma_start3A_937 = tpu.memref_slice %dma_start3A_934[%dma_start3A_929, %dma_start3A_935, %dma_start3A_936] : memref<8x128x32xf32, #tpu.memory_space<vmem>> -> memref<1x128x32xf32, #tpu.memory_space<vmem>>
      %dma_start3A_938 = tpu.memref_squeeze %dma_start3A_937 : memref<1x128x32xf32, #tpu.memory_space<vmem>> -> memref<128x32xf32, #tpu.memory_space<vmem>>
      %dma_start3A_939 = arith.constant 0 : i32
      %dma_start3A_940 = arith.constant 0 : i32
      %dma_start3A_941 = tpu.memref_slice %arg5[%dma_start3A_926, %dma_start3A_939, %dma_start3A_940] : memref<2x8x128xi32, #tpu.memory_space<vmem>> -> memref<1x8x128xi32, #tpu.memory_space<vmem>>
      %dma_start3A_942 = tpu.memref_squeeze %dma_start3A_941 : memref<1x8x128xi32, #tpu.memory_space<vmem>> -> memref<8x128xi32, #tpu.memory_space<vmem>>
      %dma_start3A_943 = arith.constant 0 : i32
      %dma_start3A_944 = tpu.memref_slice %dma_start3A_942[%dma_start3A_927, %dma_start3A_943] : memref<8x128xi32, #tpu.memory_space<vmem>> -> memref<1x128xi32, #tpu.memory_space<vmem>>
      %dma_start3A_945 = tpu.memref_squeeze %dma_start3A_944 : memref<1x128xi32, #tpu.memory_space<vmem>> -> memref<128xi32, #tpu.memory_space<vmem>>
      %dma_start3A_946 = arith.constant 0 : i32
      %dma_start3A_947 = arith.constant 0 : i32
      %dma_start3A_948 = tpu.memref_slice %arg3[%dma_start3A_946, %dma_start3A_947] : memref<1000000x32xf32, #tpu.memory_space<hbm>> -> memref<1000000x32xf32, #tpu.memory_space<hbm>>
      tpu.enqueue_indirect_dma source(%dma_start3A_948 : memref<1000000x32xf32, #tpu.memory_space<hbm>>) target(%dma_start3A_938 : memref<128x32xf32, #tpu.memory_space<vmem>>) offsets(%dma_start3A_945 : memref<128xi32, #tpu.memory_space<vmem>>) semaphore(%arg8 : memref<!tpu.dma_semaphore, #tpu.memory_space<semaphore_mem>>)
      %dma_start3A_949 = arith.constant 0 : i32
      %dma_start3A_950 = arith.constant 2 : i32
      %dma_start3A_951 = arith.constant 0 : i32
      %dma_start3A_952 = arith.constant 2 : i32
      %dma_start3A_953 = arith.constant 0 : i32
      %dma_start3A_954 = arith.constant 0 : i32
      %dma_start3A_955 = arith.constant 0 : i32
      %dma_start3A_956 = tpu.memref_slice %arg6[%dma_start3A_951, %dma_start3A_953, %dma_start3A_954, %dma_start3A_955] : memref<2x8x128x32xf32, #tpu.memory_space<vmem>> -> memref<1x8x128x32xf32, #tpu.memory_space<vmem>>
      %dma_start3A_957 = tpu.memref_squeeze %dma_start3A_956 : memref<1x8x128x32xf32, #tpu.memory_space<vmem>> -> memref<8x128x32xf32, #tpu.memory_space<vmem>>
      %dma_start3A_958 = arith.constant 0 : i32
      %dma_start3A_959 = arith.constant 0 : i32
      %dma_start3A_960 = tpu.memref_slice %dma_start3A_957[%dma_start3A_952, %dma_start3A_958, %dma_start3A_959] : memref<8x128x32xf32, #tpu.memory_space<vmem>> -> memref<1x128x32xf32, #tpu.memory_space<vmem>>
      %dma_start3A_961 = tpu.memref_squeeze %dma_start3A_960 : memref<1x128x32xf32, #tpu.memory_space<vmem>> -> memref<128x32xf32, #tpu.memory_space<vmem>>
      %dma_start3A_962 = arith.constant 0 : i32
      %dma_start3A_963 = arith.constant 0 : i32
      %dma_start3A_964 = tpu.memref_slice %arg5[%dma_start3A_949, %dma_start3A_962, %dma_start3A_963] : memref<2x8x128xi32, #tpu.memory_space<vmem>> -> memref<1x8x128xi32, #tpu.memory_space<vmem>>
      %dma_start3A_965 = tpu.memref_squeeze %dma_start3A_964 : memref<1x8x128xi32, #tpu.memory_space<vmem>> -> memref<8x128xi32, #tpu.memory_space<vmem>>
      %dma_start3A_966 = arith.constant 0 : i32
      %dma_start3A_967 = tpu.memref_slice %dma_start3A_965[%dma_start3A_950, %dma_start3A_966] : memref<8x128xi32, #tpu.memory_space<vmem>> -> memref<1x128xi32, #tpu.memory_space<vmem>>
      %dma_start3A_968 = tpu.memref_squeeze %dma_start3A_967 : memref<1x128xi32, #tpu.memory_space<vmem>> -> memref<128xi32, #tpu.memory_space<vmem>>
      %dma_start3A_969 = arith.constant 0 : i32
      %dma_start3A_970 = arith.constant 0 : i32
      %dma_start3A_971 = tpu.memref_slice %arg3[%dma_start3A_969, %dma_start3A_970] : memref<1000000x32xf32, #tpu.memory_space<hbm>> -> memref<1000000x32xf32, #tpu.memory_space<hbm>>
      tpu.enqueue_indirect_dma source(%dma_start3A_971 : memref<1000000x32xf32, #tpu.memory_space<hbm>>) target(%dma_start3A_961 : memref<128x32xf32, #tpu.memory_space<vmem>>) offsets(%dma_start3A_968 : memref<128xi32, #tpu.memory_space<vmem>>) semaphore(%arg8 : memref<!tpu.dma_semaphore, #tpu.memory_space<semaphore_mem>>)
      %dma_start3A_972 = arith.constant 0 : i32
      %dma_start3A_973 = arith.constant 3 : i32
      %dma_start3A_974 = arith.constant 0 : i32
      %dma_start3A_975 = arith.constant 3 : i32
      %dma_start3A_976 = arith.constant 0 : i32
      %dma_start3A_977 = arith.constant 0 : i32
      %dma_start3A_978 = arith.constant 0 : i32
      %dma_start3A_979 = tpu.memref_slice %arg6[%dma_start3A_974, %dma_start3A_976, %dma_start3A_977, %dma_start3A_978] : memref<2x8x128x32xf32, #tpu.memory_space<vmem>> -> memref<1x8x128x32xf32, #tpu.memory_space<vmem>>
      %dma_start3A_980 = tpu.memref_squeeze %dma_start3A_979 : memref<1x8x128x32xf32, #tpu.memory_space<vmem>> -> memref<8x128x32xf32, #tpu.memory_space<vmem>>
      %dma_start3A_981 = arith.constant 0 : i32
      %dma_start3A_982 = arith.constant 0 : i32
      %dma_start3A_983 = tpu.memref_slice %dma_start3A_980[%dma_start3A_975, %dma_start3A_981, %dma_start3A_982] : memref<8x128x32xf32, #tpu.memory_space<vmem>> -> memref<1x128x32xf32, #tpu.memory_space<vmem>>
      %dma_start3A_984 = tpu.memref_squeeze %dma_start3A_983 : memref<1x128x32xf32, #tpu.memory_space<vmem>> -> memref<128x32xf32, #tpu.memory_space<vmem>>
      %dma_start3A_985 = arith.constant 0 : i32
      %dma_start3A_986 = arith.constant 0 : i32
      %dma_start3A_987 = tpu.memref_slice %arg5[%dma_start3A_972, %dma_start3A_985, %dma_start3A_986] : memref<2x8x128xi32, #tpu.memory_space<vmem>> -> memref<1x8x128xi32, #tpu.memory_space<vmem>>
      %dma_start3A_988 = tpu.memref_squeeze %dma_start3A_987 : memref<1x8x128xi32, #tpu.memory_space<vmem>> -> memref<8x128xi32, #tpu.memory_space<vmem>>
      %dma_start3A_989 = arith.constant 0 : i32
      %dma_start3A_990 = tpu.memref_slice %dma_start3A_988[%dma_start3A_973, %dma_start3A_989] : memref<8x128xi32, #tpu.memory_space<vmem>> -> memref<1x128xi32, #tpu.memory_space<vmem>>
      %dma_start3A_991 = tpu.memref_squeeze %dma_start3A_990 : memref<1x128xi32, #tpu.memory_space<vmem>> -> memref<128xi32, #tpu.memory_space<vmem>>
      %dma_start3A_992 = arith.constant 0 : i32
      %dma_start3A_993 = arith.constant 0 : i32
      %dma_start3A_994 = tpu.memref_slice %arg3[%dma_start3A_992, %dma_start3A_993] : memref<1000000x32xf32, #tpu.memory_space<hbm>> -> memref<1000000x32xf32, #tpu.memory_space<hbm>>
      tpu.enqueue_indirect_dma source(%dma_start3A_994 : memref<1000000x32xf32, #tpu.memory_space<hbm>>) target(%dma_start3A_984 : memref<128x32xf32, #tpu.memory_space<vmem>>) offsets(%dma_start3A_991 : memref<128xi32, #tpu.memory_space<vmem>>) semaphore(%arg8 : memref<!tpu.dma_semaphore, #tpu.memory_space<semaphore_mem>>)
      %dma_start3A_995 = arith.constant 0 : i32
      %dma_start3A_996 = arith.constant 4 : i32
      %dma_start3A_997 = arith.constant 0 : i32
      %dma_start3A_998 = arith.constant 4 : i32
      %dma_start3A_999 = arith.constant 0 : i32
      %dma_start3A_1000 = arith.constant 0 : i32
      %dma_start3A_1001 = arith.constant 0 : i32
      %dma_start3A_1002 = tpu.memref_slice %arg6[%dma_start3A_997, %dma_start3A_999, %dma_start3A_1000, %dma_start3A_1001] : memref<2x8x128x32xf32, #tpu.memory_space<vmem>> -> memref<1x8x128x32xf32, #tpu.memory_space<vmem>>
      %dma_start3A_1003 = tpu.memref_squeeze %dma_start3A_1002 : memref<1x8x128x32xf32, #tpu.memory_space<vmem>> -> memref<8x128x32xf32, #tpu.memory_space<vmem>>
      %dma_start3A_1004 = arith.constant 0 : i32
      %dma_start3A_1005 = arith.constant 0 : i32
      %dma_start3A_1006 = tpu.memref_slice %dma_start3A_1003[%dma_start3A_998, %dma_start3A_1004, %dma_start3A_1005] : memref<8x128x32xf32, #tpu.memory_space<vmem>> -> memref<1x128x32xf32, #tpu.memory_space<vmem>>
      %dma_start3A_1007 = tpu.memref_squeeze %dma_start3A_1006 : memref<1x128x32xf32, #tpu.memory_space<vmem>> -> memref<128x32xf32, #tpu.memory_space<vmem>>
      %dma_start3A_1008 = arith.constant 0 : i32
      %dma_start3A_1009 = arith.constant 0 : i32
      %dma_start3A_1010 = tpu.memref_slice %arg5[%dma_start3A_995, %dma_start3A_1008, %dma_start3A_1009] : memref<2x8x128xi32, #tpu.memory_space<vmem>> -> memref<1x8x128xi32, #tpu.memory_space<vmem>>
      %dma_start3A_1011 = tpu.memref_squeeze %dma_start3A_1010 : memref<1x8x128xi32, #tpu.memory_space<vmem>> -> memref<8x128xi32, #tpu.memory_space<vmem>>
      %dma_start3A_1012 = arith.constant 0 : i32
      %dma_start3A_1013 = tpu.memref_slice %dma_start3A_1011[%dma_start3A_996, %dma_start3A_1012] : memref<8x128xi32, #tpu.memory_space<vmem>> -> memref<1x128xi32, #tpu.memory_space<vmem>>
      %dma_start3A_1014 = tpu.memref_squeeze %dma_start3A_1013 : memref<1x128xi32, #tpu.memory_space<vmem>> -> memref<128xi32, #tpu.memory_space<vmem>>
      %dma_start3A_1015 = arith.constant 0 : i32
      %dma_start3A_1016 = arith.constant 0 : i32
      %dma_start3A_1017 = tpu.memref_slice %arg3[%dma_start3A_1015, %dma_start3A_1016] : memref<1000000x32xf32, #tpu.memory_space<hbm>> -> memref<1000000x32xf32, #tpu.memory_space<hbm>>
      tpu.enqueue_indirect_dma source(%dma_start3A_1017 : memref<1000000x32xf32, #tpu.memory_space<hbm>>) target(%dma_start3A_1007 : memref<128x32xf32, #tpu.memory_space<vmem>>) offsets(%dma_start3A_1014 : memref<128xi32, #tpu.memory_space<vmem>>) semaphore(%arg8 : memref<!tpu.dma_semaphore, #tpu.memory_space<semaphore_mem>>)
      %dma_start3A_1018 = arith.constant 0 : i32
      %dma_start3A_1019 = arith.constant 5 : i32
      %dma_start3A_1020 = arith.constant 0 : i32
      %dma_start3A_1021 = arith.constant 5 : i32
      %dma_start3A_1022 = arith.constant 0 : i32
      %dma_start3A_1023 = arith.constant 0 : i32
      %dma_start3A_1024 = arith.constant 0 : i32
      %dma_start3A_1025 = tpu.memref_slice %arg6[%dma_start3A_1020, %dma_start3A_1022, %dma_start3A_1023, %dma_start3A_1024] : memref<2x8x128x32xf32, #tpu.memory_space<vmem>> -> memref<1x8x128x32xf32, #tpu.memory_space<vmem>>
      %dma_start3A_1026 = tpu.memref_squeeze %dma_start3A_1025 : memref<1x8x128x32xf32, #tpu.memory_space<vmem>> -> memref<8x128x32xf32, #tpu.memory_space<vmem>>
      %dma_start3A_1027 = arith.constant 0 : i32
      %dma_start3A_1028 = arith.constant 0 : i32
      %dma_start3A_1029 = tpu.memref_slice %dma_start3A_1026[%dma_start3A_1021, %dma_start3A_1027, %dma_start3A_1028] : memref<8x128x32xf32, #tpu.memory_space<vmem>> -> memref<1x128x32xf32, #tpu.memory_space<vmem>>
      %dma_start3A_1030 = tpu.memref_squeeze %dma_start3A_1029 : memref<1x128x32xf32, #tpu.memory_space<vmem>> -> memref<128x32xf32, #tpu.memory_space<vmem>>
      %dma_start3A_1031 = arith.constant 0 : i32
      %dma_start3A_1032 = arith.constant 0 : i32
      %dma_start3A_1033 = tpu.memref_slice %arg5[%dma_start3A_1018, %dma_start3A_1031, %dma_start3A_1032] : memref<2x8x128xi32, #tpu.memory_space<vmem>> -> memref<1x8x128xi32, #tpu.memory_space<vmem>>
      %dma_start3A_1034 = tpu.memref_squeeze %dma_start3A_1033 : memref<1x8x128xi32, #tpu.memory_space<vmem>> -> memref<8x128xi32, #tpu.memory_space<vmem>>
      %dma_start3A_1035 = arith.constant 0 : i32
      %dma_start3A_1036 = tpu.memref_slice %dma_start3A_1034[%dma_start3A_1019, %dma_start3A_1035] : memref<8x128xi32, #tpu.memory_space<vmem>> -> memref<1x128xi32, #tpu.memory_space<vmem>>
      %dma_start3A_1037 = tpu.memref_squeeze %dma_start3A_1036 : memref<1x128xi32, #tpu.memory_space<vmem>> -> memref<128xi32, #tpu.memory_space<vmem>>
      %dma_start3A_1038 = arith.constant 0 : i32
      %dma_start3A_1039 = arith.constant 0 : i32
      %dma_start3A_1040 = tpu.memref_slice %arg3[%dma_start3A_1038, %dma_start3A_1039] : memref<1000000x32xf32, #tpu.memory_space<hbm>> -> memref<1000000x32xf32, #tpu.memory_space<hbm>>
      tpu.enqueue_indirect_dma source(%dma_start3A_1040 : memref<1000000x32xf32, #tpu.memory_space<hbm>>) target(%dma_start3A_1030 : memref<128x32xf32, #tpu.memory_space<vmem>>) offsets(%dma_start3A_1037 : memref<128xi32, #tpu.memory_space<vmem>>) semaphore(%arg8 : memref<!tpu.dma_semaphore, #tpu.memory_space<semaphore_mem>>)
      %dma_start3A_1041 = arith.constant 0 : i32
      %dma_start3A_1042 = arith.constant 6 : i32
      %dma_start3A_1043 = arith.constant 0 : i32
      %dma_start3A_1044 = arith.constant 6 : i32
      %dma_start3A_1045 = arith.constant 0 : i32
      %dma_start3A_1046 = arith.constant 0 : i32
      %dma_start3A_1047 = arith.constant 0 : i32
      %dma_start3A_1048 = tpu.memref_slice %arg6[%dma_start3A_1043, %dma_start3A_1045, %dma_start3A_1046, %dma_start3A_1047] : memref<2x8x128x32xf32, #tpu.memory_space<vmem>> -> memref<1x8x128x32xf32, #tpu.memory_space<vmem>>
      %dma_start3A_1049 = tpu.memref_squeeze %dma_start3A_1048 : memref<1x8x128x32xf32, #tpu.memory_space<vmem>> -> memref<8x128x32xf32, #tpu.memory_space<vmem>>
      %dma_start3A_1050 = arith.constant 0 : i32
      %dma_start3A_1051 = arith.constant 0 : i32
      %dma_start3A_1052 = tpu.memref_slice %dma_start3A_1049[%dma_start3A_1044, %dma_start3A_1050, %dma_start3A_1051] : memref<8x128x32xf32, #tpu.memory_space<vmem>> -> memref<1x128x32xf32, #tpu.memory_space<vmem>>
      %dma_start3A_1053 = tpu.memref_squeeze %dma_start3A_1052 : memref<1x128x32xf32, #tpu.memory_space<vmem>> -> memref<128x32xf32, #tpu.memory_space<vmem>>
      %dma_start3A_1054 = arith.constant 0 : i32
      %dma_start3A_1055 = arith.constant 0 : i32
      %dma_start3A_1056 = tpu.memref_slice %arg5[%dma_start3A_1041, %dma_start3A_1054, %dma_start3A_1055] : memref<2x8x128xi32, #tpu.memory_space<vmem>> -> memref<1x8x128xi32, #tpu.memory_space<vmem>>
      %dma_start3A_1057 = tpu.memref_squeeze %dma_start3A_1056 : memref<1x8x128xi32, #tpu.memory_space<vmem>> -> memref<8x128xi32, #tpu.memory_space<vmem>>
      %dma_start3A_1058 = arith.constant 0 : i32
      %dma_start3A_1059 = tpu.memref_slice %dma_start3A_1057[%dma_start3A_1042, %dma_start3A_1058] : memref<8x128xi32, #tpu.memory_space<vmem>> -> memref<1x128xi32, #tpu.memory_space<vmem>>
      %dma_start3A_1060 = tpu.memref_squeeze %dma_start3A_1059 : memref<1x128xi32, #tpu.memory_space<vmem>> -> memref<128xi32, #tpu.memory_space<vmem>>
      %dma_start3A_1061 = arith.constant 0 : i32
      %dma_start3A_1062 = arith.constant 0 : i32
      %dma_start3A_1063 = tpu.memref_slice %arg3[%dma_start3A_1061, %dma_start3A_1062] : memref<1000000x32xf32, #tpu.memory_space<hbm>> -> memref<1000000x32xf32, #tpu.memory_space<hbm>>
      tpu.enqueue_indirect_dma source(%dma_start3A_1063 : memref<1000000x32xf32, #tpu.memory_space<hbm>>) target(%dma_start3A_1053 : memref<128x32xf32, #tpu.memory_space<vmem>>) offsets(%dma_start3A_1060 : memref<128xi32, #tpu.memory_space<vmem>>) semaphore(%arg8 : memref<!tpu.dma_semaphore, #tpu.memory_space<semaphore_mem>>)
      %dma_start3A_1064 = arith.constant 0 : i32
      %dma_start3A_1065 = arith.constant 7 : i32
      %dma_start3A_1066 = arith.constant 0 : i32
      %dma_start3A_1067 = arith.constant 7 : i32
      %dma_start3A_1068 = arith.constant 0 : i32
      %dma_start3A_1069 = arith.constant 0 : i32
      %dma_start3A_1070 = arith.constant 0 : i32
      %dma_start3A_1071 = tpu.memref_slice %arg6[%dma_start3A_1066, %dma_start3A_1068, %dma_start3A_1069, %dma_start3A_1070] : memref<2x8x128x32xf32, #tpu.memory_space<vmem>> -> memref<1x8x128x32xf32, #tpu.memory_space<vmem>>
      %dma_start3A_1072 = tpu.memref_squeeze %dma_start3A_1071 : memref<1x8x128x32xf32, #tpu.memory_space<vmem>> -> memref<8x128x32xf32, #tpu.memory_space<vmem>>
      %dma_start3A_1073 = arith.constant 0 : i32
      %dma_start3A_1074 = arith.constant 0 : i32
      %dma_start3A_1075 = tpu.memref_slice %dma_start3A_1072[%dma_start3A_1067, %dma_start3A_1073, %dma_start3A_1074] : memref<8x128x32xf32, #tpu.memory_space<vmem>> -> memref<1x128x32xf32, #tpu.memory_space<vmem>>
      %dma_start3A_1076 = tpu.memref_squeeze %dma_start3A_1075 : memref<1x128x32xf32, #tpu.memory_space<vmem>> -> memref<128x32xf32, #tpu.memory_space<vmem>>
      %dma_start3A_1077 = arith.constant 0 : i32
      %dma_start3A_1078 = arith.constant 0 : i32
      %dma_start3A_1079 = tpu.memref_slice %arg5[%dma_start3A_1064, %dma_start3A_1077, %dma_start3A_1078] : memref<2x8x128xi32, #tpu.memory_space<vmem>> -> memref<1x8x128xi32, #tpu.memory_space<vmem>>
      %dma_start3A_1080 = tpu.memref_squeeze %dma_start3A_1079 : memref<1x8x128xi32, #tpu.memory_space<vmem>> -> memref<8x128xi32, #tpu.memory_space<vmem>>
      %dma_start3A_1081 = arith.constant 0 : i32
      %dma_start3A_1082 = tpu.memref_slice %dma_start3A_1080[%dma_start3A_1065, %dma_start3A_1081] : memref<8x128xi32, #tpu.memory_space<vmem>> -> memref<1x128xi32, #tpu.memory_space<vmem>>
      %dma_start3A_1083 = tpu.memref_squeeze %dma_start3A_1082 : memref<1x128xi32, #tpu.memory_space<vmem>> -> memref<128xi32, #tpu.memory_space<vmem>>
      %dma_start3A_1084 = arith.constant 0 : i32
      %dma_start3A_1085 = arith.constant 0 : i32
      %dma_start3A_1086 = tpu.memref_slice %arg3[%dma_start3A_1084, %dma_start3A_1085] : memref<1000000x32xf32, #tpu.memory_space<hbm>> -> memref<1000000x32xf32, #tpu.memory_space<hbm>>
      tpu.enqueue_indirect_dma source(%dma_start3A_1086 : memref<1000000x32xf32, #tpu.memory_space<hbm>>) target(%dma_start3A_1076 : memref<128x32xf32, #tpu.memory_space<vmem>>) offsets(%dma_start3A_1083 : memref<128xi32, #tpu.memory_space<vmem>>) semaphore(%arg8 : memref<!tpu.dma_semaphore, #tpu.memory_space<semaphore_mem>>)
      %add3A_1087 = arith.constant 1 : i32
      %add3A_1088 = arith.addi %mul3A_872, %add3A_1087 : i32
      %mul3A_1089 = arith.constant 8 : i32
      %mul3A_1090 = arith.muli %add3A_1088, %mul3A_1089 : i32
      %add3A_1091 = arith.addi %mul3A_2, %mul3A_1090 : i32
      %dma_start3A_1092 = arith.constant 1 : i32
      %dma_start3A_1093 = arith.constant 0 : i32
      %dma_start3A_1094 = arith.constant 0 : i32
      %dma_start3A_1095 = tpu.memref_slice %arg5[%dma_start3A_1092, %dma_start3A_1093, %dma_start3A_1094] : memref<2x8x128xi32, #tpu.memory_space<vmem>> -> memref<1x8x128xi32, #tpu.memory_space<vmem>>
      %dma_start3A_1096 = tpu.memref_squeeze %dma_start3A_1095 : memref<1x8x128xi32, #tpu.memory_space<vmem>> -> memref<8x128xi32, #tpu.memory_space<vmem>>
      %dma_start3A_1097 = arith.constant 0 : i32
      %dma_start3A_1098 = tpu.memref_slice %arg2[%add3A_1091, %dma_start3A_1097] : memref<12800x128xi32, #tpu.memory_space<hbm>> -> memref<8x128xi32, #tpu.memory_space<hbm>>
      %dma_start3A_1099 = arith.constant 0 : i32
      %dma_start3A_1100 = arith.constant 0 : i32
      %dma_start3A_1101 = tpu.memref_slice %arg5[%dma_start3A_1092, %dma_start3A_1099, %dma_start3A_1100] : memref<2x8x128xi32, #tpu.memory_space<vmem>> -> memref<1x8x128xi32, #tpu.memory_space<vmem>>
      %dma_start3A_1102 = tpu.memref_squeeze %dma_start3A_1101 : memref<1x8x128xi32, #tpu.memory_space<vmem>> -> memref<8x128xi32, #tpu.memory_space<vmem>>
      %dma_start3A_1103 = arith.constant 0 : i32
      %dma_start3A_1104 = tpu.memref_slice %arg2[%add3A_1091, %dma_start3A_1103] : memref<12800x128xi32, #tpu.memory_space<hbm>> -> memref<8x128xi32, #tpu.memory_space<hbm>>
      tpu.enqueue_dma source(%dma_start3A_1104 : memref<8x128xi32, #tpu.memory_space<hbm>>) target(%dma_start3A_1102 : memref<8x128xi32, #tpu.memory_space<vmem>>) target_semaphore(%arg7 : memref<!tpu.dma_semaphore, #tpu.memory_space<semaphore_mem>>)
      %dma_wait3A_1105 = arith.constant 0 : i32
      %dma_wait3A_1106 = arith.constant 0 : i32
      %dma_wait3A_1107 = arith.constant 0 : i32
      %dma_wait3A_1108 = arith.constant 0 : i32
      %dma_wait3A_1109 = arith.constant 0 : i32
      %dma_wait3A_1110 = arith.constant 0 : i32
      %dma_wait3A_1111 = arith.constant 0 : i32
      %dma_wait3A_1112 = tpu.memref_slice %arg6[%dma_wait3A_1107, %dma_wait3A_1109, %dma_wait3A_1110, %dma_wait3A_1111] : memref<2x8x128x32xf32, #tpu.memory_space<vmem>> -> memref<1x8x128x32xf32, #tpu.memory_space<vmem>>
      %dma_wait3A_1113 = tpu.memref_squeeze %dma_wait3A_1112 : memref<1x8x128x32xf32, #tpu.memory_space<vmem>> -> memref<8x128x32xf32, #tpu.memory_space<vmem>>
      %dma_wait3A_1114 = arith.constant 0 : i32
      %dma_wait3A_1115 = arith.constant 0 : i32
      %dma_wait3A_1116 = tpu.memref_slice %dma_wait3A_1113[%dma_wait3A_1108, %dma_wait3A_1114, %dma_wait3A_1115] : memref<8x128x32xf32, #tpu.memory_space<vmem>> -> memref<1x128x32xf32, #tpu.memory_space<vmem>>
      %dma_wait3A_1117 = tpu.memref_squeeze %dma_wait3A_1116 : memref<1x128x32xf32, #tpu.memory_space<vmem>> -> memref<128x32xf32, #tpu.memory_space<vmem>>
      %dma_wait3A_1118 = arith.constant 0 : i32
      %dma_wait3A_1119 = arith.constant 0 : i32
      %dma_wait3A_1120 = tpu.memref_slice %arg5[%dma_wait3A_1105, %dma_wait3A_1118, %dma_wait3A_1119] : memref<2x8x128xi32, #tpu.memory_space<vmem>> -> memref<1x8x128xi32, #tpu.memory_space<vmem>>
      %dma_wait3A_1121 = tpu.memref_squeeze %dma_wait3A_1120 : memref<1x8x128xi32, #tpu.memory_space<vmem>> -> memref<8x128xi32, #tpu.memory_space<vmem>>
      %dma_wait3A_1122 = arith.constant 0 : i32
      %dma_wait3A_1123 = tpu.memref_slice %dma_wait3A_1121[%dma_wait3A_1106, %dma_wait3A_1122] : memref<8x128xi32, #tpu.memory_space<vmem>> -> memref<1x128xi32, #tpu.memory_space<vmem>>
      %dma_wait3A_1124 = tpu.memref_squeeze %dma_wait3A_1123 : memref<1x128xi32, #tpu.memory_space<vmem>> -> memref<128xi32, #tpu.memory_space<vmem>>
      %dma_wait3A_1125 = arith.constant 0 : i32
      %dma_wait3A_1126 = arith.constant 0 : i32
      %dma_wait3A_1127 = tpu.memref_slice %arg3[%dma_wait3A_1125, %dma_wait3A_1126] : memref<1000000x32xf32, #tpu.memory_space<hbm>> -> memref<1000000x32xf32, #tpu.memory_space<hbm>>
      tpu.wait_indirect_dma semaphore(%arg8 : memref<!tpu.dma_semaphore, #tpu.memory_space<semaphore_mem>>) src(%dma_wait3A_1127 : memref<1000000x32xf32, #tpu.memory_space<hbm>>) dst(%dma_wait3A_1117 : memref<128x32xf32, #tpu.memory_space<vmem>>)
      %dma_wait3A_1128 = arith.constant 0 : i32
      %dma_wait3A_1129 = arith.constant 1 : i32
      %dma_wait3A_1130 = arith.constant 0 : i32
      %dma_wait3A_1131 = arith.constant 1 : i32
      %dma_wait3A_1132 = arith.constant 0 : i32
      %dma_wait3A_1133 = arith.constant 0 : i32
      %dma_wait3A_1134 = arith.constant 0 : i32
      %dma_wait3A_1135 = tpu.memref_slice %arg6[%dma_wait3A_1130, %dma_wait3A_1132, %dma_wait3A_1133, %dma_wait3A_1134] : memref<2x8x128x32xf32, #tpu.memory_space<vmem>> -> memref<1x8x128x32xf32, #tpu.memory_space<vmem>>
      %dma_wait3A_1136 = tpu.memref_squeeze %dma_wait3A_1135 : memref<1x8x128x32xf32, #tpu.memory_space<vmem>> -> memref<8x128x32xf32, #tpu.memory_space<vmem>>
      %dma_wait3A_1137 = arith.constant 0 : i32
      %dma_wait3A_1138 = arith.constant 0 : i32
      %dma_wait3A_1139 = tpu.memref_slice %dma_wait3A_1136[%dma_wait3A_1131, %dma_wait3A_1137, %dma_wait3A_1138] : memref<8x128x32xf32, #tpu.memory_space<vmem>> -> memref<1x128x32xf32, #tpu.memory_space<vmem>>
      %dma_wait3A_1140 = tpu.memref_squeeze %dma_wait3A_1139 : memref<1x128x32xf32, #tpu.memory_space<vmem>> -> memref<128x32xf32, #tpu.memory_space<vmem>>
      %dma_wait3A_1141 = arith.constant 0 : i32
      %dma_wait3A_1142 = arith.constant 0 : i32
      %dma_wait3A_1143 = tpu.memref_slice %arg5[%dma_wait3A_1128, %dma_wait3A_1141, %dma_wait3A_1142] : memref<2x8x128xi32, #tpu.memory_space<vmem>> -> memref<1x8x128xi32, #tpu.memory_space<vmem>>
      %dma_wait3A_1144 = tpu.memref_squeeze %dma_wait3A_1143 : memref<1x8x128xi32, #tpu.memory_space<vmem>> -> memref<8x128xi32, #tpu.memory_space<vmem>>
      %dma_wait3A_1145 = arith.constant 0 : i32
      %dma_wait3A_1146 = tpu.memref_slice %dma_wait3A_1144[%dma_wait3A_1129, %dma_wait3A_1145] : memref<8x128xi32, #tpu.memory_space<vmem>> -> memref<1x128xi32, #tpu.memory_space<vmem>>
      %dma_wait3A_1147 = tpu.memref_squeeze %dma_wait3A_1146 : memref<1x128xi32, #tpu.memory_space<vmem>> -> memref<128xi32, #tpu.memory_space<vmem>>
      %dma_wait3A_1148 = arith.constant 0 : i32
      %dma_wait3A_1149 = arith.constant 0 : i32
      %dma_wait3A_1150 = tpu.memref_slice %arg3[%dma_wait3A_1148, %dma_wait3A_1149] : memref<1000000x32xf32, #tpu.memory_space<hbm>> -> memref<1000000x32xf32, #tpu.memory_space<hbm>>
      tpu.wait_indirect_dma semaphore(%arg8 : memref<!tpu.dma_semaphore, #tpu.memory_space<semaphore_mem>>) src(%dma_wait3A_1150 : memref<1000000x32xf32, #tpu.memory_space<hbm>>) dst(%dma_wait3A_1140 : memref<128x32xf32, #tpu.memory_space<vmem>>)
      %dma_wait3A_1151 = arith.constant 0 : i32
      %dma_wait3A_1152 = arith.constant 2 : i32
      %dma_wait3A_1153 = arith.constant 0 : i32
      %dma_wait3A_1154 = arith.constant 2 : i32
      %dma_wait3A_1155 = arith.constant 0 : i32
      %dma_wait3A_1156 = arith.constant 0 : i32
      %dma_wait3A_1157 = arith.constant 0 : i32
      %dma_wait3A_1158 = tpu.memref_slice %arg6[%dma_wait3A_1153, %dma_wait3A_1155, %dma_wait3A_1156, %dma_wait3A_1157] : memref<2x8x128x32xf32, #tpu.memory_space<vmem>> -> memref<1x8x128x32xf32, #tpu.memory_space<vmem>>
      %dma_wait3A_1159 = tpu.memref_squeeze %dma_wait3A_1158 : memref<1x8x128x32xf32, #tpu.memory_space<vmem>> -> memref<8x128x32xf32, #tpu.memory_space<vmem>>
      %dma_wait3A_1160 = arith.constant 0 : i32
      %dma_wait3A_1161 = arith.constant 0 : i32
      %dma_wait3A_1162 = tpu.memref_slice %dma_wait3A_1159[%dma_wait3A_1154, %dma_wait3A_1160, %dma_wait3A_1161] : memref<8x128x32xf32, #tpu.memory_space<vmem>> -> memref<1x128x32xf32, #tpu.memory_space<vmem>>
      %dma_wait3A_1163 = tpu.memref_squeeze %dma_wait3A_1162 : memref<1x128x32xf32, #tpu.memory_space<vmem>> -> memref<128x32xf32, #tpu.memory_space<vmem>>
      %dma_wait3A_1164 = arith.constant 0 : i32
      %dma_wait3A_1165 = arith.constant 0 : i32
      %dma_wait3A_1166 = tpu.memref_slice %arg5[%dma_wait3A_1151, %dma_wait3A_1164, %dma_wait3A_1165] : memref<2x8x128xi32, #tpu.memory_space<vmem>> -> memref<1x8x128xi32, #tpu.memory_space<vmem>>
      %dma_wait3A_1167 = tpu.memref_squeeze %dma_wait3A_1166 : memref<1x8x128xi32, #tpu.memory_space<vmem>> -> memref<8x128xi32, #tpu.memory_space<vmem>>
      %dma_wait3A_1168 = arith.constant 0 : i32
      %dma_wait3A_1169 = tpu.memref_slice %dma_wait3A_1167[%dma_wait3A_1152, %dma_wait3A_1168] : memref<8x128xi32, #tpu.memory_space<vmem>> -> memref<1x128xi32, #tpu.memory_space<vmem>>
      %dma_wait3A_1170 = tpu.memref_squeeze %dma_wait3A_1169 : memref<1x128xi32, #tpu.memory_space<vmem>> -> memref<128xi32, #tpu.memory_space<vmem>>
      %dma_wait3A_1171 = arith.constant 0 : i32
      %dma_wait3A_1172 = arith.constant 0 : i32
      %dma_wait3A_1173 = tpu.memref_slice %arg3[%dma_wait3A_1171, %dma_wait3A_1172] : memref<1000000x32xf32, #tpu.memory_space<hbm>> -> memref<1000000x32xf32, #tpu.memory_space<hbm>>
      tpu.wait_indirect_dma semaphore(%arg8 : memref<!tpu.dma_semaphore, #tpu.memory_space<semaphore_mem>>) src(%dma_wait3A_1173 : memref<1000000x32xf32, #tpu.memory_space<hbm>>) dst(%dma_wait3A_1163 : memref<128x32xf32, #tpu.memory_space<vmem>>)
      %dma_wait3A_1174 = arith.constant 0 : i32
      %dma_wait3A_1175 = arith.constant 3 : i32
      %dma_wait3A_1176 = arith.constant 0 : i32
      %dma_wait3A_1177 = arith.constant 3 : i32
      %dma_wait3A_1178 = arith.constant 0 : i32
      %dma_wait3A_1179 = arith.constant 0 : i32
      %dma_wait3A_1180 = arith.constant 0 : i32
      %dma_wait3A_1181 = tpu.memref_slice %arg6[%dma_wait3A_1176, %dma_wait3A_1178, %dma_wait3A_1179, %dma_wait3A_1180] : memref<2x8x128x32xf32, #tpu.memory_space<vmem>> -> memref<1x8x128x32xf32, #tpu.memory_space<vmem>>
      %dma_wait3A_1182 = tpu.memref_squeeze %dma_wait3A_1181 : memref<1x8x128x32xf32, #tpu.memory_space<vmem>> -> memref<8x128x32xf32, #tpu.memory_space<vmem>>
      %dma_wait3A_1183 = arith.constant 0 : i32
      %dma_wait3A_1184 = arith.constant 0 : i32
      %dma_wait3A_1185 = tpu.memref_slice %dma_wait3A_1182[%dma_wait3A_1177, %dma_wait3A_1183, %dma_wait3A_1184] : memref<8x128x32xf32, #tpu.memory_space<vmem>> -> memref<1x128x32xf32, #tpu.memory_space<vmem>>
      %dma_wait3A_1186 = tpu.memref_squeeze %dma_wait3A_1185 : memref<1x128x32xf32, #tpu.memory_space<vmem>> -> memref<128x32xf32, #tpu.memory_space<vmem>>
      %dma_wait3A_1187 = arith.constant 0 : i32
      %dma_wait3A_1188 = arith.constant 0 : i32
      %dma_wait3A_1189 = tpu.memref_slice %arg5[%dma_wait3A_1174, %dma_wait3A_1187, %dma_wait3A_1188] : memref<2x8x128xi32, #tpu.memory_space<vmem>> -> memref<1x8x128xi32, #tpu.memory_space<vmem>>
      %dma_wait3A_1190 = tpu.memref_squeeze %dma_wait3A_1189 : memref<1x8x128xi32, #tpu.memory_space<vmem>> -> memref<8x128xi32, #tpu.memory_space<vmem>>
      %dma_wait3A_1191 = arith.constant 0 : i32
      %dma_wait3A_1192 = tpu.memref_slice %dma_wait3A_1190[%dma_wait3A_1175, %dma_wait3A_1191] : memref<8x128xi32, #tpu.memory_space<vmem>> -> memref<1x128xi32, #tpu.memory_space<vmem>>
      %dma_wait3A_1193 = tpu.memref_squeeze %dma_wait3A_1192 : memref<1x128xi32, #tpu.memory_space<vmem>> -> memref<128xi32, #tpu.memory_space<vmem>>
      %dma_wait3A_1194 = arith.constant 0 : i32
      %dma_wait3A_1195 = arith.constant 0 : i32
      %dma_wait3A_1196 = tpu.memref_slice %arg3[%dma_wait3A_1194, %dma_wait3A_1195] : memref<1000000x32xf32, #tpu.memory_space<hbm>> -> memref<1000000x32xf32, #tpu.memory_space<hbm>>
      tpu.wait_indirect_dma semaphore(%arg8 : memref<!tpu.dma_semaphore, #tpu.memory_space<semaphore_mem>>) src(%dma_wait3A_1196 : memref<1000000x32xf32, #tpu.memory_space<hbm>>) dst(%dma_wait3A_1186 : memref<128x32xf32, #tpu.memory_space<vmem>>)
      %dma_wait3A_1197 = arith.constant 0 : i32
      %dma_wait3A_1198 = arith.constant 4 : i32
      %dma_wait3A_1199 = arith.constant 0 : i32
      %dma_wait3A_1200 = arith.constant 4 : i32
      %dma_wait3A_1201 = arith.constant 0 : i32
      %dma_wait3A_1202 = arith.constant 0 : i32
      %dma_wait3A_1203 = arith.constant 0 : i32
      %dma_wait3A_1204 = tpu.memref_slice %arg6[%dma_wait3A_1199, %dma_wait3A_1201, %dma_wait3A_1202, %dma_wait3A_1203] : memref<2x8x128x32xf32, #tpu.memory_space<vmem>> -> memref<1x8x128x32xf32, #tpu.memory_space<vmem>>
      %dma_wait3A_1205 = tpu.memref_squeeze %dma_wait3A_1204 : memref<1x8x128x32xf32, #tpu.memory_space<vmem>> -> memref<8x128x32xf32, #tpu.memory_space<vmem>>
      %dma_wait3A_1206 = arith.constant 0 : i32
      %dma_wait3A_1207 = arith.constant 0 : i32
      %dma_wait3A_1208 = tpu.memref_slice %dma_wait3A_1205[%dma_wait3A_1200, %dma_wait3A_1206, %dma_wait3A_1207] : memref<8x128x32xf32, #tpu.memory_space<vmem>> -> memref<1x128x32xf32, #tpu.memory_space<vmem>>
      %dma_wait3A_1209 = tpu.memref_squeeze %dma_wait3A_1208 : memref<1x128x32xf32, #tpu.memory_space<vmem>> -> memref<128x32xf32, #tpu.memory_space<vmem>>
      %dma_wait3A_1210 = arith.constant 0 : i32
      %dma_wait3A_1211 = arith.constant 0 : i32
      %dma_wait3A_1212 = tpu.memref_slice %arg5[%dma_wait3A_1197, %dma_wait3A_1210, %dma_wait3A_1211] : memref<2x8x128xi32, #tpu.memory_space<vmem>> -> memref<1x8x128xi32, #tpu.memory_space<vmem>>
      %dma_wait3A_1213 = tpu.memref_squeeze %dma_wait3A_1212 : memref<1x8x128xi32, #tpu.memory_space<vmem>> -> memref<8x128xi32, #tpu.memory_space<vmem>>
      %dma_wait3A_1214 = arith.constant 0 : i32
      %dma_wait3A_1215 = tpu.memref_slice %dma_wait3A_1213[%dma_wait3A_1198, %dma_wait3A_1214] : memref<8x128xi32, #tpu.memory_space<vmem>> -> memref<1x128xi32, #tpu.memory_space<vmem>>
      %dma_wait3A_1216 = tpu.memref_squeeze %dma_wait3A_1215 : memref<1x128xi32, #tpu.memory_space<vmem>> -> memref<128xi32, #tpu.memory_space<vmem>>
      %dma_wait3A_1217 = arith.constant 0 : i32
      %dma_wait3A_1218 = arith.constant 0 : i32
      %dma_wait3A_1219 = tpu.memref_slice %arg3[%dma_wait3A_1217, %dma_wait3A_1218] : memref<1000000x32xf32, #tpu.memory_space<hbm>> -> memref<1000000x32xf32, #tpu.memory_space<hbm>>
      tpu.wait_indirect_dma semaphore(%arg8 : memref<!tpu.dma_semaphore, #tpu.memory_space<semaphore_mem>>) src(%dma_wait3A_1219 : memref<1000000x32xf32, #tpu.memory_space<hbm>>) dst(%dma_wait3A_1209 : memref<128x32xf32, #tpu.memory_space<vmem>>)
      %dma_wait3A_1220 = arith.constant 0 : i32
      %dma_wait3A_1221 = arith.constant 5 : i32
      %dma_wait3A_1222 = arith.constant 0 : i32
      %dma_wait3A_1223 = arith.constant 5 : i32
      %dma_wait3A_1224 = arith.constant 0 : i32
      %dma_wait3A_1225 = arith.constant 0 : i32
      %dma_wait3A_1226 = arith.constant 0 : i32
      %dma_wait3A_1227 = tpu.memref_slice %arg6[%dma_wait3A_1222, %dma_wait3A_1224, %dma_wait3A_1225, %dma_wait3A_1226] : memref<2x8x128x32xf32, #tpu.memory_space<vmem>> -> memref<1x8x128x32xf32, #tpu.memory_space<vmem>>
      %dma_wait3A_1228 = tpu.memref_squeeze %dma_wait3A_1227 : memref<1x8x128x32xf32, #tpu.memory_space<vmem>> -> memref<8x128x32xf32, #tpu.memory_space<vmem>>
      %dma_wait3A_1229 = arith.constant 0 : i32
      %dma_wait3A_1230 = arith.constant 0 : i32
      %dma_wait3A_1231 = tpu.memref_slice %dma_wait3A_1228[%dma_wait3A_1223, %dma_wait3A_1229, %dma_wait3A_1230] : memref<8x128x32xf32, #tpu.memory_space<vmem>> -> memref<1x128x32xf32, #tpu.memory_space<vmem>>
      %dma_wait3A_1232 = tpu.memref_squeeze %dma_wait3A_1231 : memref<1x128x32xf32, #tpu.memory_space<vmem>> -> memref<128x32xf32, #tpu.memory_space<vmem>>
      %dma_wait3A_1233 = arith.constant 0 : i32
      %dma_wait3A_1234 = arith.constant 0 : i32
      %dma_wait3A_1235 = tpu.memref_slice %arg5[%dma_wait3A_1220, %dma_wait3A_1233, %dma_wait3A_1234] : memref<2x8x128xi32, #tpu.memory_space<vmem>> -> memref<1x8x128xi32, #tpu.memory_space<vmem>>
      %dma_wait3A_1236 = tpu.memref_squeeze %dma_wait3A_1235 : memref<1x8x128xi32, #tpu.memory_space<vmem>> -> memref<8x128xi32, #tpu.memory_space<vmem>>
      %dma_wait3A_1237 = arith.constant 0 : i32
      %dma_wait3A_1238 = tpu.memref_slice %dma_wait3A_1236[%dma_wait3A_1221, %dma_wait3A_1237] : memref<8x128xi32, #tpu.memory_space<vmem>> -> memref<1x128xi32, #tpu.memory_space<vmem>>
      %dma_wait3A_1239 = tpu.memref_squeeze %dma_wait3A_1238 : memref<1x128xi32, #tpu.memory_space<vmem>> -> memref<128xi32, #tpu.memory_space<vmem>>
      %dma_wait3A_1240 = arith.constant 0 : i32
      %dma_wait3A_1241 = arith.constant 0 : i32
      %dma_wait3A_1242 = tpu.memref_slice %arg3[%dma_wait3A_1240, %dma_wait3A_1241] : memref<1000000x32xf32, #tpu.memory_space<hbm>> -> memref<1000000x32xf32, #tpu.memory_space<hbm>>
      tpu.wait_indirect_dma semaphore(%arg8 : memref<!tpu.dma_semaphore, #tpu.memory_space<semaphore_mem>>) src(%dma_wait3A_1242 : memref<1000000x32xf32, #tpu.memory_space<hbm>>) dst(%dma_wait3A_1232 : memref<128x32xf32, #tpu.memory_space<vmem>>)
      %dma_wait3A_1243 = arith.constant 0 : i32
      %dma_wait3A_1244 = arith.constant 6 : i32
      %dma_wait3A_1245 = arith.constant 0 : i32
      %dma_wait3A_1246 = arith.constant 6 : i32
      %dma_wait3A_1247 = arith.constant 0 : i32
      %dma_wait3A_1248 = arith.constant 0 : i32
      %dma_wait3A_1249 = arith.constant 0 : i32
      %dma_wait3A_1250 = tpu.memref_slice %arg6[%dma_wait3A_1245, %dma_wait3A_1247, %dma_wait3A_1248, %dma_wait3A_1249] : memref<2x8x128x32xf32, #tpu.memory_space<vmem>> -> memref<1x8x128x32xf32, #tpu.memory_space<vmem>>
      %dma_wait3A_1251 = tpu.memref_squeeze %dma_wait3A_1250 : memref<1x8x128x32xf32, #tpu.memory_space<vmem>> -> memref<8x128x32xf32, #tpu.memory_space<vmem>>
      %dma_wait3A_1252 = arith.constant 0 : i32
      %dma_wait3A_1253 = arith.constant 0 : i32
      %dma_wait3A_1254 = tpu.memref_slice %dma_wait3A_1251[%dma_wait3A_1246, %dma_wait3A_1252, %dma_wait3A_1253] : memref<8x128x32xf32, #tpu.memory_space<vmem>> -> memref<1x128x32xf32, #tpu.memory_space<vmem>>
      %dma_wait3A_1255 = tpu.memref_squeeze %dma_wait3A_1254 : memref<1x128x32xf32, #tpu.memory_space<vmem>> -> memref<128x32xf32, #tpu.memory_space<vmem>>
      %dma_wait3A_1256 = arith.constant 0 : i32
      %dma_wait3A_1257 = arith.constant 0 : i32
      %dma_wait3A_1258 = tpu.memref_slice %arg5[%dma_wait3A_1243, %dma_wait3A_1256, %dma_wait3A_1257] : memref<2x8x128xi32, #tpu.memory_space<vmem>> -> memref<1x8x128xi32, #tpu.memory_space<vmem>>
      %dma_wait3A_1259 = tpu.memref_squeeze %dma_wait3A_1258 : memref<1x8x128xi32, #tpu.memory_space<vmem>> -> memref<8x128xi32, #tpu.memory_space<vmem>>
      %dma_wait3A_1260 = arith.constant 0 : i32
      %dma_wait3A_1261 = tpu.memref_slice %dma_wait3A_1259[%dma_wait3A_1244, %dma_wait3A_1260] : memref<8x128xi32, #tpu.memory_space<vmem>> -> memref<1x128xi32, #tpu.memory_space<vmem>>
      %dma_wait3A_1262 = tpu.memref_squeeze %dma_wait3A_1261 : memref<1x128xi32, #tpu.memory_space<vmem>> -> memref<128xi32, #tpu.memory_space<vmem>>
      %dma_wait3A_1263 = arith.constant 0 : i32
      %dma_wait3A_1264 = arith.constant 0 : i32
      %dma_wait3A_1265 = tpu.memref_slice %arg3[%dma_wait3A_1263, %dma_wait3A_1264] : memref<1000000x32xf32, #tpu.memory_space<hbm>> -> memref<1000000x32xf32, #tpu.memory_space<hbm>>
      tpu.wait_indirect_dma semaphore(%arg8 : memref<!tpu.dma_semaphore, #tpu.memory_space<semaphore_mem>>) src(%dma_wait3A_1265 : memref<1000000x32xf32, #tpu.memory_space<hbm>>) dst(%dma_wait3A_1255 : memref<128x32xf32, #tpu.memory_space<vmem>>)
      %dma_wait3A_1266 = arith.constant 0 : i32
      %dma_wait3A_1267 = arith.constant 7 : i32
      %dma_wait3A_1268 = arith.constant 0 : i32
      %dma_wait3A_1269 = arith.constant 7 : i32
      %dma_wait3A_1270 = arith.constant 0 : i32
      %dma_wait3A_1271 = arith.constant 0 : i32
      %dma_wait3A_1272 = arith.constant 0 : i32
      %dma_wait3A_1273 = tpu.memref_slice %arg6[%dma_wait3A_1268, %dma_wait3A_1270, %dma_wait3A_1271, %dma_wait3A_1272] : memref<2x8x128x32xf32, #tpu.memory_space<vmem>> -> memref<1x8x128x32xf32, #tpu.memory_space<vmem>>
      %dma_wait3A_1274 = tpu.memref_squeeze %dma_wait3A_1273 : memref<1x8x128x32xf32, #tpu.memory_space<vmem>> -> memref<8x128x32xf32, #tpu.memory_space<vmem>>
      %dma_wait3A_1275 = arith.constant 0 : i32
      %dma_wait3A_1276 = arith.constant 0 : i32
      %dma_wait3A_1277 = tpu.memref_slice %dma_wait3A_1274[%dma_wait3A_1269, %dma_wait3A_1275, %dma_wait3A_1276] : memref<8x128x32xf32, #tpu.memory_space<vmem>> -> memref<1x128x32xf32, #tpu.memory_space<vmem>>
      %dma_wait3A_1278 = tpu.memref_squeeze %dma_wait3A_1277 : memref<1x128x32xf32, #tpu.memory_space<vmem>> -> memref<128x32xf32, #tpu.memory_space<vmem>>
      %dma_wait3A_1279 = arith.constant 0 : i32
      %dma_wait3A_1280 = arith.constant 0 : i32
      %dma_wait3A_1281 = tpu.memref_slice %arg5[%dma_wait3A_1266, %dma_wait3A_1279, %dma_wait3A_1280] : memref<2x8x128xi32, #tpu.memory_space<vmem>> -> memref<1x8x128xi32, #tpu.memory_space<vmem>>
      %dma_wait3A_1282 = tpu.memref_squeeze %dma_wait3A_1281 : memref<1x8x128xi32, #tpu.memory_space<vmem>> -> memref<8x128xi32, #tpu.memory_space<vmem>>
      %dma_wait3A_1283 = arith.constant 0 : i32
      %dma_wait3A_1284 = tpu.memref_slice %dma_wait3A_1282[%dma_wait3A_1267, %dma_wait3A_1283] : memref<8x128xi32, #tpu.memory_space<vmem>> -> memref<1x128xi32, #tpu.memory_space<vmem>>
      %dma_wait3A_1285 = tpu.memref_squeeze %dma_wait3A_1284 : memref<1x128xi32, #tpu.memory_space<vmem>> -> memref<128xi32, #tpu.memory_space<vmem>>
      %dma_wait3A_1286 = arith.constant 0 : i32
      %dma_wait3A_1287 = arith.constant 0 : i32
      %dma_wait3A_1288 = tpu.memref_slice %arg3[%dma_wait3A_1286, %dma_wait3A_1287] : memref<1000000x32xf32, #tpu.memory_space<hbm>> -> memref<1000000x32xf32, #tpu.memory_space<hbm>>
      tpu.wait_indirect_dma semaphore(%arg8 : memref<!tpu.dma_semaphore, #tpu.memory_space<semaphore_mem>>) src(%dma_wait3A_1288 : memref<1000000x32xf32, #tpu.memory_space<hbm>>) dst(%dma_wait3A_1278 : memref<128x32xf32, #tpu.memory_space<vmem>>)
      %mul3A_1289 = arith.constant 8 : i32
      %mul3A_1290 = arith.muli %mul3A_872, %mul3A_1289 : i32
      %add3A_1291 = arith.addi %mul3A_2, %mul3A_1290 : i32
      %dma_start3A_1292 = arith.constant 0 : i32
      %dma_start3A_1293 = arith.constant 0 : i32
      %dma_start3A_1294 = arith.constant 0 : i32
      %dma_start3A_1295 = arith.constant 0 : i32
      %dma_start3A_1296 = tpu.memref_slice %arg6[%dma_start3A_1292, %dma_start3A_1293, %dma_start3A_1294, %dma_start3A_1295] : memref<2x8x128x32xf32, #tpu.memory_space<vmem>> -> memref<1x8x128x32xf32, #tpu.memory_space<vmem>>
      %dma_start3A_1297 = tpu.memref_squeeze %dma_start3A_1296 : memref<1x8x128x32xf32, #tpu.memory_space<vmem>> -> memref<8x128x32xf32, #tpu.memory_space<vmem>>
      %dma_start3A_1298 = arith.constant 0 : i32
      %dma_start3A_1299 = arith.constant 0 : i32
      %dma_start3A_1300 = tpu.memref_slice %arg4[%add3A_1291, %dma_start3A_1298, %dma_start3A_1299] : memref<12800x128x32xf32, #tpu.memory_space<hbm>> -> memref<8x128x32xf32, #tpu.memory_space<hbm>>
      %dma_start3A_1301 = arith.constant 0 : i32
      %dma_start3A_1302 = arith.constant 0 : i32
      %dma_start3A_1303 = tpu.memref_slice %arg4[%add3A_1291, %dma_start3A_1301, %dma_start3A_1302] : memref<12800x128x32xf32, #tpu.memory_space<hbm>> -> memref<8x128x32xf32, #tpu.memory_space<hbm>>
      %dma_start3A_1304 = arith.constant 0 : i32
      %dma_start3A_1305 = arith.constant 0 : i32
      %dma_start3A_1306 = arith.constant 0 : i32
      %dma_start3A_1307 = tpu.memref_slice %arg6[%dma_start3A_1292, %dma_start3A_1304, %dma_start3A_1305, %dma_start3A_1306] : memref<2x8x128x32xf32, #tpu.memory_space<vmem>> -> memref<1x8x128x32xf32, #tpu.memory_space<vmem>>
      %dma_start3A_1308 = tpu.memref_squeeze %dma_start3A_1307 : memref<1x8x128x32xf32, #tpu.memory_space<vmem>> -> memref<8x128x32xf32, #tpu.memory_space<vmem>>
      tpu.enqueue_dma source(%dma_start3A_1308 : memref<8x128x32xf32, #tpu.memory_space<vmem>>) target(%dma_start3A_1303 : memref<8x128x32xf32, #tpu.memory_space<hbm>>) target_semaphore(%arg9 : memref<!tpu.dma_semaphore, #tpu.memory_space<semaphore_mem>>)
      %dma_wait3A_1309 = arith.constant 1 : i32
      %dma_wait3A_1310 = arith.constant 0 : i32
      %dma_wait3A_1311 = arith.constant 0 : i32
      %dma_wait3A_1312 = tpu.memref_slice %arg5[%dma_wait3A_1309, %dma_wait3A_1310, %dma_wait3A_1311] : memref<2x8x128xi32, #tpu.memory_space<vmem>> -> memref<1x8x128xi32, #tpu.memory_space<vmem>>
      %dma_wait3A_1313 = tpu.memref_squeeze %dma_wait3A_1312 : memref<1x8x128xi32, #tpu.memory_space<vmem>> -> memref<8x128xi32, #tpu.memory_space<vmem>>
      %dma_wait3A_1314 = arith.constant 0 : i32
      %dma_wait3A_1315 = tpu.memref_slice %arg2[%mul3A_2, %dma_wait3A_1314] : memref<12800x128xi32, #tpu.memory_space<hbm>> -> memref<8x128xi32, #tpu.memory_space<hbm>>
      %dma_wait3A_1316 = arith.constant 0 : i32
      %dma_wait3A_1317 = arith.constant 0 : i32
      %dma_wait3A_1318 = tpu.memref_slice %arg5[%dma_wait3A_1309, %dma_wait3A_1316, %dma_wait3A_1317] : memref<2x8x128xi32, #tpu.memory_space<vmem>> -> memref<1x8x128xi32, #tpu.memory_space<vmem>>
      %dma_wait3A_1319 = tpu.memref_squeeze %dma_wait3A_1318 : memref<1x8x128xi32, #tpu.memory_space<vmem>> -> memref<8x128xi32, #tpu.memory_space<vmem>>
      %dma_wait3A_1320 = arith.constant 0 : i32
      %dma_wait3A_1321 = tpu.memref_slice %arg2[%mul3A_2, %dma_wait3A_1320] : memref<12800x128xi32, #tpu.memory_space<hbm>> -> memref<8x128xi32, #tpu.memory_space<hbm>>
      tpu.wait_dma2 semaphore(%arg7 : memref<!tpu.dma_semaphore, #tpu.memory_space<semaphore_mem>>) src(%dma_wait3A_1321 : memref<8x128xi32, #tpu.memory_space<hbm>>) dst(%dma_wait3A_1319 : memref<8x128xi32, #tpu.memory_space<vmem>>)
      %dma_wait3A_1322 = arith.constant 1 : i32
      %dma_wait3A_1323 = arith.constant 0 : i32
      %dma_wait3A_1324 = arith.constant 0 : i32
      %dma_wait3A_1325 = arith.constant 0 : i32
      %dma_wait3A_1326 = tpu.memref_slice %arg6[%dma_wait3A_1322, %dma_wait3A_1323, %dma_wait3A_1324, %dma_wait3A_1325] : memref<2x8x128x32xf32, #tpu.memory_space<vmem>> -> memref<1x8x128x32xf32, #tpu.memory_space<vmem>>
      %dma_wait3A_1327 = tpu.memref_squeeze %dma_wait3A_1326 : memref<1x8x128x32xf32, #tpu.memory_space<vmem>> -> memref<8x128x32xf32, #tpu.memory_space<vmem>>
      %dma_wait3A_1328 = arith.constant 0 : i32
      %dma_wait3A_1329 = arith.constant 0 : i32
      %dma_wait3A_1330 = tpu.memref_slice %arg4[%mul3A_2, %dma_wait3A_1328, %dma_wait3A_1329] : memref<12800x128x32xf32, #tpu.memory_space<hbm>> -> memref<8x128x32xf32, #tpu.memory_space<hbm>>
      %dma_wait3A_1331 = arith.constant 0 : i32
      %dma_wait3A_1332 = arith.constant 0 : i32
      %dma_wait3A_1333 = tpu.memref_slice %arg4[%mul3A_2, %dma_wait3A_1331, %dma_wait3A_1332] : memref<12800x128x32xf32, #tpu.memory_space<hbm>> -> memref<8x128x32xf32, #tpu.memory_space<hbm>>
      %dma_wait3A_1334 = arith.constant 0 : i32
      %dma_wait3A_1335 = arith.constant 0 : i32
      %dma_wait3A_1336 = arith.constant 0 : i32
      %dma_wait3A_1337 = tpu.memref_slice %arg6[%dma_wait3A_1322, %dma_wait3A_1334, %dma_wait3A_1335, %dma_wait3A_1336] : memref<2x8x128x32xf32, #tpu.memory_space<vmem>> -> memref<1x8x128x32xf32, #tpu.memory_space<vmem>>
      %dma_wait3A_1338 = tpu.memref_squeeze %dma_wait3A_1337 : memref<1x8x128x32xf32, #tpu.memory_space<vmem>> -> memref<8x128x32xf32, #tpu.memory_space<vmem>>
      tpu.wait_dma2 semaphore(%arg10 : memref<!tpu.dma_semaphore, #tpu.memory_space<semaphore_mem>>) src(%dma_wait3A_1338 : memref<8x128x32xf32, #tpu.memory_space<vmem>>) dst(%dma_wait3A_1333 : memref<8x128x32xf32, #tpu.memory_space<hbm>>)
      %dma_start3A_1339 = arith.constant 1 : i32
      %dma_start3A_1340 = arith.constant 0 : i32
      %dma_start3A_1341 = arith.constant 1 : i32
      %dma_start3A_1342 = arith.constant 0 : i32
      %dma_start3A_1343 = arith.constant 0 : i32
      %dma_start3A_1344 = arith.constant 0 : i32
      %dma_start3A_1345 = arith.constant 0 : i32
      %dma_start3A_1346 = tpu.memref_slice %arg6[%dma_start3A_1341, %dma_start3A_1343, %dma_start3A_1344, %dma_start3A_1345] : memref<2x8x128x32xf32, #tpu.memory_space<vmem>> -> memref<1x8x128x32xf32, #tpu.memory_space<vmem>>
      %dma_start3A_1347 = tpu.memref_squeeze %dma_start3A_1346 : memref<1x8x128x32xf32, #tpu.memory_space<vmem>> -> memref<8x128x32xf32, #tpu.memory_space<vmem>>
      %dma_start3A_1348 = arith.constant 0 : i32
      %dma_start3A_1349 = arith.constant 0 : i32
      %dma_start3A_1350 = tpu.memref_slice %dma_start3A_1347[%dma_start3A_1342, %dma_start3A_1348, %dma_start3A_1349] : memref<8x128x32xf32, #tpu.memory_space<vmem>> -> memref<1x128x32xf32, #tpu.memory_space<vmem>>
      %dma_start3A_1351 = tpu.memref_squeeze %dma_start3A_1350 : memref<1x128x32xf32, #tpu.memory_space<vmem>> -> memref<128x32xf32, #tpu.memory_space<vmem>>
      %dma_start3A_1352 = arith.constant 0 : i32
      %dma_start3A_1353 = arith.constant 0 : i32
      %dma_start3A_1354 = tpu.memref_slice %arg5[%dma_start3A_1339, %dma_start3A_1352, %dma_start3A_1353] : memref<2x8x128xi32, #tpu.memory_space<vmem>> -> memref<1x8x128xi32, #tpu.memory_space<vmem>>
      %dma_start3A_1355 = tpu.memref_squeeze %dma_start3A_1354 : memref<1x8x128xi32, #tpu.memory_space<vmem>> -> memref<8x128xi32, #tpu.memory_space<vmem>>
      %dma_start3A_1356 = arith.constant 0 : i32
      %dma_start3A_1357 = tpu.memref_slice %dma_start3A_1355[%dma_start3A_1340, %dma_start3A_1356] : memref<8x128xi32, #tpu.memory_space<vmem>> -> memref<1x128xi32, #tpu.memory_space<vmem>>
      %dma_start3A_1358 = tpu.memref_squeeze %dma_start3A_1357 : memref<1x128xi32, #tpu.memory_space<vmem>> -> memref<128xi32, #tpu.memory_space<vmem>>
      %dma_start3A_1359 = arith.constant 0 : i32
      %dma_start3A_1360 = arith.constant 0 : i32
      %dma_start3A_1361 = tpu.memref_slice %arg3[%dma_start3A_1359, %dma_start3A_1360] : memref<1000000x32xf32, #tpu.memory_space<hbm>> -> memref<1000000x32xf32, #tpu.memory_space<hbm>>
      tpu.enqueue_indirect_dma source(%dma_start3A_1361 : memref<1000000x32xf32, #tpu.memory_space<hbm>>) target(%dma_start3A_1351 : memref<128x32xf32, #tpu.memory_space<vmem>>) offsets(%dma_start3A_1358 : memref<128xi32, #tpu.memory_space<vmem>>) semaphore(%arg8 : memref<!tpu.dma_semaphore, #tpu.memory_space<semaphore_mem>>)
      %dma_start3A_1362 = arith.constant 1 : i32
      %dma_start3A_1363 = arith.constant 1 : i32
      %dma_start3A_1364 = arith.constant 1 : i32
      %dma_start3A_1365 = arith.constant 1 : i32
      %dma_start3A_1366 = arith.constant 0 : i32
      %dma_start3A_1367 = arith.constant 0 : i32
      %dma_start3A_1368 = arith.constant 0 : i32
      %dma_start3A_1369 = tpu.memref_slice %arg6[%dma_start3A_1364, %dma_start3A_1366, %dma_start3A_1367, %dma_start3A_1368] : memref<2x8x128x32xf32, #tpu.memory_space<vmem>> -> memref<1x8x128x32xf32, #tpu.memory_space<vmem>>
      %dma_start3A_1370 = tpu.memref_squeeze %dma_start3A_1369 : memref<1x8x128x32xf32, #tpu.memory_space<vmem>> -> memref<8x128x32xf32, #tpu.memory_space<vmem>>
      %dma_start3A_1371 = arith.constant 0 : i32
      %dma_start3A_1372 = arith.constant 0 : i32
      %dma_start3A_1373 = tpu.memref_slice %dma_start3A_1370[%dma_start3A_1365, %dma_start3A_1371, %dma_start3A_1372] : memref<8x128x32xf32, #tpu.memory_space<vmem>> -> memref<1x128x32xf32, #tpu.memory_space<vmem>>
      %dma_start3A_1374 = tpu.memref_squeeze %dma_start3A_1373 : memref<1x128x32xf32, #tpu.memory_space<vmem>> -> memref<128x32xf32, #tpu.memory_space<vmem>>
      %dma_start3A_1375 = arith.constant 0 : i32
      %dma_start3A_1376 = arith.constant 0 : i32
      %dma_start3A_1377 = tpu.memref_slice %arg5[%dma_start3A_1362, %dma_start3A_1375, %dma_start3A_1376] : memref<2x8x128xi32, #tpu.memory_space<vmem>> -> memref<1x8x128xi32, #tpu.memory_space<vmem>>
      %dma_start3A_1378 = tpu.memref_squeeze %dma_start3A_1377 : memref<1x8x128xi32, #tpu.memory_space<vmem>> -> memref<8x128xi32, #tpu.memory_space<vmem>>
      %dma_start3A_1379 = arith.constant 0 : i32
      %dma_start3A_1380 = tpu.memref_slice %dma_start3A_1378[%dma_start3A_1363, %dma_start3A_1379] : memref<8x128xi32, #tpu.memory_space<vmem>> -> memref<1x128xi32, #tpu.memory_space<vmem>>
      %dma_start3A_1381 = tpu.memref_squeeze %dma_start3A_1380 : memref<1x128xi32, #tpu.memory_space<vmem>> -> memref<128xi32, #tpu.memory_space<vmem>>
      %dma_start3A_1382 = arith.constant 0 : i32
      %dma_start3A_1383 = arith.constant 0 : i32
      %dma_start3A_1384 = tpu.memref_slice %arg3[%dma_start3A_1382, %dma_start3A_1383] : memref<1000000x32xf32, #tpu.memory_space<hbm>> -> memref<1000000x32xf32, #tpu.memory_space<hbm>>
      tpu.enqueue_indirect_dma source(%dma_start3A_1384 : memref<1000000x32xf32, #tpu.memory_space<hbm>>) target(%dma_start3A_1374 : memref<128x32xf32, #tpu.memory_space<vmem>>) offsets(%dma_start3A_1381 : memref<128xi32, #tpu.memory_space<vmem>>) semaphore(%arg8 : memref<!tpu.dma_semaphore, #tpu.memory_space<semaphore_mem>>)
      %dma_start3A_1385 = arith.constant 1 : i32
      %dma_start3A_1386 = arith.constant 2 : i32
      %dma_start3A_1387 = arith.constant 1 : i32
      %dma_start3A_1388 = arith.constant 2 : i32
      %dma_start3A_1389 = arith.constant 0 : i32
      %dma_start3A_1390 = arith.constant 0 : i32
      %dma_start3A_1391 = arith.constant 0 : i32
      %dma_start3A_1392 = tpu.memref_slice %arg6[%dma_start3A_1387, %dma_start3A_1389, %dma_start3A_1390, %dma_start3A_1391] : memref<2x8x128x32xf32, #tpu.memory_space<vmem>> -> memref<1x8x128x32xf32, #tpu.memory_space<vmem>>
      %dma_start3A_1393 = tpu.memref_squeeze %dma_start3A_1392 : memref<1x8x128x32xf32, #tpu.memory_space<vmem>> -> memref<8x128x32xf32, #tpu.memory_space<vmem>>
      %dma_start3A_1394 = arith.constant 0 : i32
      %dma_start3A_1395 = arith.constant 0 : i32
      %dma_start3A_1396 = tpu.memref_slice %dma_start3A_1393[%dma_start3A_1388, %dma_start3A_1394, %dma_start3A_1395] : memref<8x128x32xf32, #tpu.memory_space<vmem>> -> memref<1x128x32xf32, #tpu.memory_space<vmem>>
      %dma_start3A_1397 = tpu.memref_squeeze %dma_start3A_1396 : memref<1x128x32xf32, #tpu.memory_space<vmem>> -> memref<128x32xf32, #tpu.memory_space<vmem>>
      %dma_start3A_1398 = arith.constant 0 : i32
      %dma_start3A_1399 = arith.constant 0 : i32
      %dma_start3A_1400 = tpu.memref_slice %arg5[%dma_start3A_1385, %dma_start3A_1398, %dma_start3A_1399] : memref<2x8x128xi32, #tpu.memory_space<vmem>> -> memref<1x8x128xi32, #tpu.memory_space<vmem>>
      %dma_start3A_1401 = tpu.memref_squeeze %dma_start3A_1400 : memref<1x8x128xi32, #tpu.memory_space<vmem>> -> memref<8x128xi32, #tpu.memory_space<vmem>>
      %dma_start3A_1402 = arith.constant 0 : i32
      %dma_start3A_1403 = tpu.memref_slice %dma_start3A_1401[%dma_start3A_1386, %dma_start3A_1402] : memref<8x128xi32, #tpu.memory_space<vmem>> -> memref<1x128xi32, #tpu.memory_space<vmem>>
      %dma_start3A_1404 = tpu.memref_squeeze %dma_start3A_1403 : memref<1x128xi32, #tpu.memory_space<vmem>> -> memref<128xi32, #tpu.memory_space<vmem>>
      %dma_start3A_1405 = arith.constant 0 : i32
      %dma_start3A_1406 = arith.constant 0 : i32
      %dma_start3A_1407 = tpu.memref_slice %arg3[%dma_start3A_1405, %dma_start3A_1406] : memref<1000000x32xf32, #tpu.memory_space<hbm>> -> memref<1000000x32xf32, #tpu.memory_space<hbm>>
      tpu.enqueue_indirect_dma source(%dma_start3A_1407 : memref<1000000x32xf32, #tpu.memory_space<hbm>>) target(%dma_start3A_1397 : memref<128x32xf32, #tpu.memory_space<vmem>>) offsets(%dma_start3A_1404 : memref<128xi32, #tpu.memory_space<vmem>>) semaphore(%arg8 : memref<!tpu.dma_semaphore, #tpu.memory_space<semaphore_mem>>)
      %dma_start3A_1408 = arith.constant 1 : i32
      %dma_start3A_1409 = arith.constant 3 : i32
      %dma_start3A_1410 = arith.constant 1 : i32
      %dma_start3A_1411 = arith.constant 3 : i32
      %dma_start3A_1412 = arith.constant 0 : i32
      %dma_start3A_1413 = arith.constant 0 : i32
      %dma_start3A_1414 = arith.constant 0 : i32
      %dma_start3A_1415 = tpu.memref_slice %arg6[%dma_start3A_1410, %dma_start3A_1412, %dma_start3A_1413, %dma_start3A_1414] : memref<2x8x128x32xf32, #tpu.memory_space<vmem>> -> memref<1x8x128x32xf32, #tpu.memory_space<vmem>>
      %dma_start3A_1416 = tpu.memref_squeeze %dma_start3A_1415 : memref<1x8x128x32xf32, #tpu.memory_space<vmem>> -> memref<8x128x32xf32, #tpu.memory_space<vmem>>
      %dma_start3A_1417 = arith.constant 0 : i32
      %dma_start3A_1418 = arith.constant 0 : i32
      %dma_start3A_1419 = tpu.memref_slice %dma_start3A_1416[%dma_start3A_1411, %dma_start3A_1417, %dma_start3A_1418] : memref<8x128x32xf32, #tpu.memory_space<vmem>> -> memref<1x128x32xf32, #tpu.memory_space<vmem>>
      %dma_start3A_1420 = tpu.memref_squeeze %dma_start3A_1419 : memref<1x128x32xf32, #tpu.memory_space<vmem>> -> memref<128x32xf32, #tpu.memory_space<vmem>>
      %dma_start3A_1421 = arith.constant 0 : i32
      %dma_start3A_1422 = arith.constant 0 : i32
      %dma_start3A_1423 = tpu.memref_slice %arg5[%dma_start3A_1408, %dma_start3A_1421, %dma_start3A_1422] : memref<2x8x128xi32, #tpu.memory_space<vmem>> -> memref<1x8x128xi32, #tpu.memory_space<vmem>>
      %dma_start3A_1424 = tpu.memref_squeeze %dma_start3A_1423 : memref<1x8x128xi32, #tpu.memory_space<vmem>> -> memref<8x128xi32, #tpu.memory_space<vmem>>
      %dma_start3A_1425 = arith.constant 0 : i32
      %dma_start3A_1426 = tpu.memref_slice %dma_start3A_1424[%dma_start3A_1409, %dma_start3A_1425] : memref<8x128xi32, #tpu.memory_space<vmem>> -> memref<1x128xi32, #tpu.memory_space<vmem>>
      %dma_start3A_1427 = tpu.memref_squeeze %dma_start3A_1426 : memref<1x128xi32, #tpu.memory_space<vmem>> -> memref<128xi32, #tpu.memory_space<vmem>>
      %dma_start3A_1428 = arith.constant 0 : i32
      %dma_start3A_1429 = arith.constant 0 : i32
      %dma_start3A_1430 = tpu.memref_slice %arg3[%dma_start3A_1428, %dma_start3A_1429] : memref<1000000x32xf32, #tpu.memory_space<hbm>> -> memref<1000000x32xf32, #tpu.memory_space<hbm>>
      tpu.enqueue_indirect_dma source(%dma_start3A_1430 : memref<1000000x32xf32, #tpu.memory_space<hbm>>) target(%dma_start3A_1420 : memref<128x32xf32, #tpu.memory_space<vmem>>) offsets(%dma_start3A_1427 : memref<128xi32, #tpu.memory_space<vmem>>) semaphore(%arg8 : memref<!tpu.dma_semaphore, #tpu.memory_space<semaphore_mem>>)
      %dma_start3A_1431 = arith.constant 1 : i32
      %dma_start3A_1432 = arith.constant 4 : i32
      %dma_start3A_1433 = arith.constant 1 : i32
      %dma_start3A_1434 = arith.constant 4 : i32
      %dma_start3A_1435 = arith.constant 0 : i32
      %dma_start3A_1436 = arith.constant 0 : i32
      %dma_start3A_1437 = arith.constant 0 : i32
      %dma_start3A_1438 = tpu.memref_slice %arg6[%dma_start3A_1433, %dma_start3A_1435, %dma_start3A_1436, %dma_start3A_1437] : memref<2x8x128x32xf32, #tpu.memory_space<vmem>> -> memref<1x8x128x32xf32, #tpu.memory_space<vmem>>
      %dma_start3A_1439 = tpu.memref_squeeze %dma_start3A_1438 : memref<1x8x128x32xf32, #tpu.memory_space<vmem>> -> memref<8x128x32xf32, #tpu.memory_space<vmem>>
      %dma_start3A_1440 = arith.constant 0 : i32
      %dma_start3A_1441 = arith.constant 0 : i32
      %dma_start3A_1442 = tpu.memref_slice %dma_start3A_1439[%dma_start3A_1434, %dma_start3A_1440, %dma_start3A_1441] : memref<8x128x32xf32, #tpu.memory_space<vmem>> -> memref<1x128x32xf32, #tpu.memory_space<vmem>>
      %dma_start3A_1443 = tpu.memref_squeeze %dma_start3A_1442 : memref<1x128x32xf32, #tpu.memory_space<vmem>> -> memref<128x32xf32, #tpu.memory_space<vmem>>
      %dma_start3A_1444 = arith.constant 0 : i32
      %dma_start3A_1445 = arith.constant 0 : i32
      %dma_start3A_1446 = tpu.memref_slice %arg5[%dma_start3A_1431, %dma_start3A_1444, %dma_start3A_1445] : memref<2x8x128xi32, #tpu.memory_space<vmem>> -> memref<1x8x128xi32, #tpu.memory_space<vmem>>
      %dma_start3A_1447 = tpu.memref_squeeze %dma_start3A_1446 : memref<1x8x128xi32, #tpu.memory_space<vmem>> -> memref<8x128xi32, #tpu.memory_space<vmem>>
      %dma_start3A_1448 = arith.constant 0 : i32
      %dma_start3A_1449 = tpu.memref_slice %dma_start3A_1447[%dma_start3A_1432, %dma_start3A_1448] : memref<8x128xi32, #tpu.memory_space<vmem>> -> memref<1x128xi32, #tpu.memory_space<vmem>>
      %dma_start3A_1450 = tpu.memref_squeeze %dma_start3A_1449 : memref<1x128xi32, #tpu.memory_space<vmem>> -> memref<128xi32, #tpu.memory_space<vmem>>
      %dma_start3A_1451 = arith.constant 0 : i32
      %dma_start3A_1452 = arith.constant 0 : i32
      %dma_start3A_1453 = tpu.memref_slice %arg3[%dma_start3A_1451, %dma_start3A_1452] : memref<1000000x32xf32, #tpu.memory_space<hbm>> -> memref<1000000x32xf32, #tpu.memory_space<hbm>>
      tpu.enqueue_indirect_dma source(%dma_start3A_1453 : memref<1000000x32xf32, #tpu.memory_space<hbm>>) target(%dma_start3A_1443 : memref<128x32xf32, #tpu.memory_space<vmem>>) offsets(%dma_start3A_1450 : memref<128xi32, #tpu.memory_space<vmem>>) semaphore(%arg8 : memref<!tpu.dma_semaphore, #tpu.memory_space<semaphore_mem>>)
      %dma_start3A_1454 = arith.constant 1 : i32
      %dma_start3A_1455 = arith.constant 5 : i32
      %dma_start3A_1456 = arith.constant 1 : i32
      %dma_start3A_1457 = arith.constant 5 : i32
      %dma_start3A_1458 = arith.constant 0 : i32
      %dma_start3A_1459 = arith.constant 0 : i32
      %dma_start3A_1460 = arith.constant 0 : i32
      %dma_start3A_1461 = tpu.memref_slice %arg6[%dma_start3A_1456, %dma_start3A_1458, %dma_start3A_1459, %dma_start3A_1460] : memref<2x8x128x32xf32, #tpu.memory_space<vmem>> -> memref<1x8x128x32xf32, #tpu.memory_space<vmem>>
      %dma_start3A_1462 = tpu.memref_squeeze %dma_start3A_1461 : memref<1x8x128x32xf32, #tpu.memory_space<vmem>> -> memref<8x128x32xf32, #tpu.memory_space<vmem>>
      %dma_start3A_1463 = arith.constant 0 : i32
      %dma_start3A_1464 = arith.constant 0 : i32
      %dma_start3A_1465 = tpu.memref_slice %dma_start3A_1462[%dma_start3A_1457, %dma_start3A_1463, %dma_start3A_1464] : memref<8x128x32xf32, #tpu.memory_space<vmem>> -> memref<1x128x32xf32, #tpu.memory_space<vmem>>
      %dma_start3A_1466 = tpu.memref_squeeze %dma_start3A_1465 : memref<1x128x32xf32, #tpu.memory_space<vmem>> -> memref<128x32xf32, #tpu.memory_space<vmem>>
      %dma_start3A_1467 = arith.constant 0 : i32
      %dma_start3A_1468 = arith.constant 0 : i32
      %dma_start3A_1469 = tpu.memref_slice %arg5[%dma_start3A_1454, %dma_start3A_1467, %dma_start3A_1468] : memref<2x8x128xi32, #tpu.memory_space<vmem>> -> memref<1x8x128xi32, #tpu.memory_space<vmem>>
      %dma_start3A_1470 = tpu.memref_squeeze %dma_start3A_1469 : memref<1x8x128xi32, #tpu.memory_space<vmem>> -> memref<8x128xi32, #tpu.memory_space<vmem>>
      %dma_start3A_1471 = arith.constant 0 : i32
      %dma_start3A_1472 = tpu.memref_slice %dma_start3A_1470[%dma_start3A_1455, %dma_start3A_1471] : memref<8x128xi32, #tpu.memory_space<vmem>> -> memref<1x128xi32, #tpu.memory_space<vmem>>
      %dma_start3A_1473 = tpu.memref_squeeze %dma_start3A_1472 : memref<1x128xi32, #tpu.memory_space<vmem>> -> memref<128xi32, #tpu.memory_space<vmem>>
      %dma_start3A_1474 = arith.constant 0 : i32
      %dma_start3A_1475 = arith.constant 0 : i32
      %dma_start3A_1476 = tpu.memref_slice %arg3[%dma_start3A_1474, %dma_start3A_1475] : memref<1000000x32xf32, #tpu.memory_space<hbm>> -> memref<1000000x32xf32, #tpu.memory_space<hbm>>
      tpu.enqueue_indirect_dma source(%dma_start3A_1476 : memref<1000000x32xf32, #tpu.memory_space<hbm>>) target(%dma_start3A_1466 : memref<128x32xf32, #tpu.memory_space<vmem>>) offsets(%dma_start3A_1473 : memref<128xi32, #tpu.memory_space<vmem>>) semaphore(%arg8 : memref<!tpu.dma_semaphore, #tpu.memory_space<semaphore_mem>>)
      %dma_start3A_1477 = arith.constant 1 : i32
      %dma_start3A_1478 = arith.constant 6 : i32
      %dma_start3A_1479 = arith.constant 1 : i32
      %dma_start3A_1480 = arith.constant 6 : i32
      %dma_start3A_1481 = arith.constant 0 : i32
      %dma_start3A_1482 = arith.constant 0 : i32
      %dma_start3A_1483 = arith.constant 0 : i32
      %dma_start3A_1484 = tpu.memref_slice %arg6[%dma_start3A_1479, %dma_start3A_1481, %dma_start3A_1482, %dma_start3A_1483] : memref<2x8x128x32xf32, #tpu.memory_space<vmem>> -> memref<1x8x128x32xf32, #tpu.memory_space<vmem>>
      %dma_start3A_1485 = tpu.memref_squeeze %dma_start3A_1484 : memref<1x8x128x32xf32, #tpu.memory_space<vmem>> -> memref<8x128x32xf32, #tpu.memory_space<vmem>>
      %dma_start3A_1486 = arith.constant 0 : i32
      %dma_start3A_1487 = arith.constant 0 : i32
      %dma_start3A_1488 = tpu.memref_slice %dma_start3A_1485[%dma_start3A_1480, %dma_start3A_1486, %dma_start3A_1487] : memref<8x128x32xf32, #tpu.memory_space<vmem>> -> memref<1x128x32xf32, #tpu.memory_space<vmem>>
      %dma_start3A_1489 = tpu.memref_squeeze %dma_start3A_1488 : memref<1x128x32xf32, #tpu.memory_space<vmem>> -> memref<128x32xf32, #tpu.memory_space<vmem>>
      %dma_start3A_1490 = arith.constant 0 : i32
      %dma_start3A_1491 = arith.constant 0 : i32
      %dma_start3A_1492 = tpu.memref_slice %arg5[%dma_start3A_1477, %dma_start3A_1490, %dma_start3A_1491] : memref<2x8x128xi32, #tpu.memory_space<vmem>> -> memref<1x8x128xi32, #tpu.memory_space<vmem>>
      %dma_start3A_1493 = tpu.memref_squeeze %dma_start3A_1492 : memref<1x8x128xi32, #tpu.memory_space<vmem>> -> memref<8x128xi32, #tpu.memory_space<vmem>>
      %dma_start3A_1494 = arith.constant 0 : i32
      %dma_start3A_1495 = tpu.memref_slice %dma_start3A_1493[%dma_start3A_1478, %dma_start3A_1494] : memref<8x128xi32, #tpu.memory_space<vmem>> -> memref<1x128xi32, #tpu.memory_space<vmem>>
      %dma_start3A_1496 = tpu.memref_squeeze %dma_start3A_1495 : memref<1x128xi32, #tpu.memory_space<vmem>> -> memref<128xi32, #tpu.memory_space<vmem>>
      %dma_start3A_1497 = arith.constant 0 : i32
      %dma_start3A_1498 = arith.constant 0 : i32
      %dma_start3A_1499 = tpu.memref_slice %arg3[%dma_start3A_1497, %dma_start3A_1498] : memref<1000000x32xf32, #tpu.memory_space<hbm>> -> memref<1000000x32xf32, #tpu.memory_space<hbm>>
      tpu.enqueue_indirect_dma source(%dma_start3A_1499 : memref<1000000x32xf32, #tpu.memory_space<hbm>>) target(%dma_start3A_1489 : memref<128x32xf32, #tpu.memory_space<vmem>>) offsets(%dma_start3A_1496 : memref<128xi32, #tpu.memory_space<vmem>>) semaphore(%arg8 : memref<!tpu.dma_semaphore, #tpu.memory_space<semaphore_mem>>)
      %dma_start3A_1500 = arith.constant 1 : i32
      %dma_start3A_1501 = arith.constant 7 : i32
      %dma_start3A_1502 = arith.constant 1 : i32
      %dma_start3A_1503 = arith.constant 7 : i32
      %dma_start3A_1504 = arith.constant 0 : i32
      %dma_start3A_1505 = arith.constant 0 : i32
      %dma_start3A_1506 = arith.constant 0 : i32
      %dma_start3A_1507 = tpu.memref_slice %arg6[%dma_start3A_1502, %dma_start3A_1504, %dma_start3A_1505, %dma_start3A_1506] : memref<2x8x128x32xf32, #tpu.memory_space<vmem>> -> memref<1x8x128x32xf32, #tpu.memory_space<vmem>>
      %dma_start3A_1508 = tpu.memref_squeeze %dma_start3A_1507 : memref<1x8x128x32xf32, #tpu.memory_space<vmem>> -> memref<8x128x32xf32, #tpu.memory_space<vmem>>
      %dma_start3A_1509 = arith.constant 0 : i32
      %dma_start3A_1510 = arith.constant 0 : i32
      %dma_start3A_1511 = tpu.memref_slice %dma_start3A_1508[%dma_start3A_1503, %dma_start3A_1509, %dma_start3A_1510] : memref<8x128x32xf32, #tpu.memory_space<vmem>> -> memref<1x128x32xf32, #tpu.memory_space<vmem>>
      %dma_start3A_1512 = tpu.memref_squeeze %dma_start3A_1511 : memref<1x128x32xf32, #tpu.memory_space<vmem>> -> memref<128x32xf32, #tpu.memory_space<vmem>>
      %dma_start3A_1513 = arith.constant 0 : i32
      %dma_start3A_1514 = arith.constant 0 : i32
      %dma_start3A_1515 = tpu.memref_slice %arg5[%dma_start3A_1500, %dma_start3A_1513, %dma_start3A_1514] : memref<2x8x128xi32, #tpu.memory_space<vmem>> -> memref<1x8x128xi32, #tpu.memory_space<vmem>>
      %dma_start3A_1516 = tpu.memref_squeeze %dma_start3A_1515 : memref<1x8x128xi32, #tpu.memory_space<vmem>> -> memref<8x128xi32, #tpu.memory_space<vmem>>
      %dma_start3A_1517 = arith.constant 0 : i32
      %dma_start3A_1518 = tpu.memref_slice %dma_start3A_1516[%dma_start3A_1501, %dma_start3A_1517] : memref<8x128xi32, #tpu.memory_space<vmem>> -> memref<1x128xi32, #tpu.memory_space<vmem>>
      %dma_start3A_1519 = tpu.memref_squeeze %dma_start3A_1518 : memref<1x128xi32, #tpu.memory_space<vmem>> -> memref<128xi32, #tpu.memory_space<vmem>>
      %dma_start3A_1520 = arith.constant 0 : i32
      %dma_start3A_1521 = arith.constant 0 : i32
      %dma_start3A_1522 = tpu.memref_slice %arg3[%dma_start3A_1520, %dma_start3A_1521] : memref<1000000x32xf32, #tpu.memory_space<hbm>> -> memref<1000000x32xf32, #tpu.memory_space<hbm>>
      tpu.enqueue_indirect_dma source(%dma_start3A_1522 : memref<1000000x32xf32, #tpu.memory_space<hbm>>) target(%dma_start3A_1512 : memref<128x32xf32, #tpu.memory_space<vmem>>) offsets(%dma_start3A_1519 : memref<128xi32, #tpu.memory_space<vmem>>) semaphore(%arg8 : memref<!tpu.dma_semaphore, #tpu.memory_space<semaphore_mem>>)
      %add3A_1523 = arith.constant 2 : i32
      %add3A_1524 = arith.addi %mul3A_872, %add3A_1523 : i32
      %min3A = arith.constant 49 : i32
      %min3A_1525 = arith.minsi %add3A_1524, %min3A : i32
      %mul3A_1526 = arith.constant 8 : i32
      %mul3A_1527 = arith.muli %min3A_1525, %mul3A_1526 : i32
      %add3A_1528 = arith.addi %mul3A_2, %mul3A_1527 : i32
      %dma_start3A_1529 = arith.constant 0 : i32
      %dma_start3A_1530 = arith.constant 0 : i32
      %dma_start3A_1531 = arith.constant 0 : i32
      %dma_start3A_1532 = tpu.memref_slice %arg5[%dma_start3A_1529, %dma_start3A_1530, %dma_start3A_1531] : memref<2x8x128xi32, #tpu.memory_space<vmem>> -> memref<1x8x128xi32, #tpu.memory_space<vmem>>
      %dma_start3A_1533 = tpu.memref_squeeze %dma_start3A_1532 : memref<1x8x128xi32, #tpu.memory_space<vmem>> -> memref<8x128xi32, #tpu.memory_space<vmem>>
      %dma_start3A_1534 = arith.constant 0 : i32
      %dma_start3A_1535 = tpu.memref_slice %arg2[%add3A_1528, %dma_start3A_1534] : memref<12800x128xi32, #tpu.memory_space<hbm>> -> memref<8x128xi32, #tpu.memory_space<hbm>>
      %dma_start3A_1536 = arith.constant 0 : i32
      %dma_start3A_1537 = arith.constant 0 : i32
      %dma_start3A_1538 = tpu.memref_slice %arg5[%dma_start3A_1529, %dma_start3A_1536, %dma_start3A_1537] : memref<2x8x128xi32, #tpu.memory_space<vmem>> -> memref<1x8x128xi32, #tpu.memory_space<vmem>>
      %dma_start3A_1539 = tpu.memref_squeeze %dma_start3A_1538 : memref<1x8x128xi32, #tpu.memory_space<vmem>> -> memref<8x128xi32, #tpu.memory_space<vmem>>
      %dma_start3A_1540 = arith.constant 0 : i32
      %dma_start3A_1541 = tpu.memref_slice %arg2[%add3A_1528, %dma_start3A_1540] : memref<12800x128xi32, #tpu.memory_space<hbm>> -> memref<8x128xi32, #tpu.memory_space<hbm>>
      tpu.enqueue_dma source(%dma_start3A_1541 : memref<8x128xi32, #tpu.memory_space<hbm>>) target(%dma_start3A_1539 : memref<8x128xi32, #tpu.memory_space<vmem>>) target_semaphore(%arg7 : memref<!tpu.dma_semaphore, #tpu.memory_space<semaphore_mem>>)
      %dma_wait3A_1542 = arith.constant 1 : i32
      %dma_wait3A_1543 = arith.constant 0 : i32
      %dma_wait3A_1544 = arith.constant 1 : i32
      %dma_wait3A_1545 = arith.constant 0 : i32
      %dma_wait3A_1546 = arith.constant 0 : i32
      %dma_wait3A_1547 = arith.constant 0 : i32
      %dma_wait3A_1548 = arith.constant 0 : i32
      %dma_wait3A_1549 = tpu.memref_slice %arg6[%dma_wait3A_1544, %dma_wait3A_1546, %dma_wait3A_1547, %dma_wait3A_1548] : memref<2x8x128x32xf32, #tpu.memory_space<vmem>> -> memref<1x8x128x32xf32, #tpu.memory_space<vmem>>
      %dma_wait3A_1550 = tpu.memref_squeeze %dma_wait3A_1549 : memref<1x8x128x32xf32, #tpu.memory_space<vmem>> -> memref<8x128x32xf32, #tpu.memory_space<vmem>>
      %dma_wait3A_1551 = arith.constant 0 : i32
      %dma_wait3A_1552 = arith.constant 0 : i32
      %dma_wait3A_1553 = tpu.memref_slice %dma_wait3A_1550[%dma_wait3A_1545, %dma_wait3A_1551, %dma_wait3A_1552] : memref<8x128x32xf32, #tpu.memory_space<vmem>> -> memref<1x128x32xf32, #tpu.memory_space<vmem>>
      %dma_wait3A_1554 = tpu.memref_squeeze %dma_wait3A_1553 : memref<1x128x32xf32, #tpu.memory_space<vmem>> -> memref<128x32xf32, #tpu.memory_space<vmem>>
      %dma_wait3A_1555 = arith.constant 0 : i32
      %dma_wait3A_1556 = arith.constant 0 : i32
      %dma_wait3A_1557 = tpu.memref_slice %arg5[%dma_wait3A_1542, %dma_wait3A_1555, %dma_wait3A_1556] : memref<2x8x128xi32, #tpu.memory_space<vmem>> -> memref<1x8x128xi32, #tpu.memory_space<vmem>>
      %dma_wait3A_1558 = tpu.memref_squeeze %dma_wait3A_1557 : memref<1x8x128xi32, #tpu.memory_space<vmem>> -> memref<8x128xi32, #tpu.memory_space<vmem>>
      %dma_wait3A_1559 = arith.constant 0 : i32
      %dma_wait3A_1560 = tpu.memref_slice %dma_wait3A_1558[%dma_wait3A_1543, %dma_wait3A_1559] : memref<8x128xi32, #tpu.memory_space<vmem>> -> memref<1x128xi32, #tpu.memory_space<vmem>>
      %dma_wait3A_1561 = tpu.memref_squeeze %dma_wait3A_1560 : memref<1x128xi32, #tpu.memory_space<vmem>> -> memref<128xi32, #tpu.memory_space<vmem>>
      %dma_wait3A_1562 = arith.constant 0 : i32
      %dma_wait3A_1563 = arith.constant 0 : i32
      %dma_wait3A_1564 = tpu.memref_slice %arg3[%dma_wait3A_1562, %dma_wait3A_1563] : memref<1000000x32xf32, #tpu.memory_space<hbm>> -> memref<1000000x32xf32, #tpu.memory_space<hbm>>
      tpu.wait_indirect_dma semaphore(%arg8 : memref<!tpu.dma_semaphore, #tpu.memory_space<semaphore_mem>>) src(%dma_wait3A_1564 : memref<1000000x32xf32, #tpu.memory_space<hbm>>) dst(%dma_wait3A_1554 : memref<128x32xf32, #tpu.memory_space<vmem>>)
      %dma_wait3A_1565 = arith.constant 1 : i32
      %dma_wait3A_1566 = arith.constant 1 : i32
      %dma_wait3A_1567 = arith.constant 1 : i32
      %dma_wait3A_1568 = arith.constant 1 : i32
      %dma_wait3A_1569 = arith.constant 0 : i32
      %dma_wait3A_1570 = arith.constant 0 : i32
      %dma_wait3A_1571 = arith.constant 0 : i32
      %dma_wait3A_1572 = tpu.memref_slice %arg6[%dma_wait3A_1567, %dma_wait3A_1569, %dma_wait3A_1570, %dma_wait3A_1571] : memref<2x8x128x32xf32, #tpu.memory_space<vmem>> -> memref<1x8x128x32xf32, #tpu.memory_space<vmem>>
      %dma_wait3A_1573 = tpu.memref_squeeze %dma_wait3A_1572 : memref<1x8x128x32xf32, #tpu.memory_space<vmem>> -> memref<8x128x32xf32, #tpu.memory_space<vmem>>
      %dma_wait3A_1574 = arith.constant 0 : i32
      %dma_wait3A_1575 = arith.constant 0 : i32
      %dma_wait3A_1576 = tpu.memref_slice %dma_wait3A_1573[%dma_wait3A_1568, %dma_wait3A_1574, %dma_wait3A_1575] : memref<8x128x32xf32, #tpu.memory_space<vmem>> -> memref<1x128x32xf32, #tpu.memory_space<vmem>>
      %dma_wait3A_1577 = tpu.memref_squeeze %dma_wait3A_1576 : memref<1x128x32xf32, #tpu.memory_space<vmem>> -> memref<128x32xf32, #tpu.memory_space<vmem>>
      %dma_wait3A_1578 = arith.constant 0 : i32
      %dma_wait3A_1579 = arith.constant 0 : i32
      %dma_wait3A_1580 = tpu.memref_slice %arg5[%dma_wait3A_1565, %dma_wait3A_1578, %dma_wait3A_1579] : memref<2x8x128xi32, #tpu.memory_space<vmem>> -> memref<1x8x128xi32, #tpu.memory_space<vmem>>
      %dma_wait3A_1581 = tpu.memref_squeeze %dma_wait3A_1580 : memref<1x8x128xi32, #tpu.memory_space<vmem>> -> memref<8x128xi32, #tpu.memory_space<vmem>>
      %dma_wait3A_1582 = arith.constant 0 : i32
      %dma_wait3A_1583 = tpu.memref_slice %dma_wait3A_1581[%dma_wait3A_1566, %dma_wait3A_1582] : memref<8x128xi32, #tpu.memory_space<vmem>> -> memref<1x128xi32, #tpu.memory_space<vmem>>
      %dma_wait3A_1584 = tpu.memref_squeeze %dma_wait3A_1583 : memref<1x128xi32, #tpu.memory_space<vmem>> -> memref<128xi32, #tpu.memory_space<vmem>>
      %dma_wait3A_1585 = arith.constant 0 : i32
      %dma_wait3A_1586 = arith.constant 0 : i32
      %dma_wait3A_1587 = tpu.memref_slice %arg3[%dma_wait3A_1585, %dma_wait3A_1586] : memref<1000000x32xf32, #tpu.memory_space<hbm>> -> memref<1000000x32xf32, #tpu.memory_space<hbm>>
      tpu.wait_indirect_dma semaphore(%arg8 : memref<!tpu.dma_semaphore, #tpu.memory_space<semaphore_mem>>) src(%dma_wait3A_1587 : memref<1000000x32xf32, #tpu.memory_space<hbm>>) dst(%dma_wait3A_1577 : memref<128x32xf32, #tpu.memory_space<vmem>>)
      %dma_wait3A_1588 = arith.constant 1 : i32
      %dma_wait3A_1589 = arith.constant 2 : i32
      %dma_wait3A_1590 = arith.constant 1 : i32
      %dma_wait3A_1591 = arith.constant 2 : i32
      %dma_wait3A_1592 = arith.constant 0 : i32
      %dma_wait3A_1593 = arith.constant 0 : i32
      %dma_wait3A_1594 = arith.constant 0 : i32
      %dma_wait3A_1595 = tpu.memref_slice %arg6[%dma_wait3A_1590, %dma_wait3A_1592, %dma_wait3A_1593, %dma_wait3A_1594] : memref<2x8x128x32xf32, #tpu.memory_space<vmem>> -> memref<1x8x128x32xf32, #tpu.memory_space<vmem>>
      %dma_wait3A_1596 = tpu.memref_squeeze %dma_wait3A_1595 : memref<1x8x128x32xf32, #tpu.memory_space<vmem>> -> memref<8x128x32xf32, #tpu.memory_space<vmem>>
      %dma_wait3A_1597 = arith.constant 0 : i32
      %dma_wait3A_1598 = arith.constant 0 : i32
      %dma_wait3A_1599 = tpu.memref_slice %dma_wait3A_1596[%dma_wait3A_1591, %dma_wait3A_1597, %dma_wait3A_1598] : memref<8x128x32xf32, #tpu.memory_space<vmem>> -> memref<1x128x32xf32, #tpu.memory_space<vmem>>
      %dma_wait3A_1600 = tpu.memref_squeeze %dma_wait3A_1599 : memref<1x128x32xf32, #tpu.memory_space<vmem>> -> memref<128x32xf32, #tpu.memory_space<vmem>>
      %dma_wait3A_1601 = arith.constant 0 : i32
      %dma_wait3A_1602 = arith.constant 0 : i32
      %dma_wait3A_1603 = tpu.memref_slice %arg5[%dma_wait3A_1588, %dma_wait3A_1601, %dma_wait3A_1602] : memref<2x8x128xi32, #tpu.memory_space<vmem>> -> memref<1x8x128xi32, #tpu.memory_space<vmem>>
      %dma_wait3A_1604 = tpu.memref_squeeze %dma_wait3A_1603 : memref<1x8x128xi32, #tpu.memory_space<vmem>> -> memref<8x128xi32, #tpu.memory_space<vmem>>
      %dma_wait3A_1605 = arith.constant 0 : i32
      %dma_wait3A_1606 = tpu.memref_slice %dma_wait3A_1604[%dma_wait3A_1589, %dma_wait3A_1605] : memref<8x128xi32, #tpu.memory_space<vmem>> -> memref<1x128xi32, #tpu.memory_space<vmem>>
      %dma_wait3A_1607 = tpu.memref_squeeze %dma_wait3A_1606 : memref<1x128xi32, #tpu.memory_space<vmem>> -> memref<128xi32, #tpu.memory_space<vmem>>
      %dma_wait3A_1608 = arith.constant 0 : i32
      %dma_wait3A_1609 = arith.constant 0 : i32
      %dma_wait3A_1610 = tpu.memref_slice %arg3[%dma_wait3A_1608, %dma_wait3A_1609] : memref<1000000x32xf32, #tpu.memory_space<hbm>> -> memref<1000000x32xf32, #tpu.memory_space<hbm>>
      tpu.wait_indirect_dma semaphore(%arg8 : memref<!tpu.dma_semaphore, #tpu.memory_space<semaphore_mem>>) src(%dma_wait3A_1610 : memref<1000000x32xf32, #tpu.memory_space<hbm>>) dst(%dma_wait3A_1600 : memref<128x32xf32, #tpu.memory_space<vmem>>)
      %dma_wait3A_1611 = arith.constant 1 : i32
      %dma_wait3A_1612 = arith.constant 3 : i32
      %dma_wait3A_1613 = arith.constant 1 : i32
      %dma_wait3A_1614 = arith.constant 3 : i32
      %dma_wait3A_1615 = arith.constant 0 : i32
      %dma_wait3A_1616 = arith.constant 0 : i32
      %dma_wait3A_1617 = arith.constant 0 : i32
      %dma_wait3A_1618 = tpu.memref_slice %arg6[%dma_wait3A_1613, %dma_wait3A_1615, %dma_wait3A_1616, %dma_wait3A_1617] : memref<2x8x128x32xf32, #tpu.memory_space<vmem>> -> memref<1x8x128x32xf32, #tpu.memory_space<vmem>>
      %dma_wait3A_1619 = tpu.memref_squeeze %dma_wait3A_1618 : memref<1x8x128x32xf32, #tpu.memory_space<vmem>> -> memref<8x128x32xf32, #tpu.memory_space<vmem>>
      %dma_wait3A_1620 = arith.constant 0 : i32
      %dma_wait3A_1621 = arith.constant 0 : i32
      %dma_wait3A_1622 = tpu.memref_slice %dma_wait3A_1619[%dma_wait3A_1614, %dma_wait3A_1620, %dma_wait3A_1621] : memref<8x128x32xf32, #tpu.memory_space<vmem>> -> memref<1x128x32xf32, #tpu.memory_space<vmem>>
      %dma_wait3A_1623 = tpu.memref_squeeze %dma_wait3A_1622 : memref<1x128x32xf32, #tpu.memory_space<vmem>> -> memref<128x32xf32, #tpu.memory_space<vmem>>
      %dma_wait3A_1624 = arith.constant 0 : i32
      %dma_wait3A_1625 = arith.constant 0 : i32
      %dma_wait3A_1626 = tpu.memref_slice %arg5[%dma_wait3A_1611, %dma_wait3A_1624, %dma_wait3A_1625] : memref<2x8x128xi32, #tpu.memory_space<vmem>> -> memref<1x8x128xi32, #tpu.memory_space<vmem>>
      %dma_wait3A_1627 = tpu.memref_squeeze %dma_wait3A_1626 : memref<1x8x128xi32, #tpu.memory_space<vmem>> -> memref<8x128xi32, #tpu.memory_space<vmem>>
      %dma_wait3A_1628 = arith.constant 0 : i32
      %dma_wait3A_1629 = tpu.memref_slice %dma_wait3A_1627[%dma_wait3A_1612, %dma_wait3A_1628] : memref<8x128xi32, #tpu.memory_space<vmem>> -> memref<1x128xi32, #tpu.memory_space<vmem>>
      %dma_wait3A_1630 = tpu.memref_squeeze %dma_wait3A_1629 : memref<1x128xi32, #tpu.memory_space<vmem>> -> memref<128xi32, #tpu.memory_space<vmem>>
      %dma_wait3A_1631 = arith.constant 0 : i32
      %dma_wait3A_1632 = arith.constant 0 : i32
      %dma_wait3A_1633 = tpu.memref_slice %arg3[%dma_wait3A_1631, %dma_wait3A_1632] : memref<1000000x32xf32, #tpu.memory_space<hbm>> -> memref<1000000x32xf32, #tpu.memory_space<hbm>>
      tpu.wait_indirect_dma semaphore(%arg8 : memref<!tpu.dma_semaphore, #tpu.memory_space<semaphore_mem>>) src(%dma_wait3A_1633 : memref<1000000x32xf32, #tpu.memory_space<hbm>>) dst(%dma_wait3A_1623 : memref<128x32xf32, #tpu.memory_space<vmem>>)
      %dma_wait3A_1634 = arith.constant 1 : i32
      %dma_wait3A_1635 = arith.constant 4 : i32
      %dma_wait3A_1636 = arith.constant 1 : i32
      %dma_wait3A_1637 = arith.constant 4 : i32
      %dma_wait3A_1638 = arith.constant 0 : i32
      %dma_wait3A_1639 = arith.constant 0 : i32
      %dma_wait3A_1640 = arith.constant 0 : i32
      %dma_wait3A_1641 = tpu.memref_slice %arg6[%dma_wait3A_1636, %dma_wait3A_1638, %dma_wait3A_1639, %dma_wait3A_1640] : memref<2x8x128x32xf32, #tpu.memory_space<vmem>> -> memref<1x8x128x32xf32, #tpu.memory_space<vmem>>
      %dma_wait3A_1642 = tpu.memref_squeeze %dma_wait3A_1641 : memref<1x8x128x32xf32, #tpu.memory_space<vmem>> -> memref<8x128x32xf32, #tpu.memory_space<vmem>>
      %dma_wait3A_1643 = arith.constant 0 : i32
      %dma_wait3A_1644 = arith.constant 0 : i32
      %dma_wait3A_1645 = tpu.memref_slice %dma_wait3A_1642[%dma_wait3A_1637, %dma_wait3A_1643, %dma_wait3A_1644] : memref<8x128x32xf32, #tpu.memory_space<vmem>> -> memref<1x128x32xf32, #tpu.memory_space<vmem>>
      %dma_wait3A_1646 = tpu.memref_squeeze %dma_wait3A_1645 : memref<1x128x32xf32, #tpu.memory_space<vmem>> -> memref<128x32xf32, #tpu.memory_space<vmem>>
      %dma_wait3A_1647 = arith.constant 0 : i32
      %dma_wait3A_1648 = arith.constant 0 : i32
      %dma_wait3A_1649 = tpu.memref_slice %arg5[%dma_wait3A_1634, %dma_wait3A_1647, %dma_wait3A_1648] : memref<2x8x128xi32, #tpu.memory_space<vmem>> -> memref<1x8x128xi32, #tpu.memory_space<vmem>>
      %dma_wait3A_1650 = tpu.memref_squeeze %dma_wait3A_1649 : memref<1x8x128xi32, #tpu.memory_space<vmem>> -> memref<8x128xi32, #tpu.memory_space<vmem>>
      %dma_wait3A_1651 = arith.constant 0 : i32
      %dma_wait3A_1652 = tpu.memref_slice %dma_wait3A_1650[%dma_wait3A_1635, %dma_wait3A_1651] : memref<8x128xi32, #tpu.memory_space<vmem>> -> memref<1x128xi32, #tpu.memory_space<vmem>>
      %dma_wait3A_1653 = tpu.memref_squeeze %dma_wait3A_1652 : memref<1x128xi32, #tpu.memory_space<vmem>> -> memref<128xi32, #tpu.memory_space<vmem>>
      %dma_wait3A_1654 = arith.constant 0 : i32
      %dma_wait3A_1655 = arith.constant 0 : i32
      %dma_wait3A_1656 = tpu.memref_slice %arg3[%dma_wait3A_1654, %dma_wait3A_1655] : memref<1000000x32xf32, #tpu.memory_space<hbm>> -> memref<1000000x32xf32, #tpu.memory_space<hbm>>
      tpu.wait_indirect_dma semaphore(%arg8 : memref<!tpu.dma_semaphore, #tpu.memory_space<semaphore_mem>>) src(%dma_wait3A_1656 : memref<1000000x32xf32, #tpu.memory_space<hbm>>) dst(%dma_wait3A_1646 : memref<128x32xf32, #tpu.memory_space<vmem>>)
      %dma_wait3A_1657 = arith.constant 1 : i32
      %dma_wait3A_1658 = arith.constant 5 : i32
      %dma_wait3A_1659 = arith.constant 1 : i32
      %dma_wait3A_1660 = arith.constant 5 : i32
      %dma_wait3A_1661 = arith.constant 0 : i32
      %dma_wait3A_1662 = arith.constant 0 : i32
      %dma_wait3A_1663 = arith.constant 0 : i32
      %dma_wait3A_1664 = tpu.memref_slice %arg6[%dma_wait3A_1659, %dma_wait3A_1661, %dma_wait3A_1662, %dma_wait3A_1663] : memref<2x8x128x32xf32, #tpu.memory_space<vmem>> -> memref<1x8x128x32xf32, #tpu.memory_space<vmem>>
      %dma_wait3A_1665 = tpu.memref_squeeze %dma_wait3A_1664 : memref<1x8x128x32xf32, #tpu.memory_space<vmem>> -> memref<8x128x32xf32, #tpu.memory_space<vmem>>
      %dma_wait3A_1666 = arith.constant 0 : i32
      %dma_wait3A_1667 = arith.constant 0 : i32
      %dma_wait3A_1668 = tpu.memref_slice %dma_wait3A_1665[%dma_wait3A_1660, %dma_wait3A_1666, %dma_wait3A_1667] : memref<8x128x32xf32, #tpu.memory_space<vmem>> -> memref<1x128x32xf32, #tpu.memory_space<vmem>>
      %dma_wait3A_1669 = tpu.memref_squeeze %dma_wait3A_1668 : memref<1x128x32xf32, #tpu.memory_space<vmem>> -> memref<128x32xf32, #tpu.memory_space<vmem>>
      %dma_wait3A_1670 = arith.constant 0 : i32
      %dma_wait3A_1671 = arith.constant 0 : i32
      %dma_wait3A_1672 = tpu.memref_slice %arg5[%dma_wait3A_1657, %dma_wait3A_1670, %dma_wait3A_1671] : memref<2x8x128xi32, #tpu.memory_space<vmem>> -> memref<1x8x128xi32, #tpu.memory_space<vmem>>
      %dma_wait3A_1673 = tpu.memref_squeeze %dma_wait3A_1672 : memref<1x8x128xi32, #tpu.memory_space<vmem>> -> memref<8x128xi32, #tpu.memory_space<vmem>>
      %dma_wait3A_1674 = arith.constant 0 : i32
      %dma_wait3A_1675 = tpu.memref_slice %dma_wait3A_1673[%dma_wait3A_1658, %dma_wait3A_1674] : memref<8x128xi32, #tpu.memory_space<vmem>> -> memref<1x128xi32, #tpu.memory_space<vmem>>
      %dma_wait3A_1676 = tpu.memref_squeeze %dma_wait3A_1675 : memref<1x128xi32, #tpu.memory_space<vmem>> -> memref<128xi32, #tpu.memory_space<vmem>>
      %dma_wait3A_1677 = arith.constant 0 : i32
      %dma_wait3A_1678 = arith.constant 0 : i32
      %dma_wait3A_1679 = tpu.memref_slice %arg3[%dma_wait3A_1677, %dma_wait3A_1678] : memref<1000000x32xf32, #tpu.memory_space<hbm>> -> memref<1000000x32xf32, #tpu.memory_space<hbm>>
      tpu.wait_indirect_dma semaphore(%arg8 : memref<!tpu.dma_semaphore, #tpu.memory_space<semaphore_mem>>) src(%dma_wait3A_1679 : memref<1000000x32xf32, #tpu.memory_space<hbm>>) dst(%dma_wait3A_1669 : memref<128x32xf32, #tpu.memory_space<vmem>>)
      %dma_wait3A_1680 = arith.constant 1 : i32
      %dma_wait3A_1681 = arith.constant 6 : i32
      %dma_wait3A_1682 = arith.constant 1 : i32
      %dma_wait3A_1683 = arith.constant 6 : i32
      %dma_wait3A_1684 = arith.constant 0 : i32
      %dma_wait3A_1685 = arith.constant 0 : i32
      %dma_wait3A_1686 = arith.constant 0 : i32
      %dma_wait3A_1687 = tpu.memref_slice %arg6[%dma_wait3A_1682, %dma_wait3A_1684, %dma_wait3A_1685, %dma_wait3A_1686] : memref<2x8x128x32xf32, #tpu.memory_space<vmem>> -> memref<1x8x128x32xf32, #tpu.memory_space<vmem>>
      %dma_wait3A_1688 = tpu.memref_squeeze %dma_wait3A_1687 : memref<1x8x128x32xf32, #tpu.memory_space<vmem>> -> memref<8x128x32xf32, #tpu.memory_space<vmem>>
      %dma_wait3A_1689 = arith.constant 0 : i32
      %dma_wait3A_1690 = arith.constant 0 : i32
      %dma_wait3A_1691 = tpu.memref_slice %dma_wait3A_1688[%dma_wait3A_1683, %dma_wait3A_1689, %dma_wait3A_1690] : memref<8x128x32xf32, #tpu.memory_space<vmem>> -> memref<1x128x32xf32, #tpu.memory_space<vmem>>
      %dma_wait3A_1692 = tpu.memref_squeeze %dma_wait3A_1691 : memref<1x128x32xf32, #tpu.memory_space<vmem>> -> memref<128x32xf32, #tpu.memory_space<vmem>>
      %dma_wait3A_1693 = arith.constant 0 : i32
      %dma_wait3A_1694 = arith.constant 0 : i32
      %dma_wait3A_1695 = tpu.memref_slice %arg5[%dma_wait3A_1680, %dma_wait3A_1693, %dma_wait3A_1694] : memref<2x8x128xi32, #tpu.memory_space<vmem>> -> memref<1x8x128xi32, #tpu.memory_space<vmem>>
      %dma_wait3A_1696 = tpu.memref_squeeze %dma_wait3A_1695 : memref<1x8x128xi32, #tpu.memory_space<vmem>> -> memref<8x128xi32, #tpu.memory_space<vmem>>
      %dma_wait3A_1697 = arith.constant 0 : i32
      %dma_wait3A_1698 = tpu.memref_slice %dma_wait3A_1696[%dma_wait3A_1681, %dma_wait3A_1697] : memref<8x128xi32, #tpu.memory_space<vmem>> -> memref<1x128xi32, #tpu.memory_space<vmem>>
      %dma_wait3A_1699 = tpu.memref_squeeze %dma_wait3A_1698 : memref<1x128xi32, #tpu.memory_space<vmem>> -> memref<128xi32, #tpu.memory_space<vmem>>
      %dma_wait3A_1700 = arith.constant 0 : i32
      %dma_wait3A_1701 = arith.constant 0 : i32
      %dma_wait3A_1702 = tpu.memref_slice %arg3[%dma_wait3A_1700, %dma_wait3A_1701] : memref<1000000x32xf32, #tpu.memory_space<hbm>> -> memref<1000000x32xf32, #tpu.memory_space<hbm>>
      tpu.wait_indirect_dma semaphore(%arg8 : memref<!tpu.dma_semaphore, #tpu.memory_space<semaphore_mem>>) src(%dma_wait3A_1702 : memref<1000000x32xf32, #tpu.memory_space<hbm>>) dst(%dma_wait3A_1692 : memref<128x32xf32, #tpu.memory_space<vmem>>)
      %dma_wait3A_1703 = arith.constant 1 : i32
      %dma_wait3A_1704 = arith.constant 7 : i32
      %dma_wait3A_1705 = arith.constant 1 : i32
      %dma_wait3A_1706 = arith.constant 7 : i32
      %dma_wait3A_1707 = arith.constant 0 : i32
      %dma_wait3A_1708 = arith.constant 0 : i32
      %dma_wait3A_1709 = arith.constant 0 : i32
      %dma_wait3A_1710 = tpu.memref_slice %arg6[%dma_wait3A_1705, %dma_wait3A_1707, %dma_wait3A_1708, %dma_wait3A_1709] : memref<2x8x128x32xf32, #tpu.memory_space<vmem>> -> memref<1x8x128x32xf32, #tpu.memory_space<vmem>>
      %dma_wait3A_1711 = tpu.memref_squeeze %dma_wait3A_1710 : memref<1x8x128x32xf32, #tpu.memory_space<vmem>> -> memref<8x128x32xf32, #tpu.memory_space<vmem>>
      %dma_wait3A_1712 = arith.constant 0 : i32
      %dma_wait3A_1713 = arith.constant 0 : i32
      %dma_wait3A_1714 = tpu.memref_slice %dma_wait3A_1711[%dma_wait3A_1706, %dma_wait3A_1712, %dma_wait3A_1713] : memref<8x128x32xf32, #tpu.memory_space<vmem>> -> memref<1x128x32xf32, #tpu.memory_space<vmem>>
      %dma_wait3A_1715 = tpu.memref_squeeze %dma_wait3A_1714 : memref<1x128x32xf32, #tpu.memory_space<vmem>> -> memref<128x32xf32, #tpu.memory_space<vmem>>
      %dma_wait3A_1716 = arith.constant 0 : i32
      %dma_wait3A_1717 = arith.constant 0 : i32
      %dma_wait3A_1718 = tpu.memref_slice %arg5[%dma_wait3A_1703, %dma_wait3A_1716, %dma_wait3A_1717] : memref<2x8x128xi32, #tpu.memory_space<vmem>> -> memref<1x8x128xi32, #tpu.memory_space<vmem>>
      %dma_wait3A_1719 = tpu.memref_squeeze %dma_wait3A_1718 : memref<1x8x128xi32, #tpu.memory_space<vmem>> -> memref<8x128xi32, #tpu.memory_space<vmem>>
      %dma_wait3A_1720 = arith.constant 0 : i32
      %dma_wait3A_1721 = tpu.memref_slice %dma_wait3A_1719[%dma_wait3A_1704, %dma_wait3A_1720] : memref<8x128xi32, #tpu.memory_space<vmem>> -> memref<1x128xi32, #tpu.memory_space<vmem>>
      %dma_wait3A_1722 = tpu.memref_squeeze %dma_wait3A_1721 : memref<1x128xi32, #tpu.memory_space<vmem>> -> memref<128xi32, #tpu.memory_space<vmem>>
      %dma_wait3A_1723 = arith.constant 0 : i32
      %dma_wait3A_1724 = arith.constant 0 : i32
      %dma_wait3A_1725 = tpu.memref_slice %arg3[%dma_wait3A_1723, %dma_wait3A_1724] : memref<1000000x32xf32, #tpu.memory_space<hbm>> -> memref<1000000x32xf32, #tpu.memory_space<hbm>>
      tpu.wait_indirect_dma semaphore(%arg8 : memref<!tpu.dma_semaphore, #tpu.memory_space<semaphore_mem>>) src(%dma_wait3A_1725 : memref<1000000x32xf32, #tpu.memory_space<hbm>>) dst(%dma_wait3A_1715 : memref<128x32xf32, #tpu.memory_space<vmem>>)
      %add3A_1726 = arith.constant 1 : i32
      %add3A_1727 = arith.addi %mul3A_872, %add3A_1726 : i32
      %mul3A_1728 = arith.constant 8 : i32
      %mul3A_1729 = arith.muli %add3A_1727, %mul3A_1728 : i32
      %add3A_1730 = arith.addi %mul3A_2, %mul3A_1729 : i32
      %dma_start3A_1731 = arith.constant 1 : i32
      %dma_start3A_1732 = arith.constant 0 : i32
      %dma_start3A_1733 = arith.constant 0 : i32
      %dma_start3A_1734 = arith.constant 0 : i32
      %dma_start3A_1735 = tpu.memref_slice %arg6[%dma_start3A_1731, %dma_start3A_1732, %dma_start3A_1733, %dma_start3A_1734] : memref<2x8x128x32xf32, #tpu.memory_space<vmem>> -> memref<1x8x128x32xf32, #tpu.memory_space<vmem>>
      %dma_start3A_1736 = tpu.memref_squeeze %dma_start3A_1735 : memref<1x8x128x32xf32, #tpu.memory_space<vmem>> -> memref<8x128x32xf32, #tpu.memory_space<vmem>>
      %dma_start3A_1737 = arith.constant 0 : i32
      %dma_start3A_1738 = arith.constant 0 : i32
      %dma_start3A_1739 = tpu.memref_slice %arg4[%add3A_1730, %dma_start3A_1737, %dma_start3A_1738] : memref<12800x128x32xf32, #tpu.memory_space<hbm>> -> memref<8x128x32xf32, #tpu.memory_space<hbm>>
      %dma_start3A_1740 = arith.constant 0 : i32
      %dma_start3A_1741 = arith.constant 0 : i32
      %dma_start3A_1742 = tpu.memref_slice %arg4[%add3A_1730, %dma_start3A_1740, %dma_start3A_1741] : memref<12800x128x32xf32, #tpu.memory_space<hbm>> -> memref<8x128x32xf32, #tpu.memory_space<hbm>>
      %dma_start3A_1743 = arith.constant 0 : i32
      %dma_start3A_1744 = arith.constant 0 : i32
      %dma_start3A_1745 = arith.constant 0 : i32
      %dma_start3A_1746 = tpu.memref_slice %arg6[%dma_start3A_1731, %dma_start3A_1743, %dma_start3A_1744, %dma_start3A_1745] : memref<2x8x128x32xf32, #tpu.memory_space<vmem>> -> memref<1x8x128x32xf32, #tpu.memory_space<vmem>>
      %dma_start3A_1747 = tpu.memref_squeeze %dma_start3A_1746 : memref<1x8x128x32xf32, #tpu.memory_space<vmem>> -> memref<8x128x32xf32, #tpu.memory_space<vmem>>
      tpu.enqueue_dma source(%dma_start3A_1747 : memref<8x128x32xf32, #tpu.memory_space<vmem>>) target(%dma_start3A_1742 : memref<8x128x32xf32, #tpu.memory_space<hbm>>) target_semaphore(%arg10 : memref<!tpu.dma_semaphore, #tpu.memory_space<semaphore_mem>>)
    }
    %scan3A_822 = arith.constant 24 : i32
    %dma_wait3A_823 = arith.constant 0 : i32
    %dma_wait3A_824 = arith.constant 0 : i32
    %dma_wait3A_825 = arith.constant 0 : i32
    %dma_wait3A_826 = tpu.memref_slice %arg5[%dma_wait3A_823, %dma_wait3A_824, %dma_wait3A_825] : memref<2x8x128xi32, #tpu.memory_space<vmem>> -> memref<1x8x128xi32, #tpu.memory_space<vmem>>
    %dma_wait3A_827 = tpu.memref_squeeze %dma_wait3A_826 : memref<1x8x128xi32, #tpu.memory_space<vmem>> -> memref<8x128xi32, #tpu.memory_space<vmem>>
    %dma_wait3A_828 = arith.constant 0 : i32
    %dma_wait3A_829 = tpu.memref_slice %arg2[%mul3A_2, %dma_wait3A_828] : memref<12800x128xi32, #tpu.memory_space<hbm>> -> memref<8x128xi32, #tpu.memory_space<hbm>>
    %dma_wait3A_830 = arith.constant 0 : i32
    %dma_wait3A_831 = arith.constant 0 : i32
    %dma_wait3A_832 = tpu.memref_slice %arg5[%dma_wait3A_823, %dma_wait3A_830, %dma_wait3A_831] : memref<2x8x128xi32, #tpu.memory_space<vmem>> -> memref<1x8x128xi32, #tpu.memory_space<vmem>>
    %dma_wait3A_833 = tpu.memref_squeeze %dma_wait3A_832 : memref<1x8x128xi32, #tpu.memory_space<vmem>> -> memref<8x128xi32, #tpu.memory_space<vmem>>
    %dma_wait3A_834 = arith.constant 0 : i32
    %dma_wait3A_835 = tpu.memref_slice %arg2[%mul3A_2, %dma_wait3A_834] : memref<12800x128xi32, #tpu.memory_space<hbm>> -> memref<8x128xi32, #tpu.memory_space<hbm>>
    tpu.wait_dma2 semaphore(%arg7 : memref<!tpu.dma_semaphore, #tpu.memory_space<semaphore_mem>>) src(%dma_wait3A_835 : memref<8x128xi32, #tpu.memory_space<hbm>>) dst(%dma_wait3A_833 : memref<8x128xi32, #tpu.memory_space<vmem>>)
    %dma_wait3A_836 = arith.constant 0 : i32
    %dma_wait3A_837 = arith.constant 0 : i32
    %dma_wait3A_838 = arith.constant 0 : i32
    %dma_wait3A_839 = arith.constant 0 : i32
    %dma_wait3A_840 = tpu.memref_slice %arg6[%dma_wait3A_836, %dma_wait3A_837, %dma_wait3A_838, %dma_wait3A_839] : memref<2x8x128x32xf32, #tpu.memory_space<vmem>> -> memref<1x8x128x32xf32, #tpu.memory_space<vmem>>
    %dma_wait3A_841 = tpu.memref_squeeze %dma_wait3A_840 : memref<1x8x128x32xf32, #tpu.memory_space<vmem>> -> memref<8x128x32xf32, #tpu.memory_space<vmem>>
    %dma_wait3A_842 = arith.constant 0 : i32
    %dma_wait3A_843 = arith.constant 0 : i32
    %dma_wait3A_844 = tpu.memref_slice %arg4[%mul3A_2, %dma_wait3A_842, %dma_wait3A_843] : memref<12800x128x32xf32, #tpu.memory_space<hbm>> -> memref<8x128x32xf32, #tpu.memory_space<hbm>>
    %dma_wait3A_845 = arith.constant 0 : i32
    %dma_wait3A_846 = arith.constant 0 : i32
    %dma_wait3A_847 = tpu.memref_slice %arg4[%mul3A_2, %dma_wait3A_845, %dma_wait3A_846] : memref<12800x128x32xf32, #tpu.memory_space<hbm>> -> memref<8x128x32xf32, #tpu.memory_space<hbm>>
    %dma_wait3A_848 = arith.constant 0 : i32
    %dma_wait3A_849 = arith.constant 0 : i32
    %dma_wait3A_850 = arith.constant 0 : i32
    %dma_wait3A_851 = tpu.memref_slice %arg6[%dma_wait3A_836, %dma_wait3A_848, %dma_wait3A_849, %dma_wait3A_850] : memref<2x8x128x32xf32, #tpu.memory_space<vmem>> -> memref<1x8x128x32xf32, #tpu.memory_space<vmem>>
    %dma_wait3A_852 = tpu.memref_squeeze %dma_wait3A_851 : memref<1x8x128x32xf32, #tpu.memory_space<vmem>> -> memref<8x128x32xf32, #tpu.memory_space<vmem>>
    tpu.wait_dma2 semaphore(%arg9 : memref<!tpu.dma_semaphore, #tpu.memory_space<semaphore_mem>>) src(%dma_wait3A_852 : memref<8x128x32xf32, #tpu.memory_space<vmem>>) dst(%dma_wait3A_847 : memref<8x128x32xf32, #tpu.memory_space<hbm>>)
    %dma_wait3A_853 = arith.constant 1 : i32
    %dma_wait3A_854 = arith.constant 0 : i32
    %dma_wait3A_855 = arith.constant 0 : i32
    %dma_wait3A_856 = arith.constant 0 : i32
    %dma_wait3A_857 = tpu.memref_slice %arg6[%dma_wait3A_853, %dma_wait3A_854, %dma_wait3A_855, %dma_wait3A_856] : memref<2x8x128x32xf32, #tpu.memory_space<vmem>> -> memref<1x8x128x32xf32, #tpu.memory_space<vmem>>
    %dma_wait3A_858 = tpu.memref_squeeze %dma_wait3A_857 : memref<1x8x128x32xf32, #tpu.memory_space<vmem>> -> memref<8x128x32xf32, #tpu.memory_space<vmem>>
    %dma_wait3A_859 = arith.constant 0 : i32
    %dma_wait3A_860 = arith.constant 0 : i32
    %dma_wait3A_861 = tpu.memref_slice %arg4[%mul3A_2, %dma_wait3A_859, %dma_wait3A_860] : memref<12800x128x32xf32, #tpu.memory_space<hbm>> -> memref<8x128x32xf32, #tpu.memory_space<hbm>>
    %dma_wait3A_862 = arith.constant 0 : i32
    %dma_wait3A_863 = arith.constant 0 : i32
    %dma_wait3A_864 = tpu.memref_slice %arg4[%mul3A_2, %dma_wait3A_862, %dma_wait3A_863] : memref<12800x128x32xf32, #tpu.memory_space<hbm>> -> memref<8x128x32xf32, #tpu.memory_space<hbm>>
    %dma_wait3A_865 = arith.constant 0 : i32
    %dma_wait3A_866 = arith.constant 0 : i32
    %dma_wait3A_867 = arith.constant 0 : i32
    %dma_wait3A_868 = tpu.memref_slice %arg6[%dma_wait3A_853, %dma_wait3A_865, %dma_wait3A_866, %dma_wait3A_867] : memref<2x8x128x32xf32, #tpu.memory_space<vmem>> -> memref<1x8x128x32xf32, #tpu.memory_space<vmem>>
    %dma_wait3A_869 = tpu.memref_squeeze %dma_wait3A_868 : memref<1x8x128x32xf32, #tpu.memory_space<vmem>> -> memref<8x128x32xf32, #tpu.memory_space<vmem>>
    tpu.wait_dma2 semaphore(%arg10 : memref<!tpu.dma_semaphore, #tpu.memory_space<semaphore_mem>>) src(%dma_wait3A_869 : memref<8x128x32xf32, #tpu.memory_space<vmem>>) dst(%dma_wait3A_864 : memref<8x128x32xf32, #tpu.memory_space<hbm>>)
    return
  }
}

</mosaic_0001>

<sc_bundles>
// kernel: _emb_gather.3.cloned.1.call-start
scs
__scs_entry_jumppad:
0x0: {  	(pc) =	sbr.rel $0x88, $3  }
0x1: {  	(tag) =	ssettag $0x0;
	lr =	simm.s32 $0x1  }
0x2: {  	[smem:$0x3F9F] =	sst lr;
	_ =	strace $0xD0000000  }
0x3: {  	_ = 	snop  }
0x4: {  	_ = 	snop  }
0x5: {  	_ = 	snop  }
0x6: {  	_ = 	snop  }
0x7: {  	_ = 	snop  }
__scs_overlays_trampoline_lowered:
0x8: {  	[smem:$0x3FAE] =	sst s0  }
0x9: {  	[smem:$0x3FAF] =	sst s1  }
0xa: {  	[smem:$0x3FB0] =	sst s2  }
0xb: {  	[smem:$0x3FB1] =	sst s3  }
0xc: {  	[smem:$0x3FB2] =	sst s4  }
0xd: {  	[smem:$0x3FB3] =	sst s5  }
0xe: {  	[smem:$0x3FB4] =	sst s6  }
0xf: {  	[smem:$0x3FB5] =	sst s7  }
0x10: {  	[smem:$0x3FB6] =	sst s8  }
0x11: {  	[smem:$0x3FB7] =	sst s9;
	s0 =	simm.s32 @!p0 $0x0  }
0x12: {  	s1 =	sld [smem:$0x3F9D];
	s0 =	simm.s32 @p0 $0x1  }
0x13: {  	[smem:$0x3FB8] =	sst s0;
	s0 =	simm.s32 @!p1 $0x0  }
0x14: {  	s2 =	sld [smem:$0x3F9C];
	s0 =	simm.s32 @p1 $0x1  }
0x15: {  	[smem:$0x3FB9] =	sst s0;
	s0 =	simm.s32 @!p2 $0x0  }
0x16: {  	s3 =	sld [smem:$0x3FDB];
	s0 =	simm.s32 @p2 $0x1  }
0x17: {  	s4 =	simm.s32 $0x1BF5;
	[smem:$0x3FBB] =	sst s0  }
0x18: {  	s0 =	sld [smem:$0x3F9E];
	_ =	swait.ge [sflag:s4], $0x0  }
0x19: {  	s7 =	sld [smem:$0x3F9F]  }
0x1a: {  	s8 =	sadd.s32 $0xFFFFE003, lr  }
0x1b: {  	s9 =	sadd.s32 $0xFFFFFEF7, lr;
	s5 =	simm.s32 $0xFFFFFFFF;
	p2 =	slt.u32 s8, $0xFFFFF086  }
0x1c: {  	p1 =	slt.u32 s9, $0xF7A;
	s5 =	simm.s32 @!p2 $0x0  }
0x1d: {  	s5 =	simm.s32 @p1 $0x1;
	p0 =	seq.s32 s7, s2  }
0x1e: {  	s7 =	smul.u32 @!p0 $0xF7A, s2;
	p2 =	seq.s32 @!p0 s5, $0x0  }
0x1f: {  	s9 =	smul.u32 $0xF7A, s1;
	s8 =	simm.s32 @!p0 $0x1BF5;
	p2 =	por !p2, p0  }
0x20: {  	[sflag:s8] =	ssyncset.s32 @!p0 $0xFFFFF086;
	s6 =	sadd.s32 @!p0 s3, s7;
	s7 =	simm.s32 @!p0 $0x108  }
0x21: {  	s3 =	sadd.s32 s3, s9;
	s6 =	sadd.s32 @!p0 $0x88, s6;
	s7 =	simm.s32 @p2 $0x1082  }
0x22: {  	[simem:s7], [sflag:s8] =	dma.local @!p0 [hbm:s6], $0xF7A  }
0x23: {  	s9 =	sor.u32 $0xD0000000, s2;
	s6 =	simm.s32 $0x108;
	_ =	swait.ge @!p0 [sflag:s8], $0x0  }
0x24: {  	s3 =	sadd.s32 $0x88, s3;
	s6 =	simm.s32 @!p1 $0x1082;
	[sflag:s4] =	ssyncset.s32 $0xFFFFF086  }
0x25: {  	[simem:s6], [sflag:s4] =	dma.local [hbm:s3], $0xF7A  }
0x26: {  	[smem:$0x3F9F] =	sst s1;
	(tag) =	ssettag s2;
	_ =	strace s9  }
0x27: {  	s1 =	sld [smem:$0x3FAF]  }
0x28: {  	s2 =	sld [smem:$0x3FB0]  }
0x29: {  	s4 =	sld [smem:$0x3FB2]  }
0x2a: {  	p0 =	seq.s32 s5, $0x0;
	s5 =	sld [smem:$0x3FB3]  }
0x2b: {  	s6 =	sld [smem:$0x3FB4]  }
0x2c: {  	s7 =	sld [smem:$0x3FB5]  }
0x2d: {  	s3 =	simm.s32 $0x108;
	s8 =	sld [smem:$0x3FB6]  }
0x2e: {  	s3 =	simm.s32 @!p0 $0x1082;
	s9 =	sld [smem:$0x3FB7]  }
0x2f: {  	lr =	sadd.s32 s0, s3;
	s0 =	sld [smem:$0x3FAE]  }
0x30: {  	s3 =	sld [smem:$0x3FB1]  }
0x31: {  	[smem:$0x3FBA] =	sst s10  }
0x32: {  	s10 =	sld [smem:$0x3FB8];
	_ =	sdelay $0x3  }
0x33: {  	p0 =	seq.s32 s10, $0x1;
	s10 =	sld [smem:$0x3FBA];
	_ =	sdelay $0x3  }
0x34: {  	[smem:$0x3FBA] =	sst s10  }
0x35: {  	s10 =	sld [smem:$0x3FB9];
	_ =	sdelay $0x3  }
0x36: {  	p1 =	seq.s32 s10, $0x1;
	s10 =	sld [smem:$0x3FBA];
	_ =	sdelay $0x3  }
0x37: {  	[smem:$0x3FBA] =	sst s10  }
0x38: {  	s10 =	sld [smem:$0x3FBB]  }
0x39: {  	_ = 	snop;
	(pc) =	sbr.ind lr, $3  }
0x3a: {  	_ = 	snop  }
0x3b: {  	_ = 	snop  }
0x3c: {  	p2 =	seq.s32 s10, $0x1;
	s10 =	sld [smem:$0x3FBA]  }
0x3d: {  	_ =	shalt  }
0x3e: {  	_ =	shalt  }
0x3f: {  	_ =	shalt  }
0x40: {  	_ =	shalt  }
0x41: {  	_ =	shalt  }
0x42: {  	_ =	shalt  }
0x43: {  	_ =	shalt  }
0x44: {  	_ =	shalt  }
0x45: {  	_ =	shalt  }
0x46: {  	_ =	shalt  }
0x47: {  	_ =	shalt  }
0x48: {  	_ =	shalt  }
0x49: {  	_ =	shalt  }
0x4a: {  	_ =	shalt  }
0x4b: {  	_ =	shalt  }
0x4c: {  	_ =	shalt  }
0x4d: {  	_ =	shalt  }
0x4e: {  	_ =	shalt  }
0x4f: {  	_ =	shalt  }
0x50: {  	_ =	shalt  }
0x51: {  	_ =	shalt  }
0x52: {  	_ =	shalt  }
0x53: {  	_ =	shalt  }
0x54: {  	_ =	shalt  }
0x55: {  	_ =	shalt  }
0x56: {  	_ =	shalt  }
0x57: {  	_ =	shalt  }
0x58: {  	_ =	shalt  }
0x59: {  	_ =	shalt  }
0x5a: {  	_ =	shalt  }
0x5b: {  	_ =	shalt  }
0x5c: {  	_ =	shalt  }
0x5d: {  	_ =	shalt  }
0x5e: {  	_ =	shalt  }
0x5f: {  	_ =	shalt  }
0x60: {  	_ =	shalt  }
0x61: {  	_ =	shalt  }
0x62: {  	_ =	shalt  }
0x63: {  	_ =	shalt  }
0x64: {  	_ =	shalt  }
0x65: {  	_ =	shalt  }
0x66: {  	_ =	shalt  }
0x67: {  	_ =	shalt  }
0x68: {  	_ =	shalt  }
0x69: {  	_ =	shalt  }
0x6a: {  	_ =	shalt  }
0x6b: {  	_ =	shalt  }
0x6c: {  	_ =	shalt  }
0x6d: {  	_ =	shalt  }
0x6e: {  	_ =	shalt  }
0x6f: {  	_ =	shalt  }
0x70: {  	_ =	shalt  }
0x71: {  	_ =	shalt  }
0x72: {  	_ =	shalt  }
0x73: {  	_ =	shalt  }
0x74: {  	_ =	shalt  }
0x75: {  	_ =	shalt  }
0x76: {  	_ =	shalt  }
0x77: {  	_ =	shalt  }
0x78: {  	_ =	shalt  }
0x79: {  	_ =	shalt  }
0x7a: {  	_ =	shalt  }
0x7b: {  	_ =	shalt  }
0x7c: {  	_ =	shalt  }
0x7d: {  	_ =	shalt  }
0x7e: {  	_ =	shalt  }
0x7f: {  	_ =	shalt  }
0x80: {  	_ =	shalt  }
0x81: {  	_ =	shalt  }
0x82: {  	_ =	shalt  }
0x83: {  	_ =	shalt  }
0x84: {  	_ =	shalt  }
0x85: {  	_ =	shalt  }
0x86: {  	_ =	shalt  }
0x87: {  	_ =	shalt  }
.Lfunc_end0:
.L_simem_size_0:
called_computation.1_lowered:
.L_overlay_start_0:
0x88: {  	s2 =	sld [smem:$0x3FD9]  }
0x89: {  	s3 =	sld [smem:$0x3FFE];
	_ =	sdelay $0x1  }
0x8a: {  	s1 =	srdreg.scid  }
0x8b: {  	s0 =	sand.u32 $0x1, s1  }
0x8c: {  	s17 =	sshll.u32 s0, $0xA;
	s2 =	sadd.s32 s3, s2  }
0x8d: {  	s2 =	sadd.s32 s2, s17  }
0x8e: {  	[smem:$0x3FC6] =	sst s2  }
0x8f: {  	_ = 	snop  }
0x90: {  	s2 =	sld [smem:$0x3FC9]  }
0x91: {  	s18 =	sld [smem:$0x3FD0];
	(tm) =	ssettm $0x1  }
0x92: {  	s4 =	sld [smem:$0x3FFB];
	_ =	sdelay $0x3  }
0x93: {  	_ =	strace s4  }
0x94: {  	s4 =	sld [smem:$0x3FFC];
	_ =	sdelay $0x3  }
0x95: {  	_ =	strace s4  }
0x96: {  	s4 =	sld [smem:$0x3FFD];
	_ =	sdelay $0x3  }
0x97: {  	_ =	strace s4  }
0x98: {  	_ =	strace $0x8FFFFFFF  }
0x99: {  	s19 =	sld [smem:$0x3FDB];
	_ =	sdelay $0x1  }
0x9a: {  	s5 =	simm.s32 $_scs_section_size  }
0x9b: {  	s6 =	simm.s32 $_size__tile_overlayer_lowered;
	s7 =	simm.s32 $_tile_overlayer_lowered  }
0x9c: {  	s22 =	simm.s32 $0x1BFF;
	s21 =	sshll.u32 s7, $0x1;
	s4 =	sadd.s32 s5, s19  }
0x9d: {  	s8 =	simm.s32 $0x0;
	s20 =	sshll.u32 s6, $0x1;
	s6 =	sadd.s32 s21, s4  }
0x9e: {  	[timem:s8], [sflag:s22] =	dma.local [hbm:s6], s20  }
0x9f: {  	_ =	swait.ge [sflag:s22], s20  }
0xa0: {  	s5 =	ssub.s32 $0x0, s20;
	[sflag:s22] =	ssyncset.done $0x0  }
0xa1: {  	[sflag:s22] =	ssyncadd.s32 s5;
	_ =	sdelay $0x1  }
0xa2: {  	s23 =	simm.s32 $0x1B8B  }
0xa3: {  	_ =	swait.ge [sflag:s23], $0x1  }
0xa4: {  	[sflag:s23] =	ssyncset.done $0x0  }
0xa5: {  	s25 =	simm.s32 $0x1B8E;
	s24 =	sld [smem:$0x3FFE];
	[sflag:s23] =	ssyncadd.s32 $0xFFFFFFFF  }
0xa6: {  	s26 =	simm.s32 $execute0_lowered;
	[smem:$0x3FD2] =	sst s25  }
0xa7: {  	s6 =	sshll.u32 s26, $0x1;
	_ =	strace $0x80000046;
	[dreg:$0x1] =	wrdreg $0xFFFFFFFF  }
0xa8: {  	s28 =	simm.s32 $_size_execute0_lowered;
	s4 =	sadd.s32 s4, s6;
	[dreg:$0x0] =	wrdreg $0x0  }
0xa9: {  	s6 =	sshll.u32 s28, $0x1;
	[dreg:$0x2] =	wrdreg s4  }
0xaa: {  	[dreg:$0x3] =	wrdreg s6  }
0xab: {  	[dreg:$0x4] =	wrdreg $0xC0  }
0xac: {  	_ =	task [dreg:s8], $0x5FFFF  }
0xad: {  	[dreg:$0x1] =	wrdreg $0xFFFFFFFF  }
0xae: {  	[dreg:$0x0] =	wrdreg $0x60  }
0xaf: {  	[dreg:$0x2] =	wrdreg s2  }
0xb0: {  	[dreg:$0x3] =	wrdreg s24  }
0xb1: {  	[dreg:$0x4] =	wrdreg s18  }
0xb2: {  	[dreg:$0x5] =	wrdreg $0x9  }
0xb3: {  	_ =	task.clear_ibuf [dreg:s8], $0x6FFFF;
	_ =	strace $0x90000046  }
0xb4: {  	s29 =	simm.s32 $0x9;
	_ =	strace $0x80000048  }
0xb5: {  	_ =	swait.ge [sflag:s29], $0x1  }
0xb6: {  	[sflag:s29] =	ssyncadd.s32 $0xFFFFFFFF  }
0xb7: {  	_ =	strace $0x90000048  }
0xb8: {  	_ =	sfence  }
0xb9: {  	s30 =	sld [smem:$0x0];
	_ =	sdelay $0x2  }
0xba: {  	s31 =	sshll.u32 s1, $0xD;
	s1 =	sshrl.u32 s1, $0x2  }
0xbb: {  	s3 =	sand.u32 $0x4000, s31;
	s1 =	sadd.s32 s1, s30  }
0xbc: {  	s0 =	sor.u32 s3, s0;
	s1 =	sshll.u32 s1, $0x11  }
0xbd: {  	s0 =	sor.u32 s1, s0  }
0xbe: {  	s0 =	sadd.s32 $0x8F2B, s0  }
0xbf: {  	[sflag:s0] =	ssyncadd.remote.s32 $0x1  }
0xc0: {  	_ =	sfence.sel $0xFFFF  }
0xc1: {  	[dreg:$0x0] =	wrdreg $0xFFFFFFFF;
	(pc) =	sbr.abs _section_cstart, $3  }
0xc2: {  	[dreg:$0x1] =	wrdreg $0xFFFFFFFF  }
0xc3: {  	_ =	task.clear_ibuf [dreg:s8], $0x2FFFF;
	_ =	strace $0x9FFFFFFF  }
0xc4: {  	(tm) =	ssettm $0x7FFFFFFF  }
0xc5: {  	_ =	shalt  }
tec
execute0_lowered:
.L_overlay_start_1:
0x0: {  	(tag) =	ssettag $0x1  }
0x1: {  	s11 =	rddreg [dreg:$0x0]  }
0x2: {  	s0 =	rddreg [dreg:$0x1];
	s1 =	srdreg.scid  }
0x3: {  	s10 =	stileid.u32;
	s26 =	rddreg [dreg:$0x2]  }
0x4: {  	s4 =	simm.s32 $0x0;
	s12 =	simm.s32 $0x2800;
	s17 =	smul.u32 $0x320, s10  }
0x5: {  	s13 =	simm.s32 $0x180;
	s1 =	sand.u32 $0x1, s1;
	s21 =	smul.u32 $0x320000, s10  }
0x6: {  	s28 =	simm.s32 $0x480;
	s2 =	sshll.u32 s10, $0x1;
	s18 =	smul.u32 $0x190, s1  }
0x7: {  	s2 =	sor.u32 s1, s2;
	s6 =	ssub.s32 $0x2, s1;
	s1 =	smul.u32 $0x190000, s1  }
0x8: {  	s29 =	simm.s32 $0x9800;
	s31 =	simm.s32 $0x500;
	s3 =	smul.u32 $0x190, s2  }
0x9: {  	s30 =	simm.s32 $0xA800;
	[smem:$0x7FF] =	sst s4;
	s7 =	smul.u32 $0x1900, s2  }
0xa: {  	s5 =	sadd.s32 $0xF42C00, s0;
	s10 =	simm.s32 $0x1800;
	s9 =	smul.u32 $0x32000, s2  }
0xb: {  	_ =	strace $0x80000047;
	s14 =	sshrl.u32 s6, $0x1;
	s2 =	smul.u32 $0xC800, s2  }
0xc: {  	s0 =	ssub.s32 s6, s14;
	s22 =	sadd.s32 s1, s21;
	s14 =	simm.s32 $0x3800  }
0xd: {  	s21 =	simm.s32 $0x380;
	s3 =	sor.u32 $0x8, s3;
	s15 =	sadd.s32 s11, s7  }
0xe: {  	s8 =	sadd.s32 $0x800, s2;
	s19 =	sadd.s32 s26, s9;
	s2 =	sadd.s32 s18, s17  }
0xf: {  	s0 =	smax.u32 s0, $0x1;
	s9 =	smov.u32 s11;
	s17 =	simm.s32 $0x80  }
0x10: {  	s18 =	simm.s32 $0x800;
	s7 =	simm.s32 $0x8800;
	[dreg:$0x4] =	wrdreg s15  }
0x11: {  	s16 =	sshll.u32 s3, $0x4;
	[dreg:$0x6] =	wrdreg s19;
	s20 =	sshrl.u32 s8, $0x3  }
0x12: {  	s3 =	sshll.u32 s3, $0x9;
	s2 =	sadd.s32 $0x18, s2;
	[dreg:$0x9] =	wrdreg s0  }
0x13: {  	s0 =	sadd.s32 $0x10000, s22;
	s15 =	simm.s32 $0x280;
	s19 =	simm.s32 $0x300  }
0x14: {  	s22 =	simm.s32 $0x7800;
	s6 =	sadd.s32 s11, s16;
	s3 =	sadd.s32 s26, s3  }
0x15: {  	s23 =	sshrl.u32 s2, $0x3;
	[dreg:$0xa] =	wrdreg s0;
	s16 =	simm.s32 $0x5800  }
0x16: {  	s2 =	simm.s32 $0x0;
	[dreg:$0x5] =	wrdreg s6;
	s6 =	sadd.s32 s11, s20  }
0x17: {  	[dreg:$0x8] =	wrdreg s3;
	s24 =	sshll.u32 s23, $0xC;
	s1 =	sshll.u32 s23, $0x7  }
0x18: {  	s3 =	simm.s32 $0x4800;
	s20 =	simm.s32 $0x6800;
	[dreg:$0xd] =	wrdreg s2  }
0x19: {  	s23 =	simm.s32 $0x3;
	[dreg:$0x7] =	wrdreg s6;
	s0 =	sadd.s32 s24, s26  }
0x1a: {  	s25 =	sadd.s32 s1, s11;
	s11 =	simm.s32 $0x100;
	s1 =	simm.s32 $0x200  }
0x1b: {  	s6 =	simm.s32 $0x1;
	s24 =	simm.s32 $0x2;
	[dreg:$0xb] =	wrdreg s0  }
0x1c: {  	[dreg:$0xc] =	wrdreg s25;
	s0 =	simm.s32 $0x400;
	s25 =	simm.s32 $0x4  }
.LBB2_1:
0x1d: {  	s2 =	rddreg [dreg:$0x4]  }
0x1e: {  	[tilespmem:s4], [sflag:$0x5] =	stream.linear.gather [hbm4b:s2+s4], $0x400, $0x38;
	[tilespmem:$0x10800] =	vst v63  }
0x1f: {  	s2 =	simm.s32 $0x5  }
0x20: {  	_ =	swait.ge [sflag:s2], $0x400  }
0x21: {  	[sflag:s2] =	ssyncset.done $0x0  }
0x22: {  	[sflag:s2] =	ssyncadd.s32 $0xFFFFFC00  }
0x23: {  	[tilespmem:s18], [sflag:$0x2] =	stream.indirect.gather [hbm4b:s5+s17], $0x20, s4, s17, $0xb8;
	[tilespmem:$0x10800] =	vst v63  }
0x24: {  	_ = 	snop  }
0x25: {  	[tilespmem:s10], [sflag:$0x2] =	stream.indirect.gather [hbm4b:s5+s17], $0x20, s17, s17, $0xb8;
	[tilespmem:$0x10800] =	vst v63  }
0x26: {  	_ = 	snop  }
0x27: {  	[tilespmem:s12], [sflag:$0x2] =	stream.indirect.gather [hbm4b:s5+s17], $0x20, s11, s17, $0xb8;
	[tilespmem:$0x10800] =	vst v63  }
0x28: {  	_ = 	snop  }
0x29: {  	[tilespmem:s14], [sflag:$0x2] =	stream.indirect.gather [hbm4b:s5+s17], $0x20, s13, s17, $0xb8;
	[tilespmem:$0x10800] =	vst v63  }
0x2a: {  	_ = 	snop  }
0x2b: {  	[tilespmem:s3], [sflag:$0x2] =	stream.indirect.gather [hbm4b:s5+s17], $0x20, s1, s17, $0xb8;
	[tilespmem:$0x10800] =	vst v63  }
0x2c: {  	_ = 	snop  }
0x2d: {  	[tilespmem:s16], [sflag:$0x2] =	stream.indirect.gather [hbm4b:s5+s17], $0x20, s15, s17, $0xb8;
	[tilespmem:$0x10800] =	vst v63  }
0x2e: {  	_ = 	snop  }
0x2f: {  	[tilespmem:s20], [sflag:$0x2] =	stream.indirect.gather [hbm4b:s5+s17], $0x20, s19, s17, $0xb8;
	[tilespmem:$0x10800] =	vst v63  }
0x30: {  	_ = 	snop  }
0x31: {  	[tilespmem:s22], [sflag:$0x2] =	stream.indirect.gather [hbm4b:s5+s17], $0x20, s21, s17, $0xb8;
	[tilespmem:$0x10800] =	vst v63  }
0x32: {  	s2 =	rddreg [dreg:$0x5]  }
0x33: {  	[tilespmem:s0], [sflag:$0x1] =	stream.linear.gather [hbm4b:s2+s4], $0x400, $0x38;
	[tilespmem:$0x10800] =	vst v63  }
0x34: {  	_ =	swait.ge [sflag:s24], $0x1000  }
0x35: {  	[sflag:s24] =	ssyncset.done $0x0  }
0x36: {  	[sflag:s24] =	ssyncadd.s32 $0xFFFFF000  }
0x37: {  	_ =	swait.ge [sflag:s24], $0x1000  }
0x38: {  	[sflag:s24] =	ssyncset.done $0x0  }
0x39: {  	[sflag:s24] =	ssyncadd.s32 $0xFFFFF000  }
0x3a: {  	_ =	swait.ge [sflag:s24], $0x1000  }
0x3b: {  	[sflag:s24] =	ssyncset.done $0x0  }
0x3c: {  	[sflag:s24] =	ssyncadd.s32 $0xFFFFF000  }
0x3d: {  	_ =	swait.ge [sflag:s24], $0x1000  }
0x3e: {  	[sflag:s24] =	ssyncset.done $0x0  }
0x3f: {  	[sflag:s24] =	ssyncadd.s32 $0xFFFFF000  }
0x40: {  	_ =	swait.ge [sflag:s24], $0x1000  }
0x41: {  	[sflag:s24] =	ssyncset.done $0x0  }
0x42: {  	[sflag:s24] =	ssyncadd.s32 $0xFFFFF000  }
0x43: {  	_ =	swait.ge [sflag:s24], $0x1000  }
0x44: {  	[sflag:s24] =	ssyncset.done $0x0  }
0x45: {  	[sflag:s24] =	ssyncadd.s32 $0xFFFFF000  }
0x46: {  	_ =	swait.ge [sflag:s24], $0x1000  }
0x47: {  	[sflag:s24] =	ssyncset.done $0x0  }
0x48: {  	[sflag:s24] =	ssyncadd.s32 $0xFFFFF000  }
0x49: {  	_ =	swait.ge [sflag:s24], $0x1000  }
0x4a: {  	[sflag:s24] =	ssyncset.done $0x0  }
0x4b: {  	s2 =	rddreg [dreg:$0x6];
	[sflag:s24] =	ssyncadd.s32 $0xFFFFF000  }
0x4c: {  	[hbm4b:s2+s4] =	stream.linear.scatter [tilespmem:s18], [sflag:$0x3], $0x8000, $0x38;
	[tilespmem:$0x10800] =	vst v63  }
0x4d: {  	_ =	swait.ge [sflag:s6], $0x400  }
0x4e: {  	[sflag:s6] =	ssyncset.done $0x0  }
0x4f: {  	[sflag:s6] =	ssyncadd.s32 $0xFFFFFC00  }
0x50: {  	[tilespmem:s7], [sflag:$0x2] =	stream.indirect.gather [hbm4b:s5+s17], $0x20, s0, s17, $0xb8;
	[tilespmem:$0x10800] =	vst v63  }
0x51: {  	_ = 	snop  }
0x52: {  	[tilespmem:s29], [sflag:$0x2] =	stream.indirect.gather [hbm4b:s5+s17], $0x20, s28, s17, $0xb8;
	[tilespmem:$0x10800] =	vst v63  }
0x53: {  	_ = 	snop  }
0x54: {  	[tilespmem:s30], [sflag:$0x2] =	stream.indirect.gather [hbm4b:s5+s17], $0x20, s31, s17, $0xb8;
	[tilespmem:$0x10800] =	vst v63  }
0x55: {  	s2 =	simm.s32 $0x580;
	s30 =	simm.s32 $0xB800  }
0x56: {  	[tilespmem:s30], [sflag:$0x2] =	stream.indirect.gather [hbm4b:s5+s17], $0x20, s2, s17, $0xb8;
	[tilespmem:$0x10800] =	vst v63  }
0x57: {  	s2 =	simm.s32 $0x600;
	s30 =	simm.s32 $0xC800  }
0x58: {  	[tilespmem:s30], [sflag:$0x2] =	stream.indirect.gather [hbm4b:s5+s17], $0x20, s2, s17, $0xb8;
	[tilespmem:$0x10800] =	vst v63  }
0x59: {  	s2 =	simm.s32 $0x680;
	s30 =	simm.s32 $0xD800  }
0x5a: {  	[tilespmem:s30], [sflag:$0x2] =	stream.indirect.gather [hbm4b:s5+s17], $0x20, s2, s17, $0xb8;
	[tilespmem:$0x10800] =	vst v63  }
0x5b: {  	s2 =	simm.s32 $0x700;
	s30 =	simm.s32 $0xE800  }
0x5c: {  	[tilespmem:s30], [sflag:$0x2] =	stream.indirect.gather [hbm4b:s5+s17], $0x20, s2, s17, $0xb8;
	[tilespmem:$0x10800] =	vst v63  }
0x5d: {  	s2 =	simm.s32 $0x780;
	s30 =	simm.s32 $0xF800  }
0x5e: {  	[tilespmem:s30], [sflag:$0x2] =	stream.indirect.gather [hbm4b:s5+s17], $0x20, s2, s17, $0xb8;
	[tilespmem:$0x10800] =	vst v63  }
0x5f: {  	s2 =	rddreg [dreg:$0x7]  }
0x60: {  	[tilespmem:s4], [sflag:$0x1] =	stream.linear.gather [hbm4b:s2+s4], $0x400, $0x38;
	[tilespmem:$0x10800] =	vst v63  }
0x61: {  	_ =	swait.ge [sflag:s24], $0x1000  }
0x62: {  	[sflag:s24] =	ssyncset.done $0x0  }
0x63: {  	[sflag:s24] =	ssyncadd.s32 $0xFFFFF000  }
0x64: {  	_ =	swait.ge [sflag:s24], $0x1000  }
0x65: {  	[sflag:s24] =	ssyncset.done $0x0  }
0x66: {  	[sflag:s24] =	ssyncadd.s32 $0xFFFFF000  }
0x67: {  	_ =	swait.ge [sflag:s24], $0x1000  }
0x68: {  	[sflag:s24] =	ssyncset.done $0x0  }
0x69: {  	[sflag:s24] =	ssyncadd.s32 $0xFFFFF000  }
0x6a: {  	_ =	swait.ge [sflag:s24], $0x1000  }
0x6b: {  	[sflag:s24] =	ssyncset.done $0x0  }
0x6c: {  	[sflag:s24] =	ssyncadd.s32 $0xFFFFF000  }
0x6d: {  	_ =	swait.ge [sflag:s24], $0x1000  }
0x6e: {  	[sflag:s24] =	ssyncset.done $0x0  }
0x6f: {  	[sflag:s24] =	ssyncadd.s32 $0xFFFFF000  }
0x70: {  	_ =	swait.ge [sflag:s24], $0x1000  }
0x71: {  	[sflag:s24] =	ssyncset.done $0x0  }
0x72: {  	[sflag:s24] =	ssyncadd.s32 $0xFFFFF000  }
0x73: {  	_ =	swait.ge [sflag:s24], $0x1000  }
0x74: {  	[sflag:s24] =	ssyncset.done $0x0  }
0x75: {  	[sflag:s24] =	ssyncadd.s32 $0xFFFFF000  }
0x76: {  	_ =	swait.ge [sflag:s24], $0x1000  }
0x77: {  	[sflag:s24] =	ssyncset.done $0x0  }
0x78: {  	s2 =	rddreg [dreg:$0x8];
	[sflag:s24] =	ssyncadd.s32 $0xFFFFF000  }
0x79: {  	[hbm4b:s2+s4] =	stream.linear.scatter [tilespmem:s7], [sflag:$0x4], $0x8000, $0x38;
	[tilespmem:$0x10800] =	vst v63  }
0x7a: {  	_ =	swait.ge [sflag:s6], $0x400  }
0x7b: {  	[sflag:s6] =	ssyncset.done $0x0  }
0x7c: {  	[sflag:s6] =	ssyncadd.s32 $0xFFFFFC00  }
0x7d: {  	_ =	swait.ge [sflag:s23], $0x8000  }
0x7e: {  	[sflag:s23] =	ssyncset.done $0x0  }
0x7f: {  	[sflag:s23] =	ssyncadd.s32 $0xFFFF8000  }
0x80: {  	[tilespmem:s18], [sflag:$0x2] =	stream.indirect.gather [hbm4b:s5+s17], $0x20, s4, s17, $0xb8;
	[tilespmem:$0x10800] =	vst v63  }
0x81: {  	_ = 	snop  }
0x82: {  	[tilespmem:s10], [sflag:$0x2] =	stream.indirect.gather [hbm4b:s5+s17], $0x20, s17, s17, $0xb8;
	[tilespmem:$0x10800] =	vst v63  }
0x83: {  	_ = 	snop  }
0x84: {  	[tilespmem:s12], [sflag:$0x2] =	stream.indirect.gather [hbm4b:s5+s17], $0x20, s11, s17, $0xb8;
	[tilespmem:$0x10800] =	vst v63  }
0x85: {  	_ = 	snop  }
0x86: {  	[tilespmem:s14], [sflag:$0x2] =	stream.indirect.gather [hbm4b:s5+s17], $0x20, s13, s17, $0xb8;
	[tilespmem:$0x10800] =	vst v63  }
0x87: {  	_ = 	snop  }
0x88: {  	[tilespmem:s3], [sflag:$0x2] =	stream.indirect.gather [hbm4b:s5+s17], $0x20, s1, s17, $0xb8;
	[tilespmem:$0x10800] =	vst v63  }
0x89: {  	_ = 	snop  }
0x8a: {  	[tilespmem:s16], [sflag:$0x2] =	stream.indirect.gather [hbm4b:s5+s17], $0x20, s15, s17, $0xb8;
	[tilespmem:$0x10800] =	vst v63  }
0x8b: {  	_ = 	snop  }
0x8c: {  	[tilespmem:s20], [sflag:$0x2] =	stream.indirect.gather [hbm4b:s5+s17], $0x20, s19, s17, $0xb8;
	[tilespmem:$0x10800] =	vst v63  }
0x8d: {  	_ = 	snop  }
0x8e: {  	[tilespmem:s22], [sflag:$0x2] =	stream.indirect.gather [hbm4b:s5+s17], $0x20, s21, s17, $0xb8;
	[tilespmem:$0x10800] =	vst v63  }
0x8f: {  	s10 =	rddreg [dreg:$0xc]  }
0x90: {  	[tilespmem:s0], [sflag:$0x1] =	stream.linear.gather [hbm4b:s10+s4], $0x400, $0x38;
	[tilespmem:$0x10800] =	vst v63  }
0x91: {  	_ =	swait.ge [sflag:s24], $0x1000  }
0x92: {  	[sflag:s24] =	ssyncset.done $0x0  }
0x93: {  	[sflag:s24] =	ssyncadd.s32 $0xFFFFF000  }
0x94: {  	_ =	swait.ge [sflag:s24], $0x1000  }
0x95: {  	[sflag:s24] =	ssyncset.done $0x0  }
0x96: {  	[sflag:s24] =	ssyncadd.s32 $0xFFFFF000  }
0x97: {  	_ =	swait.ge [sflag:s24], $0x1000  }
0x98: {  	[sflag:s24] =	ssyncset.done $0x0  }
0x99: {  	[sflag:s24] =	ssyncadd.s32 $0xFFFFF000  }
0x9a: {  	_ =	swait.ge [sflag:s24], $0x1000  }
0x9b: {  	[sflag:s24] =	ssyncset.done $0x0  }
0x9c: {  	[sflag:s24] =	ssyncadd.s32 $0xFFFFF000  }
0x9d: {  	_ =	swait.ge [sflag:s24], $0x1000  }
0x9e: {  	[sflag:s24] =	ssyncset.done $0x0  }
0x9f: {  	[sflag:s24] =	ssyncadd.s32 $0xFFFFF000  }
0xa0: {  	_ =	swait.ge [sflag:s24], $0x1000  }
0xa1: {  	[sflag:s24] =	ssyncset.done $0x0  }
0xa2: {  	[sflag:s24] =	ssyncadd.s32 $0xFFFFF000  }
0xa3: {  	_ =	swait.ge [sflag:s24], $0x1000  }
0xa4: {  	[sflag:s24] =	ssyncset.done $0x0  }
0xa5: {  	[sflag:s24] =	ssyncadd.s32 $0xFFFFF000  }
0xa6: {  	_ =	swait.ge [sflag:s24], $0x1000  }
0xa7: {  	s30 =	rddreg [dreg:$0xa]  }
0xa8: {  	[sflag:s24] =	ssyncset.done $0x0;
	s22 =	sshrl.u32 s30, $0x3  }
0xa9: {  	[sflag:s24] =	ssyncadd.s32 $0xFFFFF000;
	s2 =	sadd.s32 s26, s22  }
0xaa: {  	[hbm4b:s2+s4] =	stream.linear.scatter [tilespmem:s18], [sflag:$0x3], $0x8000, $0x38;
	[tilespmem:$0x10800] =	vst v63  }
0xab: {  	_ =	swait.ge [sflag:s6], $0x400  }
0xac: {  	[sflag:s6] =	ssyncset.done $0x0  }
0xad: {  	[sflag:s6] =	ssyncadd.s32 $0xFFFFFC00  }
0xae: {  	_ =	swait.ge [sflag:s25], $0x8000  }
0xaf: {  	[sflag:s25] =	ssyncset.done $0x0  }
0xb0: {  	[sflag:s25] =	ssyncadd.s32 $0xFFFF8000  }
0xb1: {  	[tilespmem:s7], [sflag:$0x2] =	stream.indirect.gather [hbm4b:s5+s17], $0x20, s0, s17, $0xb8;
	[tilespmem:$0x10800] =	vst v63  }
0xb2: {  	_ = 	snop  }
0xb3: {  	[tilespmem:s29], [sflag:$0x2] =	stream.indirect.gather [hbm4b:s5+s17], $0x20, s28, s17, $0xb8;
	[tilespmem:$0x10800] =	vst v63  }
0xb4: {  	s21 =	simm.s32 $0xA800  }
0xb5: {  	[tilespmem:s21], [sflag:$0x2] =	stream.indirect.gather [hbm4b:s5+s17], $0x20, s31, s17, $0xb8;
	[tilespmem:$0x10800] =	vst v63  }
0xb6: {  	s11 =	simm.s32 $0xB800;
	s3 =	simm.s32 $0x580  }
0xb7: {  	[tilespmem:s11], [sflag:$0x2] =	stream.indirect.gather [hbm4b:s5+s17], $0x20, s3, s17, $0xb8;
	[tilespmem:$0x10800] =	vst v63  }
0xb8: {  	s12 =	smin.u32 s24, $0x2F;
	s13 =	simm.s32 $0x600;
	s14 =	simm.s32 $0xC800  }
0xb9: {  	[tilespmem:s14], [sflag:$0x2] =	stream.indirect.gather [hbm4b:s5+s17], $0x20, s13, s17, $0xb8;
	[tilespmem:$0x10800] =	vst v63  }
0xba: {  	s15 =	simm.s32 $0x680;
	s16 =	simm.s32 $0xD800;
	s2 =	sshll.u32 s12, $0xA  }
0xbb: {  	[tilespmem:s16], [sflag:$0x2] =	stream.indirect.gather [hbm4b:s5+s17], $0x20, s15, s17, $0xb8;
	[tilespmem:$0x10800] =	vst v63  }
0xbc: {  	s19 =	simm.s32 $0x700;
	s20 =	simm.s32 $0xE800;
	s2 =	sadd.s32 s2, s8  }
0xbd: {  	[tilespmem:s20], [sflag:$0x2] =	stream.indirect.gather [hbm4b:s5+s17], $0x20, s19, s17, $0xb8;
	[tilespmem:$0x10800] =	vst v63  }
0xbe: {  	s22 =	simm.s32 $0xF800;
	s2 =	sshrl.u32 s2, $0x3;
	s21 =	simm.s32 $0x780  }
0xbf: {  	[tilespmem:s22], [sflag:$0x2] =	stream.indirect.gather [hbm4b:s5+s17], $0x20, s21, s17, $0xb8;
	[tilespmem:$0x10800] =	vst v63  }
0xc0: {  	s2 =	sadd.s32 s9, s2  }
0xc1: {  	[tilespmem:s4], [sflag:$0x1] =	stream.linear.gather [hbm4b:s2+s4], $0x400, $0x38;
	[tilespmem:$0x10800] =	vst v63  }
0xc2: {  	_ =	swait.ge [sflag:s24], $0x1000  }
0xc3: {  	[sflag:s24] =	ssyncset.done $0x0  }
0xc4: {  	[sflag:s24] =	ssyncadd.s32 $0xFFFFF000  }
0xc5: {  	_ =	swait.ge [sflag:s24], $0x1000  }
0xc6: {  	[sflag:s24] =	ssyncset.done $0x0  }
0xc7: {  	[sflag:s24] =	ssyncadd.s32 $0xFFFFF000  }
0xc8: {  	_ =	swait.ge [sflag:s24], $0x1000  }
0xc9: {  	[sflag:s24] =	ssyncset.done $0x0  }
0xca: {  	[sflag:s24] =	ssyncadd.s32 $0xFFFFF000  }
0xcb: {  	_ =	swait.ge [sflag:s24], $0x1000  }
0xcc: {  	[sflag:s24] =	ssyncset.done $0x0  }
0xcd: {  	[sflag:s24] =	ssyncadd.s32 $0xFFFFF000  }
0xce: {  	_ =	swait.ge [sflag:s24], $0x1000  }
0xcf: {  	[sflag:s24] =	ssyncset.done $0x0  }
0xd0: {  	s1 =	simm.s32 $0x500;
	[sflag:s24] =	ssyncadd.s32 $0xFFFFF000  }
0xd1: {  	s12 =	simm.s32 $0xE800;
	s29 =	sadd.s32 $0x100, s10;
	_ =	swait.ge [sflag:s24], $0x1000  }
0xd2: {  	s3 =	simm.s32 $0xF800;
	s11 =	smov.u32 s26;
	[sflag:s24] =	ssyncset.done $0x0  }
0xd3: {  	s26 =	simm.s32 $0x4;
	s13 =	simm.s32 $0x7800;
	[sflag:s24] =	ssyncadd.s32 $0xFFFFF000  }
0xd4: {  	s14 =	simm.s32 $0x9800;
	s16 =	simm.s32 $0x100;
	_ =	swait.ge [sflag:s24], $0x1000  }
0xd5: {  	s15 =	simm.s32 $0x480;
	s19 =	simm.s32 $0x780;
	s28 =	rddreg [dreg:$0xb]  }
0xd6: {  	s20 =	simm.s32 $0x5800;
	s22 =	simm.s32 $0x6800;
	s31 =	smov.u32 s28  }
.LBB2_2:
0xd7: {  	[sflag:s24] =	ssyncset.done $0x0  }
0xd8: {  	s30 =	sadd.s32 $0x10000, s30;
	s31 =	sadd.s32 $0x2000, s31;
	s2 =	smov.u32 s26  }
0xd9: {  	p0 =	sne.s32 s26, $0x30;
	s26 =	sadd.s32 $0x2, s26;
	[sflag:s24] =	ssyncadd.s32 $0xFFFFF000  }
0xda: {  	_ =	swait.ge [sflag:s24], $0x1000  }
0xdb: {  	[sflag:s24] =	ssyncset.done $0x0  }
0xdc: {  	[sflag:s24] =	ssyncadd.s32 $0xFFFFF000  }
0xdd: {  	[hbm4b:s28+s4] =	stream.linear.scatter [tilespmem:s7], [sflag:$0x4], $0x8000, $0x38;
	[tilespmem:$0x10800] =	vst v63  }
0xde: {  	s28 =	smov.u32 s31;
	_ =	swait.ge [sflag:s6], $0x400  }
0xdf: {  	[sflag:s6] =	ssyncset.done $0x0  }
0xe0: {  	[sflag:s6] =	ssyncadd.s32 $0xFFFFFC00  }
0xe1: {  	_ =	swait.ge [sflag:s23], $0x8000  }
0xe2: {  	[sflag:s23] =	ssyncset.done $0x0  }
0xe3: {  	[sflag:s23] =	ssyncadd.s32 $0xFFFF8000  }
0xe4: {  	[tilespmem:s18], [sflag:$0x2] =	stream.indirect.gather [hbm4b:s5+s17], $0x20, s4, s17, $0xb8;
	[tilespmem:$0x10800] =	vst v63  }
0xe5: {  	s10 =	simm.s32 $0x1800  }
0xe6: {  	[tilespmem:s10], [sflag:$0x2] =	stream.indirect.gather [hbm4b:s5+s17], $0x20, s17, s17, $0xb8;
	[tilespmem:$0x10800] =	vst v63  }
0xe7: {  	s10 =	simm.s32 $0x2800  }
0xe8: {  	[tilespmem:s10], [sflag:$0x2] =	stream.indirect.gather [hbm4b:s5+s17], $0x20, s16, s17, $0xb8;
	[tilespmem:$0x10800] =	vst v63  }
0xe9: {  	s21 =	simm.s32 $0x3800;
	s10 =	simm.s32 $0x180  }
0xea: {  	[tilespmem:s21], [sflag:$0x2] =	stream.indirect.gather [hbm4b:s5+s17], $0x20, s10, s17, $0xb8;
	[tilespmem:$0x10800] =	vst v63  }
0xeb: {  	s10 =	simm.s32 $0x200;
	s21 =	simm.s32 $0x4800  }
0xec: {  	[tilespmem:s21], [sflag:$0x2] =	stream.indirect.gather [hbm4b:s5+s17], $0x20, s10, s17, $0xb8;
	[tilespmem:$0x10800] =	vst v63  }
0xed: {  	s10 =	simm.s32 $0x280  }
0xee: {  	[tilespmem:s20], [sflag:$0x2] =	stream.indirect.gather [hbm4b:s5+s17], $0x20, s10, s17, $0xb8;
	[tilespmem:$0x10800] =	vst v63  }
0xef: {  	s10 =	simm.s32 $0x300  }
0xf0: {  	[tilespmem:s22], [sflag:$0x2] =	stream.indirect.gather [hbm4b:s5+s17], $0x20, s10, s17, $0xb8;
	[tilespmem:$0x10800] =	vst v63  }
0xf1: {  	s10 =	simm.s32 $0x380  }
0xf2: {  	[tilespmem:s13], [sflag:$0x2] =	stream.indirect.gather [hbm4b:s5+s17], $0x20, s10, s17, $0xb8;
	[tilespmem:$0x10800] =	vst v63  }
0xf3: {  	_ = 	snop  }
0xf4: {  	[tilespmem:s0], [sflag:$0x1] =	stream.linear.gather [hbm4b:s29+s4], $0x400, $0x38;
	[tilespmem:$0x10800] =	vst v63  }
0xf5: {  	_ =	swait.ge [sflag:s24], $0x1000  }
0xf6: {  	[sflag:s24] =	ssyncset.done $0x0  }
0xf7: {  	[sflag:s24] =	ssyncadd.s32 $0xFFFFF000  }
0xf8: {  	_ =	swait.ge [sflag:s24], $0x1000  }
0xf9: {  	[sflag:s24] =	ssyncset.done $0x0  }
0xfa: {  	[sflag:s24] =	ssyncadd.s32 $0xFFFFF000  }
0xfb: {  	_ =	swait.ge [sflag:s24], $0x1000  }
0xfc: {  	[sflag:s24] =	ssyncset.done $0x0  }
0xfd: {  	[sflag:s24] =	ssyncadd.s32 $0xFFFFF000  }
0xfe: {  	_ =	swait.ge [sflag:s24], $0x1000  }
0xff: {  	[sflag:s24] =	ssyncset.done $0x0  }
0x100: {  	[sflag:s24] =	ssyncadd.s32 $0xFFFFF000  }
0x101: {  	_ =	swait.ge [sflag:s24], $0x1000  }
0x102: {  	[sflag:s24] =	ssyncset.done $0x0  }
0x103: {  	[sflag:s24] =	ssyncadd.s32 $0xFFFFF000  }
0x104: {  	_ =	swait.ge [sflag:s24], $0x1000  }
0x105: {  	[sflag:s24] =	ssyncset.done $0x0  }
0x106: {  	[sflag:s24] =	ssyncadd.s32 $0xFFFFF000  }
0x107: {  	s10 =	smov.u32 s9;
	s9 =	sshrl.u32 s30, $0x3;
	_ =	swait.ge [sflag:s24], $0x1000  }
0x108: {  	s9 =	sadd.s32 s11, s9;
	[sflag:s24] =	ssyncset.done $0x0  }
0x109: {  	[sflag:s24] =	ssyncadd.s32 $0xFFFFF000  }
0x10a: {  	_ =	swait.ge [sflag:s24], $0x1000  }
0x10b: {  	[sflag:s24] =	ssyncset.done $0x0  }
0x10c: {  	[sflag:s24] =	ssyncadd.s32 $0xFFFFF000  }
0x10d: {  	[hbm4b:s9+s4] =	stream.linear.scatter [tilespmem:s18], [sflag:$0x3], $0x8000, $0x38;
	[tilespmem:$0x10800] =	vst v63  }
0x10e: {  	s9 =	smov.u32 s10  }
0x10f: {  	_ =	swait.ge [sflag:s6], $0x400  }
0x110: {  	[sflag:s6] =	ssyncset.done $0x0  }
0x111: {  	[sflag:s6] =	ssyncadd.s32 $0xFFFFFC00;
	_ =	sdelay $0x1  }
0x112: {  	_ =	swait.ge [sflag:s25], $0x8000  }
0x113: {  	[sflag:s25] =	ssyncset.done $0x0  }
0x114: {  	[sflag:s25] =	ssyncadd.s32 $0xFFFF8000  }
0x115: {  	[tilespmem:s7], [sflag:$0x2] =	stream.indirect.gather [hbm4b:s5+s17], $0x20, s0, s17, $0xb8;
	[tilespmem:$0x10800] =	vst v63  }
0x116: {  	_ = 	snop  }
0x117: {  	[tilespmem:s14], [sflag:$0x2] =	stream.indirect.gather [hbm4b:s5+s17], $0x20, s15, s17, $0xb8;
	[tilespmem:$0x10800] =	vst v63  }
0x118: {  	s10 =	simm.s32 $0xA800  }
0x119: {  	[tilespmem:s10], [sflag:$0x2] =	stream.indirect.gather [hbm4b:s5+s17], $0x20, s1, s17, $0xb8;
	[tilespmem:$0x10800] =	vst v63  }
0x11a: {  	s21 =	simm.s32 $0xB800;
	s10 =	simm.s32 $0x580  }
0x11b: {  	[tilespmem:s21], [sflag:$0x2] =	stream.indirect.gather [hbm4b:s5+s17], $0x20, s10, s17, $0xb8;
	[tilespmem:$0x10800] =	vst v63  }
0x11c: {  	s2 =	smin.u32 s2, $0x2F;
	s10 =	simm.s32 $0x600;
	s21 =	simm.s32 $0xC800  }
0x11d: {  	[tilespmem:s21], [sflag:$0x2] =	stream.indirect.gather [hbm4b:s5+s17], $0x20, s10, s17, $0xb8;
	[tilespmem:$0x10800] =	vst v63  }
0x11e: {  	s2 =	sshll.u32 s2, $0xA;
	s10 =	simm.s32 $0x680;
	s21 =	simm.s32 $0xD800  }
0x11f: {  	[tilespmem:s21], [sflag:$0x2] =	stream.indirect.gather [hbm4b:s5+s17], $0x20, s10, s17, $0xb8;
	[tilespmem:$0x10800] =	vst v63  }
0x120: {  	s2 =	sadd.s32 s2, s8;
	s10 =	simm.s32 $0x700  }
0x121: {  	[tilespmem:s12], [sflag:$0x2] =	stream.indirect.gather [hbm4b:s5+s17], $0x20, s10, s17, $0xb8;
	[tilespmem:$0x10800] =	vst v63  }
0x122: {  	s2 =	sshrl.u32 s2, $0x3  }
0x123: {  	[tilespmem:s3], [sflag:$0x2] =	stream.indirect.gather [hbm4b:s5+s17], $0x20, s19, s17, $0xb8;
	[tilespmem:$0x10800] =	vst v63  }
0x124: {  	s2 =	sadd.s32 s9, s2  }
0x125: {  	[tilespmem:s4], [sflag:$0x1] =	stream.linear.gather [hbm4b:s2+s4], $0x400, $0x38;
	[tilespmem:$0x10800] =	vst v63  }
0x126: {  	_ =	swait.ge [sflag:s24], $0x1000  }
0x127: {  	[sflag:s24] =	ssyncset.done $0x0  }
0x128: {  	[sflag:s24] =	ssyncadd.s32 $0xFFFFF000  }
0x129: {  	_ =	swait.ge [sflag:s24], $0x1000  }
0x12a: {  	[sflag:s24] =	ssyncset.done $0x0  }
0x12b: {  	[sflag:s24] =	ssyncadd.s32 $0xFFFFF000  }
0x12c: {  	_ =	swait.ge [sflag:s24], $0x1000  }
0x12d: {  	[sflag:s24] =	ssyncset.done $0x0  }
0x12e: {  	[sflag:s24] =	ssyncadd.s32 $0xFFFFF000  }
0x12f: {  	_ =	swait.ge [sflag:s24], $0x1000  }
0x130: {  	[sflag:s24] =	ssyncset.done $0x0  }
0x131: {  	[sflag:s24] =	ssyncadd.s32 $0xFFFFF000  }
0x132: {  	_ =	swait.ge [sflag:s24], $0x1000  }
0x133: {  	[sflag:s24] =	ssyncset.done $0x0  }
.Ltmp0:
0x134: {  	[sflag:s24] =	ssyncadd.s32 $0xFFFFF000;
	(pc) =	sbr.rel @p0 .LBB2_2-.Ltmp0, $4  }
0x135: {  	_ =	swait.ge [sflag:s24], $0x1000  }
0x136: {  	[sflag:s24] =	ssyncset.done $0x0  }
0x137: {  	[sflag:s24] =	ssyncadd.s32 $0xFFFFF000  }
0x138: {  	s29 =	sadd.s32 $0x100, s29;
	_ =	swait.ge [sflag:s24], $0x1000  }
0x139: {  	[sflag:s24] =	ssyncset.done $0x0  }
0x13a: {  	[sflag:s24] =	ssyncadd.s32 $0xFFFFF000  }
0x13b: {  	_ =	swait.ge [sflag:s24], $0x1000  }
0x13c: {  	[sflag:s24] =	ssyncset.done $0x0  }
0x13d: {  	[sflag:s24] =	ssyncadd.s32 $0xFFFFF000  }
0x13e: {  	[hbm4b:s28+s4] =	stream.linear.scatter [tilespmem:s7], [sflag:$0x4], $0x8000, $0x38;
	[tilespmem:$0x10800] =	vst v63  }
0x13f: {  	_ =	swait.ge [sflag:s6], $0x400  }
0x140: {  	[sflag:s6] =	ssyncset.done $0x0  }
0x141: {  	[sflag:s6] =	ssyncadd.s32 $0xFFFFFC00  }
0x142: {  	_ =	swait.ge [sflag:s23], $0x8000  }
0x143: {  	[sflag:s23] =	ssyncset.done $0x0  }
0x144: {  	[sflag:s23] =	ssyncadd.s32 $0xFFFF8000  }
0x145: {  	s26 =	smov.u32 s11;
	s10 =	simm.s32 $0x1800;
	_ =	swait.ge [sflag:s25], $0x8000  }
0x146: {  	s11 =	simm.s32 $0x100;
	s12 =	simm.s32 $0x2800;
	s1 =	rddreg [dreg:$0xd]  }
0x147: {  	s13 =	simm.s32 $0x180;
	s2 =	rddreg [dreg:$0x9];
	s1 =	sadd.s32 $0x1, s1  }
0x148: {  	s14 =	simm.s32 $0x3800;
	s3 =	simm.s32 $0x4800;
	p0 =	sne.s32 s1, s2  }
.Ltmp1:
0x149: {  	s15 =	simm.s32 $0x280;
	s16 =	simm.s32 $0x5800;
	(pc) =	sbr.rel @p0 .LBB2_1-.Ltmp1, $4  }
0x14a: {  	s19 =	simm.s32 $0x300;
	s20 =	simm.s32 $0x6800;
	s21 =	simm.s32 $0x380  }
0x14b: {  	s22 =	simm.s32 $0x7800;
	s29 =	simm.s32 $0x9800;
	s31 =	simm.s32 $0x500  }
0x14c: {  	s30 =	simm.s32 $0xA800;
	s28 =	simm.s32 $0x480;
	[sflag:s25] =	ssyncset.done $0x0  }
0x14d: {  	[sflag:s25] =	ssyncadd.s32 $0xFFFF8000;
	[dreg:$0xd] =	wrdreg s1;
	s1 =	simm.s32 $0x200  }
0x14e: {  	_ =	sfence.sel $0x180000  }
0x14f: {  	[bflag:$0x0] =	sbarrier.arrive $0xFFFF  }
0x150: {  	_ =	strace $0x90000047  }
0x151: {  	s0 =	stileid.u32;
	[bflag:$0x2] =	sbarrier.arrive $0xFFFF  }
0x152: {  	p0 =	sne.s32 s0, $0x0;
	s0 =	rddreg [dreg:$0x3]  }
0x153: {  	s0 =	sadd.s32 @!p0 $0x100000, s0  }
0x154: {  	[sflag:s0] =	ssyncadd.tile.s32 @!p0 $0x1;
	_ =	shalt  }
.Lfunc_end2:
_tile_overlayer_lowered:
.L_overlay_start_2:
0x155: {  	(tag) =	ssettag $0x2  }
0x156: {  	s0 =	rddreg [dreg:$0x0];
	s2 =	stileid.u32  }
0x157: {  	s1 =	rddreg [dreg:$0x1];
	p0 =	sne.s32 s2, $0x0  }
0x158: {  	s3 =	rddreg [dreg:$0x2];
	[bflag:$0x3] =	sbarrier.arrive $0xFFFF;
	s2 =	simm.s32 @!p0 $0x1C05  }
0x159: {  	[timem:s3], [sflag:s2] =	dma.local @!p0 [hbm:s0], s1  }
0x15a: {  	s0 =	simm.s32 @!p0 $0x5  }
0x15b: {  	_ =	swait.ge @!p0 [sflag:s0], s1  }
0x15c: {  	s1 =	ssub.s32 @!p0 $0x0, s1;
	[sflag:s0] =	ssyncset.done @!p0 $0x0  }
0x15d: {  	[sflag:s0] =	ssyncadd.s32 @!p0 s1  }
0x15e: {  	[bflag:$0x3] =	sbarrier.arrive $0xFFFF  }
0x15f: {  	_ =	shalt  }

// kernel: sparse-core-data-format-call.cloned.1.call-start
scs
called_computation_lowered:
.L_overlay_start_0:
0x0: {  	s2 =	sld [smem:$0x3FD9]  }
0x1: {  	s3 =	sld [smem:$0x3FFE];
	_ =	sdelay $0x1  }
0x2: {  	s1 =	srdreg.scid  }
0x3: {  	s0 =	sand.u32 $0x1, s1  }
0x4: {  	s18 =	sshll.u32 s0, $0xA;
	s2 =	sadd.s32 s3, s2  }
0x5: {  	s2 =	sadd.s32 s2, s18  }
0x6: {  	[smem:$0x3FC6] =	sst s2  }
0x7: {  	_ = 	snop  }
0x8: {  	s2 =	sld [smem:$0x3FD0];
	(tm) =	ssettm $0x1  }
0x9: {  	s19 =	sld [smem:$0x3FFB];
	_ =	sdelay $0x3  }
0xa: {  	_ =	strace s19  }
0xb: {  	s3 =	sld [smem:$0x3FFC];
	_ =	sdelay $0x3  }
0xc: {  	_ =	strace s3  }
0xd: {  	s3 =	sld [smem:$0x3FFD];
	_ =	sdelay $0x3  }
0xe: {  	_ =	strace s3  }
0xf: {  	_ =	strace $0x8FFFFFFF  }
0x10: {  	s20 =	sld [smem:$0x3FDB];
	_ =	sdelay $0x1  }
0x11: {  	s4 =	simm.s32 $_scs_section_size  }
0x12: {  	s5 =	simm.s32 $_size__tile_overlayer_lowered;
	s6 =	simm.s32 $_tile_overlayer_lowered  }
0x13: {  	s23 =	simm.s32 $0x1BFF;
	s22 =	sshll.u32 s6, $0x1;
	s3 =	sadd.s32 s4, s20  }
0x14: {  	s7 =	simm.s32 $0x0;
	s21 =	sshll.u32 s5, $0x1;
	s5 =	sadd.s32 s22, s3  }
0x15: {  	[timem:s7], [sflag:s23] =	dma.local [hbm:s5], s21  }
0x16: {  	_ =	swait.ge [sflag:s23], s21  }
0x17: {  	s4 =	ssub.s32 $0x0, s21;
	[sflag:s23] =	ssyncset.done $0x0  }
0x18: {  	[sflag:s23] =	ssyncadd.s32 s4;
	_ =	sdelay $0x1  }
0x19: {  	s24 =	simm.s32 $0x1B8B  }
0x1a: {  	_ =	swait.ge [sflag:s24], $0x1  }
0x1b: {  	[sflag:s24] =	ssyncset.done $0x0  }
0x1c: {  	s26 =	simm.s32 $0x1B8E;
	s25 =	sld [smem:$0x3FFE];
	[sflag:s24] =	ssyncadd.s32 $0xFFFFFFFF  }
0x1d: {  	s27 =	simm.s32 $execute0_lowered;
	[smem:$0x3FD2] =	sst s26  }
0x1e: {  	s5 =	sshll.u32 s27, $0x1;
	_ =	strace $0x80000049;
	[dreg:$0x1] =	wrdreg $0xFFFFFFFF  }
0x1f: {  	s28 =	simm.s32 $_size_execute0_lowered;
	s3 =	sadd.s32 s3, s5;
	[dreg:$0x0] =	wrdreg $0x0  }
0x20: {  	s5 =	sshll.u32 s28, $0x1;
	[dreg:$0x2] =	wrdreg s3  }
0x21: {  	[dreg:$0x3] =	wrdreg s5  }
0x22: {  	[dreg:$0x4] =	wrdreg $0xC0  }
0x23: {  	_ =	task [dreg:s7], $0x5FFFF  }
0x24: {  	[dreg:$0x1] =	wrdreg $0xFFFFFFFF  }
0x25: {  	[dreg:$0x0] =	wrdreg $0x60  }
0x26: {  	[dreg:$0x2] =	wrdreg s25  }
0x27: {  	[dreg:$0x3] =	wrdreg s2  }
0x28: {  	[dreg:$0x4] =	wrdreg $0x9  }
0x29: {  	_ =	task.clear_ibuf [dreg:s7], $0x5FFFF;
	_ =	strace $0x90000049  }
0x2a: {  	s29 =	simm.s32 $0x9;
	_ =	strace $0x8000004B  }
0x2b: {  	_ =	swait.ge [sflag:s29], $0x1  }
0x2c: {  	[sflag:s29] =	ssyncadd.s32 $0xFFFFFFFF  }
0x2d: {  	_ =	strace $0x9000004B  }
0x2e: {  	_ =	sfence  }
0x2f: {  	s30 =	sld [smem:$0x0];
	_ =	sdelay $0x2  }
0x30: {  	s31 =	sshll.u32 s1, $0xD;
	s1 =	sshrl.u32 s1, $0x2  }
0x31: {  	s3 =	sand.u32 $0x4000, s31;
	s1 =	sadd.s32 s1, s30  }
0x32: {  	s0 =	sor.u32 s3, s0;
	s1 =	sshll.u32 s1, $0x11  }
0x33: {  	s0 =	sor.u32 s1, s0  }
0x34: {  	s0 =	sadd.s32 $0x8F2B, s0  }
0x35: {  	[sflag:s0] =	ssyncadd.remote.s32 $0x1  }
0x36: {  	_ =	sfence.sel $0xFFFF  }
0x37: {  	[dreg:$0x0] =	wrdreg $0xFFFFFFFF;
	(pc) =	sbr.abs _section_cstart, $3  }
0x38: {  	[dreg:$0x1] =	wrdreg $0xFFFFFFFF  }
0x39: {  	_ =	task.clear_ibuf [dreg:s7], $0x2FFFF;
	_ =	strace $0x9FFFFFFF  }
0x3a: {  	(tm) =	ssettm $0x7FFFFFFF  }
0x3b: {  	_ =	shalt  }
tec
execute0_lowered:
.L_overlay_start_1:
0x0: {  	(tag) =	ssettag $0x1  }
0x1: {  	s0 =	srdreg.scid  }
0x2: {  	s1 =	sshll.u32 s0, $0x4  }
0x3: {  	s4 =	rddreg [dreg:$0x0];
	s0 =	stileid.u32;
	s1 =	sand.u32 $0x10, s1  }
0x4: {  	s2 =	rddreg [dreg:$0x1];
	s7 =	simm.s32 $0x1;
	s1 =	sor.u32 s0, s1  }
0x5: {  	s8 =	simm.s32 $0x2;
	s11 =	simm.s32 $0x0;
	s3 =	sshll.u32 s1, $0x2  }
0x6: {  	s10 =	simm.s32 $0x0;
	s4 =	sadd.s32 $0x800, s4;
	s6 =	ssub.s32 $0x3200, s3  }
.Ltmp0:
0x7: {  	s1 =	rddreg [dreg:$0x2];
	s5 =	sand.u32 $0x7C, s6;
	(pc) =	sbr.rel .LBB1_1-.Ltmp0, $4  }
0x8: {  	_ =	strace $0x8000004A;
	s9 =	smov.u32 s3;
	p0 =	sne.s32 s5, $0x0  }
0x9: {  	s6 =	sshrl.u32 s6, $0x7;
	s5 =	simm.s32 $0x1;
	s7 =	simm.s32 @!p0 $0x0  }
0xa: {  	[sflag:s5] =	ssyncpa.u1 $0x0;
	p0 =	por $0x0, $0x0;
	s6 =	sadd.s32 s7, s6  }
0xb: {  	[sflag:s8] =	ssyncpa.u1 $0x0;
	s8 =	simm.s32 $0x0;
	s7 =	sadd.s32 $0x1, s6  }
.LBB1_7:
0xc: {  	s13 =	sadd.s32 $0x80, s9  }
0xd: {  	p2 =	sgt.s32 s13, $0x31FF  }
0xe: {  	s13 =	smov.u32 @p2 s3;
	p2 =	sne.s32 s10, s7  }
.Ltmp1:
0xf: {  	p1 =	slt.u32 s10, $0x2;
	(pc) =	sbr.rel @!p2 .LBB1_8-.Ltmp1, $4  }
0x10: {  	s12 =	simm.s32 @!p1 $0x2  }
0x11: {  	s14 =	sadd.s32 $0x1, s10;
	_ =	swait.ge @!p1 [sflag:s12], $0x4000  }
0x12: {  	s11 =	smov.u32 s9;
	p0 =	por !p0, !p0;
	[sflag:s12] =	ssyncset.done @!p1 $0x0  }
0x13: {  	s10 =	smov.u32 s14;
	s9 =	smov.u32 s13;
	[sflag:s12] =	ssyncadd.s32 @!p1 $0xFFFFC000  }
.LBB1_1:
0x14: {  	p1 =	sge.u32 s10, s6  }
0x15: {  	s31 =	sadd.s32 $0xFFFFFFFF, s10;
	s12 =	sxor.u32 @!p1 $0xFFFFFFFF, s10  }
0x16: {  	s13 =	sshll.u32 @!p1 s9, $0xB;
	s14 =	simm.s32 @!p1 $0x20;
	s12 =	sshll.u32 @!p1 s12, $0xE  }
0x17: {  	s15 =	simm.s32 @!p1 $0x80;
	s13 =	sadd.s32 @!p1 s4, s13;
	s12 =	sand.u32 @!p1 $0x4000, s12  }
0x18: {  	[tilespmem:s12], [sflag:$0x1] =	stream.strided.gather @!p1 [hbm4b:s13+s14], $0x4000, s15, s14, $0x38;
	[tilespmem:$0x10100] =	vst v63  }
0x19: {  	p1 =	sge.u32 s31, s6  }
.Ltmp2:
0x1a: {  	_ = 	snop;
	(pc) =	sbr.rel @p1 .LBB1_7-.Ltmp2, $1  }
0x1b: {  	_ =	sdelay $0x3  }
0x1c: {  	s13 =	simm.s32 $0x1;
	s14 =	sand.u32 $0x1, s10  }
0x1d: {  	s13 =	simm.s32 @!p0 $0x0;
	s14 =	smul.u32 $0x10200, s14  }
0x1e: {  	_ =	swait.ge [sflag:s5], $0x4000;
	s12 =	smul.u32 $0x10200, s13  }
0x1f: {  	s15 =	simm.s32 $0x0;
	[sflag:s5] =	ssyncset.done $0x0;
	s13 =	sshll.u32 s13, $0xE  }
0x20: {  	[sflag:s5] =	ssyncadd.s32 $0xFFFFC000;
	s14 =	sshrl.u32 s14, $0x2;
	s12 =	sshrl.u32 s12, $0x2  }
0x21: {  	s13 =	sor.u32 $0x10, s13;
	s14 =	sor.u32 $0x8000, s14;
	s12 =	sor.u32 $0x8000, s12  }
.LBB1_3:
0x22: {  	v1 =	vld [tilespmem:s13+$0x0]  }
0x23: {  	v0 =	vld [tilespmem:s13+$0xFFFFFFF0];
	_ =	sdelay $0x2  }
0x24: {  	s18 =	sadd.s32 $0x0, s12  }
0x25: {  	s16 =	simm.s32 $0x4;
	s17 =	sadd.s32 $0x20, s13;
	[tilespmem:s18+$0x810 ss:$0x81] =	vst.msk $0xffff, v1  }
.LBB1_4:
0x26: {  	v1 =	vld [tilespmem:s17+$0x0];
	p1 =	sne.s32 s16, $0x1FC;
	[tilespmem:s18+$0x0 ss:$0x81] =	vst.msk $0xffff, v0;
	s18 =	smov.u32 s16;
	s16 =	sadd.s32 $0x4, s16  }
.Ltmp3:
0x27: {  	v0 =	vld [tilespmem:s17+$0xFFFFFFF0];
	(pc) =	sbr.rel @p1 .LBB1_4-.Ltmp3, $4  }
0x28: {  	_ = 	snop  }
0x29: {  	s18 =	sshra.s32 s18, $0x2  }
0x2a: {  	s18 =	sadd.s32 s18, s12  }
0x2b: {  	s17 =	sadd.s32 $0x20, s17;
	[tilespmem:s18+$0x810 ss:$0x81] =	vst.msk $0xffff, v1  }
0x2c: {  	s15 =	sadd.s32 $0x1, s15  }
0x2d: {  	p1 =	sne.s32 s15, $0x4  }
.Ltmp4:
0x2e: {  	_ = 	snop;
	(pc) =	sbr.rel @p1 .LBB1_3-.Ltmp4, $2  }
0x2f: {  	_ =	sdelay $0x2  }
0x30: {  	[tilespmem:s18+$0x0 ss:$0x81] =	vst.msk $0xffff, v0;
	s12 =	sadd.s32 $0x1020, s12;
	s13 =	sadd.s32 $0x1000, s13  }
.Ltmp5:
0x31: {  	(pc) =	sbr.rel .LBB1_7-.Ltmp5, $4  }
0x32: {  	_ = 	snop  }
0x33: {  	s11 =	sshll.u32 s11, $0x9  }
0x34: {  	s11 =	sadd.s32 s2, s11  }
0x35: {  	[hbm4b:s11+s8] =	stream.linear.scatter [tilespmem:s14], [sflag:$0x2], $0x4000, $0x20;
	[tilespmem:$0x10100] =	vst v63  }
.LBB1_8:
0x36: {  	_ =	sfence.sel $0x180000  }
0x37: {  	s2 =	simm.s32 $0x1;
	[bflag:$0x0] =	sbarrier.arrive $0xFFFF  }
0x38: {  	s31 =	simm.s32 $0x2;
	[sflag:s2] =	ssyncpa.u1 $0x1  }
0x39: {  	[sflag:s31] =	ssyncpa.u1 $0x1  }
0x3a: {  	p0 =	sne.s32 s0, $0x0;
	_ =	strace $0x9000004A  }
0x3b: {  	s0 =	sadd.s32 @!p0 $0x100000, s1;
	[bflag:$0x2] =	sbarrier.arrive $0xFFFF  }
0x3c: {  	[sflag:s0] =	ssyncadd.tile.s32 @!p0 $0x1;
	_ =	shalt  }
.Lfunc_end1:
_tile_overlayer_lowered:
.L_overlay_start_2:
0x3d: {  	(tag) =	ssettag $0x2  }
0x3e: {  	s0 =	rddreg [dreg:$0x0];
	s2 =	stileid.u32  }
0x3f: {  	s1 =	rddreg [dreg:$0x1];
	p0 =	sne.s32 s2, $0x0  }
0x40: {  	s3 =	rddreg [dreg:$0x2];
	[bflag:$0x3] =	sbarrier.arrive $0xFFFF;
	s2 =	simm.s32 @!p0 $0x1C01  }
0x41: {  	[timem:s3], [sflag:s2] =	dma.local @!p0 [hbm:s0], s1  }
0x42: {  	s0 =	simm.s32 @!p0 $0x1  }
0x43: {  	_ =	swait.ge @!p0 [sflag:s0], s1  }
0x44: {  	s1 =	ssub.s32 @!p0 $0x0, s1;
	[sflag:s0] =	ssyncset.done @!p0 $0x0  }
0x45: {  	[sflag:s0] =	ssyncadd.s32 @!p0 s1  }
0x46: {  	[bflag:$0x3] =	sbarrier.arrive $0xFFFF  }
0x47: {  	_ =	shalt  }

</sc_bundles>
